<compile_context>
chip_gen: v7x
topology: tpu7x:2x2x1
jax: 0.10.2.dev20260603
libtpu: 0.0.44.dev20260713+nightly
codegen_flags: <defaults>
</compile_context>

<pallas_src>
import functools

import jax
import jax.numpy as jnp
from jax import lax
from jax.experimental import pallas as pl
from jax.experimental.pallas import tpu as pltpu, tpu_sc as plsc

B, N, D = 2, 4096, 64
MID, OUT, S, NS = 32, 64, 8, 16
TW = 128

_TN1 = 2048
_TQ2 = 512
_TQ4 = 128


def _bn_scale_shift(p):
    s = p["w"] / jnp.sqrt(p["v"] + 1e-5)
    return s, p["b"] - p["m"] * s


def _k1_body(p1c_ref, p2c_ref, xyz2_ref, ct11_ref, ct22_ref, qw_ref,
             kw_ref, vw_ref, vecs_ref, p1_ref, xq_ref, tab_ref):
    vecs = vecs_ref[...]

    def col(i, w=D):
        return vecs[i, :w][None, :]

    y1 = jnp.dot(ct11_ref[...], p1c_ref[...],
                 preferred_element_type=jnp.float32)
    y1 = y1 + vecs[0][:, None]
    y1 = y1 * vecs[2][:, None] + vecs[3][:, None]
    y1 = jnp.maximum(y1, 0.0)
    p1 = y1.T
    p1_ref[...] = p1
    xq_ref[...] = jnp.dot(p1, qw_ref[...].T,
                          preferred_element_type=jnp.float32) + col(6, MID)

    y2 = jnp.dot(ct22_ref[...], p2c_ref[...],
                 preferred_element_type=jnp.float32)
    y2 = y2 + vecs[1][:, None]
    y2 = y2 * vecs[4][:, None] + vecs[5][:, None]
    y2 = jnp.maximum(y2, 0.0)
    p2 = y2.T
    xk = jnp.dot(p2, kw_ref[...].T,
                 preferred_element_type=jnp.float32) + col(7, MID)
    xv = jnp.dot(p2, vw_ref[...].T,
                 preferred_element_type=jnp.float32) + col(8, D)
    tab_ref[:, 0:MID] = xk
    tab_ref[:, MID:MID + D] = xv
    tab_ref[:, MID + D:MID + D + 3] = xyz2_ref[...]
    tab_ref[:, MID + D + 3:TW] = jnp.zeros((_TN1, TW - MID - D - 3),
                                           jnp.float32)


def _run_k1(points1, points2, xyz2, P):
    bn1s, bn1sh = _bn_scale_shift(P["bn1"])
    bn2s, bn2sh = _bn_scale_shift(P["bn2"])

    def row(v):
        return jnp.zeros((D,), jnp.float32).at[:v.shape[0]].set(v)

    vecs = jnp.stack([row(P["ct11_b"]), row(P["ct22_b"]), row(bn1s),
                      row(bn1sh), row(bn2s), row(bn2sh), row(P["q_b"]),
                      row(P["k_b"]), row(P["v_b"])])
    grid = (B, N // _TN1)
    full = lambda s: pl.BlockSpec(s, lambda b, t: (0,) * len(s))
    return pl.pallas_call(
        _k1_body,
        grid=grid,
        in_specs=[
            pl.BlockSpec((None, D, _TN1), lambda b, t: (b, 0, t)),
            pl.BlockSpec((None, D, _TN1), lambda b, t: (b, 0, t)),
            pl.BlockSpec((None, _TN1, 3), lambda b, t: (b, t, 0)),
            full((D, D)), full((D, D)), full((MID, D)), full((MID, D)),
            full((D, D)), full((9, D)),
        ],
        out_specs=[
            pl.BlockSpec((None, _TN1, D), lambda b, t: (b, t, 0)),
            pl.BlockSpec((None, _TN1, MID), lambda b, t: (b, t, 0)),
            pl.BlockSpec((None, _TN1, TW), lambda b, t: (b, t, 0)),
        ],
        out_shape=[
            jax.ShapeDtypeStruct((B, N, D), jnp.float32),
            jax.ShapeDtypeStruct((B, N, MID), jnp.float32),
            jax.ShapeDtypeStruct((B, N, TW), jnp.float32),
        ],
    )(points1, points2, xyz2, P["ct11_w"], P["ct22_w"], P["q_w"],
      P["k_w"], P["v_w"], vecs)


def _k2_body(xyz1_ref, xyz2t_ref, idx_ref):
    b = pl.program_id(0)
    x1 = xyz1_ref[...]
    x2 = xyz2t_ref[...]
    x1sq = jnp.sum(x1 * x1, axis=1, keepdims=True) + 0.125
    x2sq = jnp.sum(x2 * x2, axis=0, keepdims=True)
    dot = jnp.dot(x1.astype(jnp.bfloat16), x2.astype(jnp.bfloat16),
                  preferred_element_type=jnp.float32)
    d = x1sq + x2sq - 2.0 * dot
    DEPTH = 4
    lane = lax.broadcasted_iota(jnp.int32, (_TQ2, 128), 1).astype(
        jnp.float32)
    INF = jnp.float32(jnp.inf)
    K = [jnp.full((_TQ2, 128), INF, jnp.float32) for _ in range(DEPTH)]
    for c in range(N // 128):
        ib = lax.bitcast_convert_type(d[:, c * 128:(c + 1) * 128],
                                      jnp.int32)
        x = lax.bitcast_convert_type((ib & ~31) | c, jnp.float32)
        lt = [x < K[k] for k in range(DEPTH)]
        newK = [jnp.where(lt[0], x, K[0])]
        for k in range(1, DEPTH):
            newK.append(jnp.where(lt[k - 1], K[k - 1],
                                  jnp.where(lt[k], x, K[k])))
        K = newK
    cols = []
    for _ in range(NS):
        m = jnp.min(K[0], axis=1, keepdims=True)
        hit = K[0] <= m
        jl = jnp.min(jnp.where(hit, lane, jnp.float32(128)), axis=1,
                     keepdims=True)
        win = hit & (lane == jl)
        chunk = (lax.bitcast_convert_type(m, jnp.int32) & 31).astype(
            jnp.float32)
        cols.append(chunk * 128.0 + jl)
        for k in range(DEPTH - 1):
            K[k] = jnp.where(win, K[k + 1], K[k])
        K[DEPTH - 1] = jnp.where(win, INF, K[DEPTH - 1])
    idx_ref[...] = (jnp.concatenate(cols, axis=1).astype(jnp.int32)
                    + b * N)


def _run_k2(xyz1, xyz2t):
    return pl.pallas_call(
        _k2_body,
        grid=(B, N // _TQ2),
        in_specs=[
            pl.BlockSpec((None, _TQ2, 3), lambda b, t: (b, t, 0)),
            pl.BlockSpec((None, 3, N), lambda b, t: (b, 0, 0)),
        ],
        out_specs=pl.BlockSpec((None, _TQ2, NS), lambda b, t: (b, t, 0)),
        out_shape=jax.ShapeDtypeStruct((B, N, NS), jnp.int32),
    )(xyz1, xyz2t)


_NWORK = 32
_NIDX = B * N * NS
_BPW = _NIDX // _NWORK
_CHUNK = 256


def _sc_gather_body(tab_hbm, idx_hbm, out_hbm, idx_v, rows0, rows1,
                    gs0, gs1, ss0, ss1):
    wid = lax.axis_index("s") * 2 + lax.axis_index("c")
    base = wid * _BPW
    nc = _BPW // _CHUNK
    rows, gs, ss = (rows0, rows1), (gs0, gs1), (ss0, ss1)
    pltpu.sync_copy(idx_hbm.at[pl.ds(base, _BPW)], idx_v)

    def gather(c):
        b = c % 2
        return pltpu.async_copy(
            tab_hbm.at[idx_v.at[pl.ds(c * _CHUNK, _CHUNK)]], rows[b],
            gs[b])

    gd = {0: gather(0), 1: gather(1)}
    sd = {}
    for c in range(nc):
        b = c % 2
        gd[c].wait()
        sd[c] = pltpu.async_copy(
            rows[b], out_hbm.at[pl.ds(base + c * _CHUNK, _CHUNK)], ss[b])
        if c + 2 < nc:
            sd[c].wait()
            gd[c + 2] = gather(c + 2)
    sd[nc - 2].wait()
    sd[nc - 1].wait()


@functools.cache
def _make_sc_gather():
    return pl.kernel(
        _sc_gather_body,
        out_type=jax.ShapeDtypeStruct((_NIDX, TW), jnp.float32),
        mesh=plsc.VectorSubcoreMesh(core_axis_name="c",
                                    subcore_axis_name="s"),
        scratch_types=[
            pltpu.VMEM((_BPW,), jnp.int32),
            pltpu.VMEM((_CHUNK, TW), jnp.float32),
            pltpu.VMEM((_CHUNK, TW), jnp.float32),
            pltpu.SemaphoreType.DMA,
            pltpu.SemaphoreType.DMA,
            pltpu.SemaphoreType.DMA,
            pltpu.SemaphoreType.DMA,
        ],
    )


def _run_sc_gather(tab, idx):
    return _make_sc_gather()(tab, idx)


_R4 = _TQ4 * NS


def _k4_body(g_ref, xq_ref, p1_ref, xyz1_ref, p1wt_ref, pos1wt_ref,
             w0s_ref, wl0t_ref, wl1t_ref, m1t_ref, m2t_ref, t8_ref,
             vecs_ref, out_ref):
    vecs = vecs_ref[...]

    def col(i, w):
        return vecs[i, :w][None, :]

    g = g_ref[...]
    gk = g[:, 0:MID]
    gv = g[:, MID:MID + D]
    gx = g[:, MID + D:MID + D + 3]

    x1 = xyz1_ref[...]
    q3 = jnp.dot(x1, w0s_ref[...],
                 preferred_element_type=jnp.float32) - col(8, 3)
    q64 = p1_ref[...] + col(1, D) - jnp.dot(
        x1, pos1wt_ref[...], preferred_element_type=jnp.float32)
    qcat = jnp.concatenate([xq_ref[...], q64, q3], axis=1)
    QR = jnp.broadcast_to(qcat[:, None, :],
                          (_TQ4, NS, MID + D + 3)).reshape(_R4,
                                                           MID + D + 3)

    pm = jnp.maximum(jnp.dot(gx, w0s_ref[...],
                             preferred_element_type=jnp.float32)
                     - QR[:, MID + D:], 0.0)
    p = jnp.dot(pm, p1wt_ref[...],
                preferred_element_type=jnp.float32) + col(0, D)

    w0 = gk - QR[:, 0:MID] + p[:, 0:MID] + p[:, MID:D]
    w0 = jnp.maximum(w0 * col(6, MID) + col(7, MID), 0.0)
    w1 = jnp.dot(w0, wl0t_ref[...],
                 preferred_element_type=jnp.float32) + col(11, MID // S)
    w1 = jnp.maximum(w1 * col(12, MID // S) + col(13, MID // S), 0.0)
    w2 = jnp.dot(w1, wl1t_ref[...],
                 preferred_element_type=jnp.float32) + col(14, S)

    a = w2.reshape(_TQ4, NS, S)
    mx = jnp.max(a, axis=1, keepdims=True)
    e = jnp.exp(a - mx)
    sm = (e / jnp.sum(e, axis=1, keepdims=True)).reshape(_R4, S)
    wfull = jnp.dot(sm, t8_ref[...],
                    preferred_element_type=jnp.float32)

    x = (gv + p) * wfull
    gp2 = jnp.maximum(x * col(4, D) + col(5, D), 0.0)
    new = jnp.maximum(
        QR[:, MID:MID + D] + gp2
        + jnp.dot(gx, pos1wt_ref[...], preferred_element_type=jnp.float32),
        0.0)
    n1 = jnp.dot(new.astype(jnp.bfloat16),
                 m1t_ref[...].astype(jnp.bfloat16),
                 preferred_element_type=jnp.float32) + col(2, D)
    n1 = jnp.where(n1 > 0, n1, 0.1 * n1)
    n2 = jnp.dot(n1.astype(jnp.bfloat16),
                 m2t_ref[...].astype(jnp.bfloat16),
                 preferred_element_type=jnp.float32) + col(3, D)
    n2 = jnp.where(n2 > 0, n2, 0.1 * n2)
    red = jnp.max(n2.reshape(_TQ4, NS, D), axis=1)
    out_ref[...] = red.T


def _run_k4(G, xq, p1, xyz1, P):
    bnt1s, bnt1sh = _bn_scale_shift(P["bn_t1"])
    wbn0s, wbn0sh = _bn_scale_shift(P["w_bn0"])
    wbn1s, wbn1sh = _bn_scale_shift(P["w_bn1"])
    pbns, pbnsh = _bn_scale_shift(P["p_bn"])
    w0s = P["p0_w"].T * pbns[None, :]
    c0 = P["p0_b"] * pbns + pbnsh

    def row(v):
        return jnp.zeros((D,), jnp.float32).at[:v.shape[0]].set(v)

    vecs = jnp.stack([
        row(P["p1_b"]), row(P["pos1_b"]), row(P["m1_b"]), row(P["m2_b"]),
        row(bnt1s), row(bnt1sh), row(wbn0s), row(wbn0sh),
        row(c0), row(pbns), row(pbnsh), row(P["w_l0_b"]),
        row(wbn1s), row(wbn1sh), row(P["w_l1_b"]),
    ])
    full = lambda s: pl.BlockSpec(s, lambda b, t: (0,) * len(s))
    return pl.pallas_call(
        _k4_body,
        grid=(B, N // _TQ4),
        in_specs=[
            pl.BlockSpec((None, _R4, TW), lambda b, t: (b, t, 0)),
            pl.BlockSpec((None, _TQ4, MID), lambda b, t: (b, t, 0)),
            pl.BlockSpec((None, _TQ4, D), lambda b, t: (b, t, 0)),
            pl.BlockSpec((None, _TQ4, 3), lambda b, t: (b, t, 0)),
            full((3, D)), full((3, D)), full((3, 3)), full((MID, MID // S)),
            full((MID // S, S)), full((D, D)), full((D, D)), full((S, D)),
            full((15, D)),
        ],
        out_specs=pl.BlockSpec((None, D, _TQ4), lambda b, t: (b, 0, t)),
        out_shape=jax.ShapeDtypeStruct((B, D, N), jnp.float32),
    )(G, xq, p1, xyz1, P["p1_w"].T, P["pos1_w"].T, w0s,
      P["w_l0_w"].T, P["w_l1_w"].T, P["m1_w"].T, P["m2_w"].T,
      jnp.tile(jnp.eye(S, dtype=jnp.float32), (1, D // S)), vecs)


def kernel(xyz1, xyz2, points1, points2, params):
    P = params
    p1, xq, tab = _run_k1(points1, points2, xyz2, P)
    idx = _run_k2(xyz1, jnp.swapaxes(xyz2, 1, 2))
    G = _run_sc_gather(tab.reshape(B * N, TW), idx.reshape(_NIDX))
    return _run_k4(G.reshape(B, N * NS, TW), xq, p1, xyz1, P)

# --- scband reference (transcript-rebuilt; emitter-appended) ---
"""Pipeline reference for scband-pt-bn-cross-layer-light-25220047962586 (READ-ONLY COPY).

The authoritative reference and input builder live on the scoring server;
editing this copy changes nothing except your own understanding.
"""

import jax, jax.numpy as jnp
import numpy as np

B, N, D = 2, 4096, 64
MID, OUT, S, NS = 32, 64, 8, 16

def _bnp(c):
    return {"w": jnp.ones((c,), jnp.float32), "b": jnp.zeros((c,), jnp.float32), "m": jnp.zeros((c,), jnp.float32), "v": jnp.ones((c,), jnp.float32)}

def _bn(x, p):
    sh = [1] * x.ndim
    sh[1] = -1
    sh = tuple(sh)
    return (x - p["m"].reshape(sh)) / jnp.sqrt(p["v"].reshape(sh) + 1e-5) * p["w"].reshape(sh) + p["b"].reshape(sh)

def _gather(pts, idx):
    bidx = jnp.arange(pts.shape[0])[:, None, None]
    return pts[bidx, idx]

def setup_inputs():
    ks = jax.random.split(jax.random.key(0), 20)
    def lin(k, o, i):
        return 0.1 * jax.random.normal(k, (o, i), jnp.float32)
    params = {
        "ct11_w": lin(ks[4], D, D), "ct11_b": jnp.zeros((D,), jnp.float32),
        "ct22_w": lin(ks[5], D, D), "ct22_b": jnp.zeros((D,), jnp.float32),
        "bn1": _bnp(D), "bn2": _bnp(D), "bn_t1": _bnp(D),
        "q_w": lin(ks[6], MID, D), "q_b": jnp.zeros((MID,), jnp.float32),
        "k_w": lin(ks[7], MID, D), "k_b": jnp.zeros((MID,), jnp.float32),
        "v_w": lin(ks[8], OUT, D), "v_b": jnp.zeros((OUT,), jnp.float32),
        "p0_w": lin(ks[9], 3, 3), "p0_b": jnp.zeros((3,), jnp.float32), "p_bn": _bnp(3),
        "p1_w": lin(ks[10], OUT, 3), "p1_b": jnp.zeros((OUT,), jnp.float32),
        "w_bn0": _bnp(MID),
        "w_l0_w": lin(ks[11], MID // S, MID), "w_l0_b": jnp.zeros((MID // S,), jnp.float32),
        "w_bn1": _bnp(MID // S),
        "w_l1_w": lin(ks[12], OUT // S, MID // S), "w_l1_b": jnp.zeros((OUT // S,), jnp.float32),
        "pos1_w": lin(ks[13], D, 3), "pos1_b": jnp.zeros((D,), jnp.float32),
        "m1_w": lin(ks[14], D, D), "m1_b": jnp.zeros((D,), jnp.float32),
        "m2_w": lin(ks[15], D, D), "m2_b": jnp.zeros((D,), jnp.float32),
    }
    return {
        "xyz1": jax.random.uniform(ks[0], (B, N, 3), jnp.float32),
        "xyz2": jax.random.uniform(ks[1], (B, N, 3), jnp.float32),
        "points1": 0.1 * jax.random.normal(ks[2], (B, D, N), jnp.float32),
        "points2": 0.1 * jax.random.normal(ks[3], (B, D, N), jnp.float32),
        "params": params,
    }

def _transformer(xyz1, xyz2, p1, p2, P):
    xq = p1 @ P["q_w"].T + P["q_b"]
    xk = p2 @ P["k_w"].T + P["k_b"]
    xv = p2 @ P["v_w"].T + P["v_b"]
    dist = -2.0 * jnp.einsum("bnc,bmc->bnm", xyz1, xyz2)
    dist = dist + jnp.sum(xyz1 ** 2, -1)[..., None] + jnp.sum(xyz2 ** 2, -1)[:, None, :]
    _, idx = jax.lax.top_k(-jax.lax.stop_gradient(dist), NS)
    gxyz = _gather(xyz2, idx) - xyz1[:, :, None, :]
    gk = _gather(xk, idx)
    gv = _gather(xv, idx)
    b, n1 = xyz1.shape[0], xyz1.shape[1]
    n = b * n1
    x_q = xq.reshape(n, MID)
    p_r = gxyz.reshape(n, NS, 3)
    x_k = gk.reshape(n, NS, MID)
    x_v = gv.reshape(n, NS, OUT)
    out_p_r = p_r
    p = p_r @ P["p0_w"].T + P["p0_b"]
    p = jnp.swapaxes(_bn(jnp.swapaxes(p, 1, 2), P["p_bn"]), 1, 2)
    p = jax.nn.relu(p)
    p = p @ P["p1_w"].T + P["p1_b"]
    w = x_k - x_q[:, None, :] + p.reshape(n, NS, OUT // MID, MID).sum(2)
    w = jnp.swapaxes(_bn(jnp.swapaxes(w, 1, 2), P["w_bn0"]), 1, 2)
    w = jax.nn.relu(w)
    w = w @ P["w_l0_w"].T + P["w_l0_b"]
    w = jnp.swapaxes(_bn(jnp.swapaxes(w, 1, 2), P["w_bn1"]), 1, 2)
    w = jax.nn.relu(w)
    w = w @ P["w_l1_w"].T + P["w_l1_b"]
    w = jax.nn.softmax(w, axis=1)
    x = ((x_v + p).reshape(n, NS, S, OUT // S) * w[:, :, None, :]).reshape(n, NS, OUT)
    return x, out_p_r

def _forward(xyz1, xyz2, points1, points2, P):
    p1 = jnp.einsum("oc,bcn->bon", P["ct11_w"], points1) + P["ct11_b"][None, :, None]
    p2 = jnp.einsum("oc,bcn->bon", P["ct22_w"], points2) + P["ct22_b"][None, :, None]
    p1 = jax.nn.relu(jnp.swapaxes(_bn(p1, P["bn1"]), 1, 2))
    p2 = jax.nn.relu(jnp.swapaxes(_bn(p2, P["bn2"]), 1, 2))
    gp2, dxyz = _transformer(xyz1, xyz2, p1, p2, P)
    b, n1 = xyz1.shape[0], xyz1.shape[1]
    dxyz = dxyz.reshape(b, n1, NS, 3).transpose(0, 3, 2, 1)
    dxyz = jnp.einsum("oc,bckn->bokn", P["pos1_w"], dxyz) + P["pos1_b"][None, :, None, None]
    gp2 = jax.nn.relu(jnp.swapaxes(_bn(jnp.swapaxes(gp2, 1, 2), P["bn_t1"]), 1, 2))
    gp2 = gp2.reshape(b, n1, NS, D).transpose(0, 3, 2, 1)
    gp1 = jnp.broadcast_to(jnp.transpose(p1, (0, 2, 1))[:, :, None, :], (b, D, NS, n1))
    new = jax.nn.relu(gp1 + gp2 + dxyz)
    for wk, bk in (("m1_w", "m1_b"), ("m2_w", "m2_b")):
        new = jnp.einsum("oc,bckn->bokn", P[wk], new) + P[bk][None, :, None, None]
        new = jnp.where(new > 0, new, 0.1 * new)
    return jnp.max(new, axis=2)

def reference(xyz1, xyz2, points1, points2, params):
    return _forward(xyz1, xyz2, points1, points2, params)

if __name__ == "__main__":
    import jax
    _d = setup_inputs()
    print(jax.jit(kernel)(*tuple(_d.values())))

</pallas_src>

<mosaic_0001>
#map = affine_map<(d0, d1) -> (0, 0)>
#map1 = affine_map<(d0, d1) -> (0)>
module attributes {stable_mosaic.version = 14 : i64} {
  func.func @_sc_gather_body(%arg0: i32, %arg1: i32, %arg2: memref<8192x128xf32, #tpu.memory_space<hbm>>, %arg3: memref<131072xi32, #tpu.memory_space<hbm>>, %arg4: memref<131072x128xf32, #tpu.memory_space<hbm>>, %arg5: memref<4096xi32, #tpu.memory_space<vmem>>, %arg6: memref<256x128xf32, #tpu.memory_space<vmem>>, %arg7: memref<256x128xf32, #tpu.memory_space<vmem>>, %arg8: memref<!tpu.dma_semaphore, #tpu.memory_space<semaphore_mem>>, %arg9: memref<!tpu.dma_semaphore, #tpu.memory_space<semaphore_mem>>, %arg10: memref<!tpu.dma_semaphore, #tpu.memory_space<semaphore_mem>>, %arg11: memref<!tpu.dma_semaphore, #tpu.memory_space<semaphore_mem>>) attributes {dimension_semantics = [#tpu.dimension_semantics<core_parallel>, #tpu.dimension_semantics<subcore_parallel>], iteration_bounds = array<i64: 2, 16>, scalar_prefetch = 0 : i64, scratch_operands = 7 : i64, tpu.core_type = #tpu.core_type<sc_vector_subcore>, window_params = [{transform_indices = #map}, {transform_indices = #map1}, {transform_indices = #map}]} {
    %mul3A = arith.constant 2 : i32
    %mul3A_0 = arith.muli %arg1, %mul3A : i32
    %add3A = arith.addi %mul3A_0, %arg0 : i32
    %mul3A_1 = arith.constant 4096 : i32
    %mul3A_2 = arith.muli %add3A, %mul3A_1 : i32
    "tpu.region"() ({
      %run_scoped3A = tpu.sem_alloc : memref<!tpu.dma_semaphore, #tpu.memory_space<semaphore_mem>>
      %dma_start3A_321 = tpu.memref_slice %arg3[%mul3A_2] : memref<131072xi32, #tpu.memory_space<hbm>> -> memref<4096xi32, #tpu.memory_space<hbm>>
      %dma_start3A_322 = tpu.memref_slice %arg3[%mul3A_2] : memref<131072xi32, #tpu.memory_space<hbm>> -> memref<4096xi32, #tpu.memory_space<hbm>>
      tpu.enqueue_dma source(%dma_start3A_322 : memref<4096xi32, #tpu.memory_space<hbm>>) target(%arg5 : memref<4096xi32, #tpu.memory_space<vmem>>) target_semaphore(%run_scoped3A : memref<!tpu.dma_semaphore, #tpu.memory_space<semaphore_mem>>)
      %dma_wait3A_323 = tpu.memref_slice %arg3[%mul3A_2] : memref<131072xi32, #tpu.memory_space<hbm>> -> memref<4096xi32, #tpu.memory_space<hbm>>
      %dma_wait3A_324 = tpu.memref_slice %arg3[%mul3A_2] : memref<131072xi32, #tpu.memory_space<hbm>> -> memref<4096xi32, #tpu.memory_space<hbm>>
      tpu.wait_dma2 semaphore(%run_scoped3A : memref<!tpu.dma_semaphore, #tpu.memory_space<semaphore_mem>>) src(%dma_wait3A_324 : memref<4096xi32, #tpu.memory_space<hbm>>) dst(%arg5 : memref<4096xi32, #tpu.memory_space<vmem>>)
      tpu.yield
    }) : () -> ()
    %dma_start3A = arith.constant 0 : i32
    %dma_start3A_3 = tpu.memref_slice %arg5[%dma_start3A] : memref<4096xi32, #tpu.memory_space<vmem>> -> memref<256xi32, #tpu.memory_space<vmem>>
    %dma_start3A_4 = arith.constant 0 : i32
    %dma_start3A_5 = arith.constant 0 : i32
    %dma_start3A_6 = tpu.memref_slice %arg2[%dma_start3A_4, %dma_start3A_5] : memref<8192x128xf32, #tpu.memory_space<hbm>> -> memref<8192x128xf32, #tpu.memory_space<hbm>>
    tpu.enqueue_indirect_dma source(%dma_start3A_6 : memref<8192x128xf32, #tpu.memory_space<hbm>>) target(%arg6 : memref<256x128xf32, #tpu.memory_space<vmem>>) offsets(%dma_start3A_3 : memref<256xi32, #tpu.memory_space<vmem>>) semaphore(%arg8 : memref<!tpu.dma_semaphore, #tpu.memory_space<semaphore_mem>>)
    %dma_start3A_7 = arith.constant 256 : i32
    %dma_start3A_8 = tpu.memref_slice %arg5[%dma_start3A_7] : memref<4096xi32, #tpu.memory_space<vmem>> -> memref<256xi32, #tpu.memory_space<vmem>>
    %dma_start3A_9 = arith.constant 0 : i32
    %dma_start3A_10 = arith.constant 0 : i32
    %dma_start3A_11 = tpu.memref_slice %arg2[%dma_start3A_9, %dma_start3A_10] : memref<8192x128xf32, #tpu.memory_space<hbm>> -> memref<8192x128xf32, #tpu.memory_space<hbm>>
    tpu.enqueue_indirect_dma source(%dma_start3A_11 : memref<8192x128xf32, #tpu.memory_space<hbm>>) target(%arg7 : memref<256x128xf32, #tpu.memory_space<vmem>>) offsets(%dma_start3A_8 : memref<256xi32, #tpu.memory_space<vmem>>) semaphore(%arg9 : memref<!tpu.dma_semaphore, #tpu.memory_space<semaphore_mem>>)
    %dma_wait3A = arith.constant 0 : i32
    %dma_wait3A_12 = tpu.memref_slice %arg5[%dma_wait3A] : memref<4096xi32, #tpu.memory_space<vmem>> -> memref<256xi32, #tpu.memory_space<vmem>>
    %dma_wait3A_13 = arith.constant 0 : i32
    %dma_wait3A_14 = arith.constant 0 : i32
    %dma_wait3A_15 = tpu.memref_slice %arg2[%dma_wait3A_13, %dma_wait3A_14] : memref<8192x128xf32, #tpu.memory_space<hbm>> -> memref<8192x128xf32, #tpu.memory_space<hbm>>
    tpu.wait_indirect_dma semaphore(%arg8 : memref<!tpu.dma_semaphore, #tpu.memory_space<semaphore_mem>>) src(%dma_wait3A_15 : memref<8192x128xf32, #tpu.memory_space<hbm>>) dst(%arg6 : memref<256x128xf32, #tpu.memory_space<vmem>>)
    %add3A_16 = arith.constant 0 : i32
    %add3A_17 = arith.addi %mul3A_2, %add3A_16 : i32
    %dma_start3A_18 = arith.constant 0 : i32
    %dma_start3A_19 = tpu.memref_slice %arg4[%add3A_17, %dma_start3A_18] : memref<131072x128xf32, #tpu.memory_space<hbm>> -> memref<256x128xf32, #tpu.memory_space<hbm>>
    %dma_start3A_20 = arith.constant 0 : i32
    %dma_start3A_21 = tpu.memref_slice %arg4[%add3A_17, %dma_start3A_20] : memref<131072x128xf32, #tpu.memory_space<hbm>> -> memref<256x128xf32, #tpu.memory_space<hbm>>
    tpu.enqueue_dma source(%arg6 : memref<256x128xf32, #tpu.memory_space<vmem>>) target(%dma_start3A_21 : memref<256x128xf32, #tpu.memory_space<hbm>>) target_semaphore(%arg10 : memref<!tpu.dma_semaphore, #tpu.memory_space<semaphore_mem>>)
    %dma_wait3A_22 = arith.constant 0 : i32
    %dma_wait3A_23 = tpu.memref_slice %arg4[%add3A_17, %dma_wait3A_22] : memref<131072x128xf32, #tpu.memory_space<hbm>> -> memref<256x128xf32, #tpu.memory_space<hbm>>
    %dma_wait3A_24 = arith.constant 0 : i32
    %dma_wait3A_25 = tpu.memref_slice %arg4[%add3A_17, %dma_wait3A_24] : memref<131072x128xf32, #tpu.memory_space<hbm>> -> memref<256x128xf32, #tpu.memory_space<hbm>>
    tpu.wait_dma2 semaphore(%arg10 : memref<!tpu.dma_semaphore, #tpu.memory_space<semaphore_mem>>) src(%arg6 : memref<256x128xf32, #tpu.memory_space<vmem>>) dst(%dma_wait3A_25 : memref<256x128xf32, #tpu.memory_space<hbm>>)
    %dma_start3A_26 = arith.constant 512 : i32
    %dma_start3A_27 = tpu.memref_slice %arg5[%dma_start3A_26] : memref<4096xi32, #tpu.memory_space<vmem>> -> memref<256xi32, #tpu.memory_space<vmem>>
    %dma_start3A_28 = arith.constant 0 : i32
    %dma_start3A_29 = arith.constant 0 : i32
    %dma_start3A_30 = tpu.memref_slice %arg2[%dma_start3A_28, %dma_start3A_29] : memref<8192x128xf32, #tpu.memory_space<hbm>> -> memref<8192x128xf32, #tpu.memory_space<hbm>>
    tpu.enqueue_indirect_dma source(%dma_start3A_30 : memref<8192x128xf32, #tpu.memory_space<hbm>>) target(%arg6 : memref<256x128xf32, #tpu.memory_space<vmem>>) offsets(%dma_start3A_27 : memref<256xi32, #tpu.memory_space<vmem>>) semaphore(%arg8 : memref<!tpu.dma_semaphore, #tpu.memory_space<semaphore_mem>>)
    %dma_wait3A_31 = arith.constant 256 : i32
    %dma_wait3A_32 = tpu.memref_slice %arg5[%dma_wait3A_31] : memref<4096xi32, #tpu.memory_space<vmem>> -> memref<256xi32, #tpu.memory_space<vmem>>
    %dma_wait3A_33 = arith.constant 0 : i32
    %dma_wait3A_34 = arith.constant 0 : i32
    %dma_wait3A_35 = tpu.memref_slice %arg2[%dma_wait3A_33, %dma_wait3A_34] : memref<8192x128xf32, #tpu.memory_space<hbm>> -> memref<8192x128xf32, #tpu.memory_space<hbm>>
    tpu.wait_indirect_dma semaphore(%arg9 : memref<!tpu.dma_semaphore, #tpu.memory_space<semaphore_mem>>) src(%dma_wait3A_35 : memref<8192x128xf32, #tpu.memory_space<hbm>>) dst(%arg7 : memref<256x128xf32, #tpu.memory_space<vmem>>)
    %add3A_36 = arith.constant 256 : i32
    %add3A_37 = arith.addi %mul3A_2, %add3A_36 : i32
    %dma_start3A_38 = arith.constant 0 : i32
    %dma_start3A_39 = tpu.memref_slice %arg4[%add3A_37, %dma_start3A_38] : memref<131072x128xf32, #tpu.memory_space<hbm>> -> memref<256x128xf32, #tpu.memory_space<hbm>>
    %dma_start3A_40 = arith.constant 0 : i32
    %dma_start3A_41 = tpu.memref_slice %arg4[%add3A_37, %dma_start3A_40] : memref<131072x128xf32, #tpu.memory_space<hbm>> -> memref<256x128xf32, #tpu.memory_space<hbm>>
    tpu.enqueue_dma source(%arg7 : memref<256x128xf32, #tpu.memory_space<vmem>>) target(%dma_start3A_41 : memref<256x128xf32, #tpu.memory_space<hbm>>) target_semaphore(%arg11 : memref<!tpu.dma_semaphore, #tpu.memory_space<semaphore_mem>>)
    %dma_wait3A_42 = arith.constant 0 : i32
    %dma_wait3A_43 = tpu.memref_slice %arg4[%add3A_37, %dma_wait3A_42] : memref<131072x128xf32, #tpu.memory_space<hbm>> -> memref<256x128xf32, #tpu.memory_space<hbm>>
    %dma_wait3A_44 = arith.constant 0 : i32
    %dma_wait3A_45 = tpu.memref_slice %arg4[%add3A_37, %dma_wait3A_44] : memref<131072x128xf32, #tpu.memory_space<hbm>> -> memref<256x128xf32, #tpu.memory_space<hbm>>
    tpu.wait_dma2 semaphore(%arg11 : memref<!tpu.dma_semaphore, #tpu.memory_space<semaphore_mem>>) src(%arg7 : memref<256x128xf32, #tpu.memory_space<vmem>>) dst(%dma_wait3A_45 : memref<256x128xf32, #tpu.memory_space<hbm>>)
    %dma_start3A_46 = arith.constant 768 : i32
    %dma_start3A_47 = tpu.memref_slice %arg5[%dma_start3A_46] : memref<4096xi32, #tpu.memory_space<vmem>> -> memref<256xi32, #tpu.memory_space<vmem>>
    %dma_start3A_48 = arith.constant 0 : i32
    %dma_start3A_49 = arith.constant 0 : i32
    %dma_start3A_50 = tpu.memref_slice %arg2[%dma_start3A_48, %dma_start3A_49] : memref<8192x128xf32, #tpu.memory_space<hbm>> -> memref<8192x128xf32, #tpu.memory_space<hbm>>
    tpu.enqueue_indirect_dma source(%dma_start3A_50 : memref<8192x128xf32, #tpu.memory_space<hbm>>) target(%arg7 : memref<256x128xf32, #tpu.memory_space<vmem>>) offsets(%dma_start3A_47 : memref<256xi32, #tpu.memory_space<vmem>>) semaphore(%arg9 : memref<!tpu.dma_semaphore, #tpu.memory_space<semaphore_mem>>)
    %dma_wait3A_51 = arith.constant 512 : i32
    %dma_wait3A_52 = tpu.memref_slice %arg5[%dma_wait3A_51] : memref<4096xi32, #tpu.memory_space<vmem>> -> memref<256xi32, #tpu.memory_space<vmem>>
    %dma_wait3A_53 = arith.constant 0 : i32
    %dma_wait3A_54 = arith.constant 0 : i32
    %dma_wait3A_55 = tpu.memref_slice %arg2[%dma_wait3A_53, %dma_wait3A_54] : memref<8192x128xf32, #tpu.memory_space<hbm>> -> memref<8192x128xf32, #tpu.memory_space<hbm>>
    tpu.wait_indirect_dma semaphore(%arg8 : memref<!tpu.dma_semaphore, #tpu.memory_space<semaphore_mem>>) src(%dma_wait3A_55 : memref<8192x128xf32, #tpu.memory_space<hbm>>) dst(%arg6 : memref<256x128xf32, #tpu.memory_space<vmem>>)
    %add3A_56 = arith.constant 512 : i32
    %add3A_57 = arith.addi %mul3A_2, %add3A_56 : i32
    %dma_start3A_58 = arith.constant 0 : i32
    %dma_start3A_59 = tpu.memref_slice %arg4[%add3A_57, %dma_start3A_58] : memref<131072x128xf32, #tpu.memory_space<hbm>> -> memref<256x128xf32, #tpu.memory_space<hbm>>
    %dma_start3A_60 = arith.constant 0 : i32
    %dma_start3A_61 = tpu.memref_slice %arg4[%add3A_57, %dma_start3A_60] : memref<131072x128xf32, #tpu.memory_space<hbm>> -> memref<256x128xf32, #tpu.memory_space<hbm>>
    tpu.enqueue_dma source(%arg6 : memref<256x128xf32, #tpu.memory_space<vmem>>) target(%dma_start3A_61 : memref<256x128xf32, #tpu.memory_space<hbm>>) target_semaphore(%arg10 : memref<!tpu.dma_semaphore, #tpu.memory_space<semaphore_mem>>)
    %dma_wait3A_62 = arith.constant 0 : i32
    %dma_wait3A_63 = tpu.memref_slice %arg4[%add3A_57, %dma_wait3A_62] : memref<131072x128xf32, #tpu.memory_space<hbm>> -> memref<256x128xf32, #tpu.memory_space<hbm>>
    %dma_wait3A_64 = arith.constant 0 : i32
    %dma_wait3A_65 = tpu.memref_slice %arg4[%add3A_57, %dma_wait3A_64] : memref<131072x128xf32, #tpu.memory_space<hbm>> -> memref<256x128xf32, #tpu.memory_space<hbm>>
    tpu.wait_dma2 semaphore(%arg10 : memref<!tpu.dma_semaphore, #tpu.memory_space<semaphore_mem>>) src(%arg6 : memref<256x128xf32, #tpu.memory_space<vmem>>) dst(%dma_wait3A_65 : memref<256x128xf32, #tpu.memory_space<hbm>>)
    %dma_start3A_66 = arith.constant 1024 : i32
    %dma_start3A_67 = tpu.memref_slice %arg5[%dma_start3A_66] : memref<4096xi32, #tpu.memory_space<vmem>> -> memref<256xi32, #tpu.memory_space<vmem>>
    %dma_start3A_68 = arith.constant 0 : i32
    %dma_start3A_69 = arith.constant 0 : i32
    %dma_start3A_70 = tpu.memref_slice %arg2[%dma_start3A_68, %dma_start3A_69] : memref<8192x128xf32, #tpu.memory_space<hbm>> -> memref<8192x128xf32, #tpu.memory_space<hbm>>
    tpu.enqueue_indirect_dma source(%dma_start3A_70 : memref<8192x128xf32, #tpu.memory_space<hbm>>) target(%arg6 : memref<256x128xf32, #tpu.memory_space<vmem>>) offsets(%dma_start3A_67 : memref<256xi32, #tpu.memory_space<vmem>>) semaphore(%arg8 : memref<!tpu.dma_semaphore, #tpu.memory_space<semaphore_mem>>)
    %dma_wait3A_71 = arith.constant 768 : i32
    %dma_wait3A_72 = tpu.memref_slice %arg5[%dma_wait3A_71] : memref<4096xi32, #tpu.memory_space<vmem>> -> memref<256xi32, #tpu.memory_space<vmem>>
    %dma_wait3A_73 = arith.constant 0 : i32
    %dma_wait3A_74 = arith.constant 0 : i32
    %dma_wait3A_75 = tpu.memref_slice %arg2[%dma_wait3A_73, %dma_wait3A_74] : memref<8192x128xf32, #tpu.memory_space<hbm>> -> memref<8192x128xf32, #tpu.memory_space<hbm>>
    tpu.wait_indirect_dma semaphore(%arg9 : memref<!tpu.dma_semaphore, #tpu.memory_space<semaphore_mem>>) src(%dma_wait3A_75 : memref<8192x128xf32, #tpu.memory_space<hbm>>) dst(%arg7 : memref<256x128xf32, #tpu.memory_space<vmem>>)
    %add3A_76 = arith.constant 768 : i32
    %add3A_77 = arith.addi %mul3A_2, %add3A_76 : i32
    %dma_start3A_78 = arith.constant 0 : i32
    %dma_start3A_79 = tpu.memref_slice %arg4[%add3A_77, %dma_start3A_78] : memref<131072x128xf32, #tpu.memory_space<hbm>> -> memref<256x128xf32, #tpu.memory_space<hbm>>
    %dma_start3A_80 = arith.constant 0 : i32
    %dma_start3A_81 = tpu.memref_slice %arg4[%add3A_77, %dma_start3A_80] : memref<131072x128xf32, #tpu.memory_space<hbm>> -> memref<256x128xf32, #tpu.memory_space<hbm>>
    tpu.enqueue_dma source(%arg7 : memref<256x128xf32, #tpu.memory_space<vmem>>) target(%dma_start3A_81 : memref<256x128xf32, #tpu.memory_space<hbm>>) target_semaphore(%arg11 : memref<!tpu.dma_semaphore, #tpu.memory_space<semaphore_mem>>)
    %dma_wait3A_82 = arith.constant 0 : i32
    %dma_wait3A_83 = tpu.memref_slice %arg4[%add3A_77, %dma_wait3A_82] : memref<131072x128xf32, #tpu.memory_space<hbm>> -> memref<256x128xf32, #tpu.memory_space<hbm>>
    %dma_wait3A_84 = arith.constant 0 : i32
    %dma_wait3A_85 = tpu.memref_slice %arg4[%add3A_77, %dma_wait3A_84] : memref<131072x128xf32, #tpu.memory_space<hbm>> -> memref<256x128xf32, #tpu.memory_space<hbm>>
    tpu.wait_dma2 semaphore(%arg11 : memref<!tpu.dma_semaphore, #tpu.memory_space<semaphore_mem>>) src(%arg7 : memref<256x128xf32, #tpu.memory_space<vmem>>) dst(%dma_wait3A_85 : memref<256x128xf32, #tpu.memory_space<hbm>>)
    %dma_start3A_86 = arith.constant 1280 : i32
    %dma_start3A_87 = tpu.memref_slice %arg5[%dma_start3A_86] : memref<4096xi32, #tpu.memory_space<vmem>> -> memref<256xi32, #tpu.memory_space<vmem>>
    %dma_start3A_88 = arith.constant 0 : i32
    %dma_start3A_89 = arith.constant 0 : i32
    %dma_start3A_90 = tpu.memref_slice %arg2[%dma_start3A_88, %dma_start3A_89] : memref<8192x128xf32, #tpu.memory_space<hbm>> -> memref<8192x128xf32, #tpu.memory_space<hbm>>
    tpu.enqueue_indirect_dma source(%dma_start3A_90 : memref<8192x128xf32, #tpu.memory_space<hbm>>) target(%arg7 : memref<256x128xf32, #tpu.memory_space<vmem>>) offsets(%dma_start3A_87 : memref<256xi32, #tpu.memory_space<vmem>>) semaphore(%arg9 : memref<!tpu.dma_semaphore, #tpu.memory_space<semaphore_mem>>)
    %dma_wait3A_91 = arith.constant 1024 : i32
    %dma_wait3A_92 = tpu.memref_slice %arg5[%dma_wait3A_91] : memref<4096xi32, #tpu.memory_space<vmem>> -> memref<256xi32, #tpu.memory_space<vmem>>
    %dma_wait3A_93 = arith.constant 0 : i32
    %dma_wait3A_94 = arith.constant 0 : i32
    %dma_wait3A_95 = tpu.memref_slice %arg2[%dma_wait3A_93, %dma_wait3A_94] : memref<8192x128xf32, #tpu.memory_space<hbm>> -> memref<8192x128xf32, #tpu.memory_space<hbm>>
    tpu.wait_indirect_dma semaphore(%arg8 : memref<!tpu.dma_semaphore, #tpu.memory_space<semaphore_mem>>) src(%dma_wait3A_95 : memref<8192x128xf32, #tpu.memory_space<hbm>>) dst(%arg6 : memref<256x128xf32, #tpu.memory_space<vmem>>)
    %add3A_96 = arith.constant 1024 : i32
    %add3A_97 = arith.addi %mul3A_2, %add3A_96 : i32
    %dma_start3A_98 = arith.constant 0 : i32
    %dma_start3A_99 = tpu.memref_slice %arg4[%add3A_97, %dma_start3A_98] : memref<131072x128xf32, #tpu.memory_space<hbm>> -> memref<256x128xf32, #tpu.memory_space<hbm>>
    %dma_start3A_100 = arith.constant 0 : i32
    %dma_start3A_101 = tpu.memref_slice %arg4[%add3A_97, %dma_start3A_100] : memref<131072x128xf32, #tpu.memory_space<hbm>> -> memref<256x128xf32, #tpu.memory_space<hbm>>
    tpu.enqueue_dma source(%arg6 : memref<256x128xf32, #tpu.memory_space<vmem>>) target(%dma_start3A_101 : memref<256x128xf32, #tpu.memory_space<hbm>>) target_semaphore(%arg10 : memref<!tpu.dma_semaphore, #tpu.memory_space<semaphore_mem>>)
    %dma_wait3A_102 = arith.constant 0 : i32
    %dma_wait3A_103 = tpu.memref_slice %arg4[%add3A_97, %dma_wait3A_102] : memref<131072x128xf32, #tpu.memory_space<hbm>> -> memref<256x128xf32, #tpu.memory_space<hbm>>
    %dma_wait3A_104 = arith.constant 0 : i32
    %dma_wait3A_105 = tpu.memref_slice %arg4[%add3A_97, %dma_wait3A_104] : memref<131072x128xf32, #tpu.memory_space<hbm>> -> memref<256x128xf32, #tpu.memory_space<hbm>>
    tpu.wait_dma2 semaphore(%arg10 : memref<!tpu.dma_semaphore, #tpu.memory_space<semaphore_mem>>) src(%arg6 : memref<256x128xf32, #tpu.memory_space<vmem>>) dst(%dma_wait3A_105 : memref<256x128xf32, #tpu.memory_space<hbm>>)
    %dma_start3A_106 = arith.constant 1536 : i32
    %dma_start3A_107 = tpu.memref_slice %arg5[%dma_start3A_106] : memref<4096xi32, #tpu.memory_space<vmem>> -> memref<256xi32, #tpu.memory_space<vmem>>
    %dma_start3A_108 = arith.constant 0 : i32
    %dma_start3A_109 = arith.constant 0 : i32
    %dma_start3A_110 = tpu.memref_slice %arg2[%dma_start3A_108, %dma_start3A_109] : memref<8192x128xf32, #tpu.memory_space<hbm>> -> memref<8192x128xf32, #tpu.memory_space<hbm>>
    tpu.enqueue_indirect_dma source(%dma_start3A_110 : memref<8192x128xf32, #tpu.memory_space<hbm>>) target(%arg6 : memref<256x128xf32, #tpu.memory_space<vmem>>) offsets(%dma_start3A_107 : memref<256xi32, #tpu.memory_space<vmem>>) semaphore(%arg8 : memref<!tpu.dma_semaphore, #tpu.memory_space<semaphore_mem>>)
    %dma_wait3A_111 = arith.constant 1280 : i32
    %dma_wait3A_112 = tpu.memref_slice %arg5[%dma_wait3A_111] : memref<4096xi32, #tpu.memory_space<vmem>> -> memref<256xi32, #tpu.memory_space<vmem>>
    %dma_wait3A_113 = arith.constant 0 : i32
    %dma_wait3A_114 = arith.constant 0 : i32
    %dma_wait3A_115 = tpu.memref_slice %arg2[%dma_wait3A_113, %dma_wait3A_114] : memref<8192x128xf32, #tpu.memory_space<hbm>> -> memref<8192x128xf32, #tpu.memory_space<hbm>>
    tpu.wait_indirect_dma semaphore(%arg9 : memref<!tpu.dma_semaphore, #tpu.memory_space<semaphore_mem>>) src(%dma_wait3A_115 : memref<8192x128xf32, #tpu.memory_space<hbm>>) dst(%arg7 : memref<256x128xf32, #tpu.memory_space<vmem>>)
    %add3A_116 = arith.constant 1280 : i32
    %add3A_117 = arith.addi %mul3A_2, %add3A_116 : i32
    %dma_start3A_118 = arith.constant 0 : i32
    %dma_start3A_119 = tpu.memref_slice %arg4[%add3A_117, %dma_start3A_118] : memref<131072x128xf32, #tpu.memory_space<hbm>> -> memref<256x128xf32, #tpu.memory_space<hbm>>
    %dma_start3A_120 = arith.constant 0 : i32
    %dma_start3A_121 = tpu.memref_slice %arg4[%add3A_117, %dma_start3A_120] : memref<131072x128xf32, #tpu.memory_space<hbm>> -> memref<256x128xf32, #tpu.memory_space<hbm>>
    tpu.enqueue_dma source(%arg7 : memref<256x128xf32, #tpu.memory_space<vmem>>) target(%dma_start3A_121 : memref<256x128xf32, #tpu.memory_space<hbm>>) target_semaphore(%arg11 : memref<!tpu.dma_semaphore, #tpu.memory_space<semaphore_mem>>)
    %dma_wait3A_122 = arith.constant 0 : i32
    %dma_wait3A_123 = tpu.memref_slice %arg4[%add3A_117, %dma_wait3A_122] : memref<131072x128xf32, #tpu.memory_space<hbm>> -> memref<256x128xf32, #tpu.memory_space<hbm>>
    %dma_wait3A_124 = arith.constant 0 : i32
    %dma_wait3A_125 = tpu.memref_slice %arg4[%add3A_117, %dma_wait3A_124] : memref<131072x128xf32, #tpu.memory_space<hbm>> -> memref<256x128xf32, #tpu.memory_space<hbm>>
    tpu.wait_dma2 semaphore(%arg11 : memref<!tpu.dma_semaphore, #tpu.memory_space<semaphore_mem>>) src(%arg7 : memref<256x128xf32, #tpu.memory_space<vmem>>) dst(%dma_wait3A_125 : memref<256x128xf32, #tpu.memory_space<hbm>>)
    %dma_start3A_126 = arith.constant 1792 : i32
    %dma_start3A_127 = tpu.memref_slice %arg5[%dma_start3A_126] : memref<4096xi32, #tpu.memory_space<vmem>> -> memref<256xi32, #tpu.memory_space<vmem>>
    %dma_start3A_128 = arith.constant 0 : i32
    %dma_start3A_129 = arith.constant 0 : i32
    %dma_start3A_130 = tpu.memref_slice %arg2[%dma_start3A_128, %dma_start3A_129] : memref<8192x128xf32, #tpu.memory_space<hbm>> -> memref<8192x128xf32, #tpu.memory_space<hbm>>
    tpu.enqueue_indirect_dma source(%dma_start3A_130 : memref<8192x128xf32, #tpu.memory_space<hbm>>) target(%arg7 : memref<256x128xf32, #tpu.memory_space<vmem>>) offsets(%dma_start3A_127 : memref<256xi32, #tpu.memory_space<vmem>>) semaphore(%arg9 : memref<!tpu.dma_semaphore, #tpu.memory_space<semaphore_mem>>)
    %dma_wait3A_131 = arith.constant 1536 : i32
    %dma_wait3A_132 = tpu.memref_slice %arg5[%dma_wait3A_131] : memref<4096xi32, #tpu.memory_space<vmem>> -> memref<256xi32, #tpu.memory_space<vmem>>
    %dma_wait3A_133 = arith.constant 0 : i32
    %dma_wait3A_134 = arith.constant 0 : i32
    %dma_wait3A_135 = tpu.memref_slice %arg2[%dma_wait3A_133, %dma_wait3A_134] : memref<8192x128xf32, #tpu.memory_space<hbm>> -> memref<8192x128xf32, #tpu.memory_space<hbm>>
    tpu.wait_indirect_dma semaphore(%arg8 : memref<!tpu.dma_semaphore, #tpu.memory_space<semaphore_mem>>) src(%dma_wait3A_135 : memref<8192x128xf32, #tpu.memory_space<hbm>>) dst(%arg6 : memref<256x128xf32, #tpu.memory_space<vmem>>)
    %add3A_136 = arith.constant 1536 : i32
    %add3A_137 = arith.addi %mul3A_2, %add3A_136 : i32
    %dma_start3A_138 = arith.constant 0 : i32
    %dma_start3A_139 = tpu.memref_slice %arg4[%add3A_137, %dma_start3A_138] : memref<131072x128xf32, #tpu.memory_space<hbm>> -> memref<256x128xf32, #tpu.memory_space<hbm>>
    %dma_start3A_140 = arith.constant 0 : i32
    %dma_start3A_141 = tpu.memref_slice %arg4[%add3A_137, %dma_start3A_140] : memref<131072x128xf32, #tpu.memory_space<hbm>> -> memref<256x128xf32, #tpu.memory_space<hbm>>
    tpu.enqueue_dma source(%arg6 : memref<256x128xf32, #tpu.memory_space<vmem>>) target(%dma_start3A_141 : memref<256x128xf32, #tpu.memory_space<hbm>>) target_semaphore(%arg10 : memref<!tpu.dma_semaphore, #tpu.memory_space<semaphore_mem>>)
    %dma_wait3A_142 = arith.constant 0 : i32
    %dma_wait3A_143 = tpu.memref_slice %arg4[%add3A_137, %dma_wait3A_142] : memref<131072x128xf32, #tpu.memory_space<hbm>> -> memref<256x128xf32, #tpu.memory_space<hbm>>
    %dma_wait3A_144 = arith.constant 0 : i32
    %dma_wait3A_145 = tpu.memref_slice %arg4[%add3A_137, %dma_wait3A_144] : memref<131072x128xf32, #tpu.memory_space<hbm>> -> memref<256x128xf32, #tpu.memory_space<hbm>>
    tpu.wait_dma2 semaphore(%arg10 : memref<!tpu.dma_semaphore, #tpu.memory_space<semaphore_mem>>) src(%arg6 : memref<256x128xf32, #tpu.memory_space<vmem>>) dst(%dma_wait3A_145 : memref<256x128xf32, #tpu.memory_space<hbm>>)
    %dma_start3A_146 = arith.constant 2048 : i32
    %dma_start3A_147 = tpu.memref_slice %arg5[%dma_start3A_146] : memref<4096xi32, #tpu.memory_space<vmem>> -> memref<256xi32, #tpu.memory_space<vmem>>
    %dma_start3A_148 = arith.constant 0 : i32
    %dma_start3A_149 = arith.constant 0 : i32
    %dma_start3A_150 = tpu.memref_slice %arg2[%dma_start3A_148, %dma_start3A_149] : memref<8192x128xf32, #tpu.memory_space<hbm>> -> memref<8192x128xf32, #tpu.memory_space<hbm>>
    tpu.enqueue_indirect_dma source(%dma_start3A_150 : memref<8192x128xf32, #tpu.memory_space<hbm>>) target(%arg6 : memref<256x128xf32, #tpu.memory_space<vmem>>) offsets(%dma_start3A_147 : memref<256xi32, #tpu.memory_space<vmem>>) semaphore(%arg8 : memref<!tpu.dma_semaphore, #tpu.memory_space<semaphore_mem>>)
    %dma_wait3A_151 = arith.constant 1792 : i32
    %dma_wait3A_152 = tpu.memref_slice %arg5[%dma_wait3A_151] : memref<4096xi32, #tpu.memory_space<vmem>> -> memref<256xi32, #tpu.memory_space<vmem>>
    %dma_wait3A_153 = arith.constant 0 : i32
    %dma_wait3A_154 = arith.constant 0 : i32
    %dma_wait3A_155 = tpu.memref_slice %arg2[%dma_wait3A_153, %dma_wait3A_154] : memref<8192x128xf32, #tpu.memory_space<hbm>> -> memref<8192x128xf32, #tpu.memory_space<hbm>>
    tpu.wait_indirect_dma semaphore(%arg9 : memref<!tpu.dma_semaphore, #tpu.memory_space<semaphore_mem>>) src(%dma_wait3A_155 : memref<8192x128xf32, #tpu.memory_space<hbm>>) dst(%arg7 : memref<256x128xf32, #tpu.memory_space<vmem>>)
    %add3A_156 = arith.constant 1792 : i32
    %add3A_157 = arith.addi %mul3A_2, %add3A_156 : i32
    %dma_start3A_158 = arith.constant 0 : i32
    %dma_start3A_159 = tpu.memref_slice %arg4[%add3A_157, %dma_start3A_158] : memref<131072x128xf32, #tpu.memory_space<hbm>> -> memref<256x128xf32, #tpu.memory_space<hbm>>
    %dma_start3A_160 = arith.constant 0 : i32
    %dma_start3A_161 = tpu.memref_slice %arg4[%add3A_157, %dma_start3A_160] : memref<131072x128xf32, #tpu.memory_space<hbm>> -> memref<256x128xf32, #tpu.memory_space<hbm>>
    tpu.enqueue_dma source(%arg7 : memref<256x128xf32, #tpu.memory_space<vmem>>) target(%dma_start3A_161 : memref<256x128xf32, #tpu.memory_space<hbm>>) target_semaphore(%arg11 : memref<!tpu.dma_semaphore, #tpu.memory_space<semaphore_mem>>)
    %dma_wait3A_162 = arith.constant 0 : i32
    %dma_wait3A_163 = tpu.memref_slice %arg4[%add3A_157, %dma_wait3A_162] : memref<131072x128xf32, #tpu.memory_space<hbm>> -> memref<256x128xf32, #tpu.memory_space<hbm>>
    %dma_wait3A_164 = arith.constant 0 : i32
    %dma_wait3A_165 = tpu.memref_slice %arg4[%add3A_157, %dma_wait3A_164] : memref<131072x128xf32, #tpu.memory_space<hbm>> -> memref<256x128xf32, #tpu.memory_space<hbm>>
    tpu.wait_dma2 semaphore(%arg11 : memref<!tpu.dma_semaphore, #tpu.memory_space<semaphore_mem>>) src(%arg7 : memref<256x128xf32, #tpu.memory_space<vmem>>) dst(%dma_wait3A_165 : memref<256x128xf32, #tpu.memory_space<hbm>>)
    %dma_start3A_166 = arith.constant 2304 : i32
    %dma_start3A_167 = tpu.memref_slice %arg5[%dma_start3A_166] : memref<4096xi32, #tpu.memory_space<vmem>> -> memref<256xi32, #tpu.memory_space<vmem>>
    %dma_start3A_168 = arith.constant 0 : i32
    %dma_start3A_169 = arith.constant 0 : i32
    %dma_start3A_170 = tpu.memref_slice %arg2[%dma_start3A_168, %dma_start3A_169] : memref<8192x128xf32, #tpu.memory_space<hbm>> -> memref<8192x128xf32, #tpu.memory_space<hbm>>
    tpu.enqueue_indirect_dma source(%dma_start3A_170 : memref<8192x128xf32, #tpu.memory_space<hbm>>) target(%arg7 : memref<256x128xf32, #tpu.memory_space<vmem>>) offsets(%dma_start3A_167 : memref<256xi32, #tpu.memory_space<vmem>>) semaphore(%arg9 : memref<!tpu.dma_semaphore, #tpu.memory_space<semaphore_mem>>)
    %dma_wait3A_171 = arith.constant 2048 : i32
    %dma_wait3A_172 = tpu.memref_slice %arg5[%dma_wait3A_171] : memref<4096xi32, #tpu.memory_space<vmem>> -> memref<256xi32, #tpu.memory_space<vmem>>
    %dma_wait3A_173 = arith.constant 0 : i32
    %dma_wait3A_174 = arith.constant 0 : i32
    %dma_wait3A_175 = tpu.memref_slice %arg2[%dma_wait3A_173, %dma_wait3A_174] : memref<8192x128xf32, #tpu.memory_space<hbm>> -> memref<8192x128xf32, #tpu.memory_space<hbm>>
    tpu.wait_indirect_dma semaphore(%arg8 : memref<!tpu.dma_semaphore, #tpu.memory_space<semaphore_mem>>) src(%dma_wait3A_175 : memref<8192x128xf32, #tpu.memory_space<hbm>>) dst(%arg6 : memref<256x128xf32, #tpu.memory_space<vmem>>)
    %add3A_176 = arith.constant 2048 : i32
    %add3A_177 = arith.addi %mul3A_2, %add3A_176 : i32
    %dma_start3A_178 = arith.constant 0 : i32
    %dma_start3A_179 = tpu.memref_slice %arg4[%add3A_177, %dma_start3A_178] : memref<131072x128xf32, #tpu.memory_space<hbm>> -> memref<256x128xf32, #tpu.memory_space<hbm>>
    %dma_start3A_180 = arith.constant 0 : i32
    %dma_start3A_181 = tpu.memref_slice %arg4[%add3A_177, %dma_start3A_180] : memref<131072x128xf32, #tpu.memory_space<hbm>> -> memref<256x128xf32, #tpu.memory_space<hbm>>
    tpu.enqueue_dma source(%arg6 : memref<256x128xf32, #tpu.memory_space<vmem>>) target(%dma_start3A_181 : memref<256x128xf32, #tpu.memory_space<hbm>>) target_semaphore(%arg10 : memref<!tpu.dma_semaphore, #tpu.memory_space<semaphore_mem>>)
    %dma_wait3A_182 = arith.constant 0 : i32
    %dma_wait3A_183 = tpu.memref_slice %arg4[%add3A_177, %dma_wait3A_182] : memref<131072x128xf32, #tpu.memory_space<hbm>> -> memref<256x128xf32, #tpu.memory_space<hbm>>
    %dma_wait3A_184 = arith.constant 0 : i32
    %dma_wait3A_185 = tpu.memref_slice %arg4[%add3A_177, %dma_wait3A_184] : memref<131072x128xf32, #tpu.memory_space<hbm>> -> memref<256x128xf32, #tpu.memory_space<hbm>>
    tpu.wait_dma2 semaphore(%arg10 : memref<!tpu.dma_semaphore, #tpu.memory_space<semaphore_mem>>) src(%arg6 : memref<256x128xf32, #tpu.memory_space<vmem>>) dst(%dma_wait3A_185 : memref<256x128xf32, #tpu.memory_space<hbm>>)
    %dma_start3A_186 = arith.constant 2560 : i32
    %dma_start3A_187 = tpu.memref_slice %arg5[%dma_start3A_186] : memref<4096xi32, #tpu.memory_space<vmem>> -> memref<256xi32, #tpu.memory_space<vmem>>
    %dma_start3A_188 = arith.constant 0 : i32
    %dma_start3A_189 = arith.constant 0 : i32
    %dma_start3A_190 = tpu.memref_slice %arg2[%dma_start3A_188, %dma_start3A_189] : memref<8192x128xf32, #tpu.memory_space<hbm>> -> memref<8192x128xf32, #tpu.memory_space<hbm>>
    tpu.enqueue_indirect_dma source(%dma_start3A_190 : memref<8192x128xf32, #tpu.memory_space<hbm>>) target(%arg6 : memref<256x128xf32, #tpu.memory_space<vmem>>) offsets(%dma_start3A_187 : memref<256xi32, #tpu.memory_space<vmem>>) semaphore(%arg8 : memref<!tpu.dma_semaphore, #tpu.memory_space<semaphore_mem>>)
    %dma_wait3A_191 = arith.constant 2304 : i32
    %dma_wait3A_192 = tpu.memref_slice %arg5[%dma_wait3A_191] : memref<4096xi32, #tpu.memory_space<vmem>> -> memref<256xi32, #tpu.memory_space<vmem>>
    %dma_wait3A_193 = arith.constant 0 : i32
    %dma_wait3A_194 = arith.constant 0 : i32
    %dma_wait3A_195 = tpu.memref_slice %arg2[%dma_wait3A_193, %dma_wait3A_194] : memref<8192x128xf32, #tpu.memory_space<hbm>> -> memref<8192x128xf32, #tpu.memory_space<hbm>>
    tpu.wait_indirect_dma semaphore(%arg9 : memref<!tpu.dma_semaphore, #tpu.memory_space<semaphore_mem>>) src(%dma_wait3A_195 : memref<8192x128xf32, #tpu.memory_space<hbm>>) dst(%arg7 : memref<256x128xf32, #tpu.memory_space<vmem>>)
    %add3A_196 = arith.constant 2304 : i32
    %add3A_197 = arith.addi %mul3A_2, %add3A_196 : i32
    %dma_start3A_198 = arith.constant 0 : i32
    %dma_start3A_199 = tpu.memref_slice %arg4[%add3A_197, %dma_start3A_198] : memref<131072x128xf32, #tpu.memory_space<hbm>> -> memref<256x128xf32, #tpu.memory_space<hbm>>
    %dma_start3A_200 = arith.constant 0 : i32
    %dma_start3A_201 = tpu.memref_slice %arg4[%add3A_197, %dma_start3A_200] : memref<131072x128xf32, #tpu.memory_space<hbm>> -> memref<256x128xf32, #tpu.memory_space<hbm>>
    tpu.enqueue_dma source(%arg7 : memref<256x128xf32, #tpu.memory_space<vmem>>) target(%dma_start3A_201 : memref<256x128xf32, #tpu.memory_space<hbm>>) target_semaphore(%arg11 : memref<!tpu.dma_semaphore, #tpu.memory_space<semaphore_mem>>)
    %dma_wait3A_202 = arith.constant 0 : i32
    %dma_wait3A_203 = tpu.memref_slice %arg4[%add3A_197, %dma_wait3A_202] : memref<131072x128xf32, #tpu.memory_space<hbm>> -> memref<256x128xf32, #tpu.memory_space<hbm>>
    %dma_wait3A_204 = arith.constant 0 : i32
    %dma_wait3A_205 = tpu.memref_slice %arg4[%add3A_197, %dma_wait3A_204] : memref<131072x128xf32, #tpu.memory_space<hbm>> -> memref<256x128xf32, #tpu.memory_space<hbm>>
    tpu.wait_dma2 semaphore(%arg11 : memref<!tpu.dma_semaphore, #tpu.memory_space<semaphore_mem>>) src(%arg7 : memref<256x128xf32, #tpu.memory_space<vmem>>) dst(%dma_wait3A_205 : memref<256x128xf32, #tpu.memory_space<hbm>>)
    %dma_start3A_206 = arith.constant 2816 : i32
    %dma_start3A_207 = tpu.memref_slice %arg5[%dma_start3A_206] : memref<4096xi32, #tpu.memory_space<vmem>> -> memref<256xi32, #tpu.memory_space<vmem>>
    %dma_start3A_208 = arith.constant 0 : i32
    %dma_start3A_209 = arith.constant 0 : i32
    %dma_start3A_210 = tpu.memref_slice %arg2[%dma_start3A_208, %dma_start3A_209] : memref<8192x128xf32, #tpu.memory_space<hbm>> -> memref<8192x128xf32, #tpu.memory_space<hbm>>
    tpu.enqueue_indirect_dma source(%dma_start3A_210 : memref<8192x128xf32, #tpu.memory_space<hbm>>) target(%arg7 : memref<256x128xf32, #tpu.memory_space<vmem>>) offsets(%dma_start3A_207 : memref<256xi32, #tpu.memory_space<vmem>>) semaphore(%arg9 : memref<!tpu.dma_semaphore, #tpu.memory_space<semaphore_mem>>)
    %dma_wait3A_211 = arith.constant 2560 : i32
    %dma_wait3A_212 = tpu.memref_slice %arg5[%dma_wait3A_211] : memref<4096xi32, #tpu.memory_space<vmem>> -> memref<256xi32, #tpu.memory_space<vmem>>
    %dma_wait3A_213 = arith.constant 0 : i32
    %dma_wait3A_214 = arith.constant 0 : i32
    %dma_wait3A_215 = tpu.memref_slice %arg2[%dma_wait3A_213, %dma_wait3A_214] : memref<8192x128xf32, #tpu.memory_space<hbm>> -> memref<8192x128xf32, #tpu.memory_space<hbm>>
    tpu.wait_indirect_dma semaphore(%arg8 : memref<!tpu.dma_semaphore, #tpu.memory_space<semaphore_mem>>) src(%dma_wait3A_215 : memref<8192x128xf32, #tpu.memory_space<hbm>>) dst(%arg6 : memref<256x128xf32, #tpu.memory_space<vmem>>)
    %add3A_216 = arith.constant 2560 : i32
    %add3A_217 = arith.addi %mul3A_2, %add3A_216 : i32
    %dma_start3A_218 = arith.constant 0 : i32
    %dma_start3A_219 = tpu.memref_slice %arg4[%add3A_217, %dma_start3A_218] : memref<131072x128xf32, #tpu.memory_space<hbm>> -> memref<256x128xf32, #tpu.memory_space<hbm>>
    %dma_start3A_220 = arith.constant 0 : i32
    %dma_start3A_221 = tpu.memref_slice %arg4[%add3A_217, %dma_start3A_220] : memref<131072x128xf32, #tpu.memory_space<hbm>> -> memref<256x128xf32, #tpu.memory_space<hbm>>
    tpu.enqueue_dma source(%arg6 : memref<256x128xf32, #tpu.memory_space<vmem>>) target(%dma_start3A_221 : memref<256x128xf32, #tpu.memory_space<hbm>>) target_semaphore(%arg10 : memref<!tpu.dma_semaphore, #tpu.memory_space<semaphore_mem>>)
    %dma_wait3A_222 = arith.constant 0 : i32
    %dma_wait3A_223 = tpu.memref_slice %arg4[%add3A_217, %dma_wait3A_222] : memref<131072x128xf32, #tpu.memory_space<hbm>> -> memref<256x128xf32, #tpu.memory_space<hbm>>
    %dma_wait3A_224 = arith.constant 0 : i32
    %dma_wait3A_225 = tpu.memref_slice %arg4[%add3A_217, %dma_wait3A_224] : memref<131072x128xf32, #tpu.memory_space<hbm>> -> memref<256x128xf32, #tpu.memory_space<hbm>>
    tpu.wait_dma2 semaphore(%arg10 : memref<!tpu.dma_semaphore, #tpu.memory_space<semaphore_mem>>) src(%arg6 : memref<256x128xf32, #tpu.memory_space<vmem>>) dst(%dma_wait3A_225 : memref<256x128xf32, #tpu.memory_space<hbm>>)
    %dma_start3A_226 = arith.constant 3072 : i32
    %dma_start3A_227 = tpu.memref_slice %arg5[%dma_start3A_226] : memref<4096xi32, #tpu.memory_space<vmem>> -> memref<256xi32, #tpu.memory_space<vmem>>
    %dma_start3A_228 = arith.constant 0 : i32
    %dma_start3A_229 = arith.constant 0 : i32
    %dma_start3A_230 = tpu.memref_slice %arg2[%dma_start3A_228, %dma_start3A_229] : memref<8192x128xf32, #tpu.memory_space<hbm>> -> memref<8192x128xf32, #tpu.memory_space<hbm>>
    tpu.enqueue_indirect_dma source(%dma_start3A_230 : memref<8192x128xf32, #tpu.memory_space<hbm>>) target(%arg6 : memref<256x128xf32, #tpu.memory_space<vmem>>) offsets(%dma_start3A_227 : memref<256xi32, #tpu.memory_space<vmem>>) semaphore(%arg8 : memref<!tpu.dma_semaphore, #tpu.memory_space<semaphore_mem>>)
    %dma_wait3A_231 = arith.constant 2816 : i32
    %dma_wait3A_232 = tpu.memref_slice %arg5[%dma_wait3A_231] : memref<4096xi32, #tpu.memory_space<vmem>> -> memref<256xi32, #tpu.memory_space<vmem>>
    %dma_wait3A_233 = arith.constant 0 : i32
    %dma_wait3A_234 = arith.constant 0 : i32
    %dma_wait3A_235 = tpu.memref_slice %arg2[%dma_wait3A_233, %dma_wait3A_234] : memref<8192x128xf32, #tpu.memory_space<hbm>> -> memref<8192x128xf32, #tpu.memory_space<hbm>>
    tpu.wait_indirect_dma semaphore(%arg9 : memref<!tpu.dma_semaphore, #tpu.memory_space<semaphore_mem>>) src(%dma_wait3A_235 : memref<8192x128xf32, #tpu.memory_space<hbm>>) dst(%arg7 : memref<256x128xf32, #tpu.memory_space<vmem>>)
    %add3A_236 = arith.constant 2816 : i32
    %add3A_237 = arith.addi %mul3A_2, %add3A_236 : i32
    %dma_start3A_238 = arith.constant 0 : i32
    %dma_start3A_239 = tpu.memref_slice %arg4[%add3A_237, %dma_start3A_238] : memref<131072x128xf32, #tpu.memory_space<hbm>> -> memref<256x128xf32, #tpu.memory_space<hbm>>
    %dma_start3A_240 = arith.constant 0 : i32
    %dma_start3A_241 = tpu.memref_slice %arg4[%add3A_237, %dma_start3A_240] : memref<131072x128xf32, #tpu.memory_space<hbm>> -> memref<256x128xf32, #tpu.memory_space<hbm>>
    tpu.enqueue_dma source(%arg7 : memref<256x128xf32, #tpu.memory_space<vmem>>) target(%dma_start3A_241 : memref<256x128xf32, #tpu.memory_space<hbm>>) target_semaphore(%arg11 : memref<!tpu.dma_semaphore, #tpu.memory_space<semaphore_mem>>)
    %dma_wait3A_242 = arith.constant 0 : i32
    %dma_wait3A_243 = tpu.memref_slice %arg4[%add3A_237, %dma_wait3A_242] : memref<131072x128xf32, #tpu.memory_space<hbm>> -> memref<256x128xf32, #tpu.memory_space<hbm>>
    %dma_wait3A_244 = arith.constant 0 : i32
    %dma_wait3A_245 = tpu.memref_slice %arg4[%add3A_237, %dma_wait3A_244] : memref<131072x128xf32, #tpu.memory_space<hbm>> -> memref<256x128xf32, #tpu.memory_space<hbm>>
    tpu.wait_dma2 semaphore(%arg11 : memref<!tpu.dma_semaphore, #tpu.memory_space<semaphore_mem>>) src(%arg7 : memref<256x128xf32, #tpu.memory_space<vmem>>) dst(%dma_wait3A_245 : memref<256x128xf32, #tpu.memory_space<hbm>>)
    %dma_start3A_246 = arith.constant 3328 : i32
    %dma_start3A_247 = tpu.memref_slice %arg5[%dma_start3A_246] : memref<4096xi32, #tpu.memory_space<vmem>> -> memref<256xi32, #tpu.memory_space<vmem>>
    %dma_start3A_248 = arith.constant 0 : i32
    %dma_start3A_249 = arith.constant 0 : i32
    %dma_start3A_250 = tpu.memref_slice %arg2[%dma_start3A_248, %dma_start3A_249] : memref<8192x128xf32, #tpu.memory_space<hbm>> -> memref<8192x128xf32, #tpu.memory_space<hbm>>
    tpu.enqueue_indirect_dma source(%dma_start3A_250 : memref<8192x128xf32, #tpu.memory_space<hbm>>) target(%arg7 : memref<256x128xf32, #tpu.memory_space<vmem>>) offsets(%dma_start3A_247 : memref<256xi32, #tpu.memory_space<vmem>>) semaphore(%arg9 : memref<!tpu.dma_semaphore, #tpu.memory_space<semaphore_mem>>)
    %dma_wait3A_251 = arith.constant 3072 : i32
    %dma_wait3A_252 = tpu.memref_slice %arg5[%dma_wait3A_251] : memref<4096xi32, #tpu.memory_space<vmem>> -> memref<256xi32, #tpu.memory_space<vmem>>
    %dma_wait3A_253 = arith.constant 0 : i32
    %dma_wait3A_254 = arith.constant 0 : i32
    %dma_wait3A_255 = tpu.memref_slice %arg2[%dma_wait3A_253, %dma_wait3A_254] : memref<8192x128xf32, #tpu.memory_space<hbm>> -> memref<8192x128xf32, #tpu.memory_space<hbm>>
    tpu.wait_indirect_dma semaphore(%arg8 : memref<!tpu.dma_semaphore, #tpu.memory_space<semaphore_mem>>) src(%dma_wait3A_255 : memref<8192x128xf32, #tpu.memory_space<hbm>>) dst(%arg6 : memref<256x128xf32, #tpu.memory_space<vmem>>)
    %add3A_256 = arith.constant 3072 : i32
    %add3A_257 = arith.addi %mul3A_2, %add3A_256 : i32
    %dma_start3A_258 = arith.constant 0 : i32
    %dma_start3A_259 = tpu.memref_slice %arg4[%add3A_257, %dma_start3A_258] : memref<131072x128xf32, #tpu.memory_space<hbm>> -> memref<256x128xf32, #tpu.memory_space<hbm>>
    %dma_start3A_260 = arith.constant 0 : i32
    %dma_start3A_261 = tpu.memref_slice %arg4[%add3A_257, %dma_start3A_260] : memref<131072x128xf32, #tpu.memory_space<hbm>> -> memref<256x128xf32, #tpu.memory_space<hbm>>
    tpu.enqueue_dma source(%arg6 : memref<256x128xf32, #tpu.memory_space<vmem>>) target(%dma_start3A_261 : memref<256x128xf32, #tpu.memory_space<hbm>>) target_semaphore(%arg10 : memref<!tpu.dma_semaphore, #tpu.memory_space<semaphore_mem>>)
    %dma_wait3A_262 = arith.constant 0 : i32
    %dma_wait3A_263 = tpu.memref_slice %arg4[%add3A_257, %dma_wait3A_262] : memref<131072x128xf32, #tpu.memory_space<hbm>> -> memref<256x128xf32, #tpu.memory_space<hbm>>
    %dma_wait3A_264 = arith.constant 0 : i32
    %dma_wait3A_265 = tpu.memref_slice %arg4[%add3A_257, %dma_wait3A_264] : memref<131072x128xf32, #tpu.memory_space<hbm>> -> memref<256x128xf32, #tpu.memory_space<hbm>>
    tpu.wait_dma2 semaphore(%arg10 : memref<!tpu.dma_semaphore, #tpu.memory_space<semaphore_mem>>) src(%arg6 : memref<256x128xf32, #tpu.memory_space<vmem>>) dst(%dma_wait3A_265 : memref<256x128xf32, #tpu.memory_space<hbm>>)
    %dma_start3A_266 = arith.constant 3584 : i32
    %dma_start3A_267 = tpu.memref_slice %arg5[%dma_start3A_266] : memref<4096xi32, #tpu.memory_space<vmem>> -> memref<256xi32, #tpu.memory_space<vmem>>
    %dma_start3A_268 = arith.constant 0 : i32
    %dma_start3A_269 = arith.constant 0 : i32
    %dma_start3A_270 = tpu.memref_slice %arg2[%dma_start3A_268, %dma_start3A_269] : memref<8192x128xf32, #tpu.memory_space<hbm>> -> memref<8192x128xf32, #tpu.memory_space<hbm>>
    tpu.enqueue_indirect_dma source(%dma_start3A_270 : memref<8192x128xf32, #tpu.memory_space<hbm>>) target(%arg6 : memref<256x128xf32, #tpu.memory_space<vmem>>) offsets(%dma_start3A_267 : memref<256xi32, #tpu.memory_space<vmem>>) semaphore(%arg8 : memref<!tpu.dma_semaphore, #tpu.memory_space<semaphore_mem>>)
    %dma_wait3A_271 = arith.constant 3328 : i32
    %dma_wait3A_272 = tpu.memref_slice %arg5[%dma_wait3A_271] : memref<4096xi32, #tpu.memory_space<vmem>> -> memref<256xi32, #tpu.memory_space<vmem>>
    %dma_wait3A_273 = arith.constant 0 : i32
    %dma_wait3A_274 = arith.constant 0 : i32
    %dma_wait3A_275 = tpu.memref_slice %arg2[%dma_wait3A_273, %dma_wait3A_274] : memref<8192x128xf32, #tpu.memory_space<hbm>> -> memref<8192x128xf32, #tpu.memory_space<hbm>>
    tpu.wait_indirect_dma semaphore(%arg9 : memref<!tpu.dma_semaphore, #tpu.memory_space<semaphore_mem>>) src(%dma_wait3A_275 : memref<8192x128xf32, #tpu.memory_space<hbm>>) dst(%arg7 : memref<256x128xf32, #tpu.memory_space<vmem>>)
    %add3A_276 = arith.constant 3328 : i32
    %add3A_277 = arith.addi %mul3A_2, %add3A_276 : i32
    %dma_start3A_278 = arith.constant 0 : i32
    %dma_start3A_279 = tpu.memref_slice %arg4[%add3A_277, %dma_start3A_278] : memref<131072x128xf32, #tpu.memory_space<hbm>> -> memref<256x128xf32, #tpu.memory_space<hbm>>
    %dma_start3A_280 = arith.constant 0 : i32
    %dma_start3A_281 = tpu.memref_slice %arg4[%add3A_277, %dma_start3A_280] : memref<131072x128xf32, #tpu.memory_space<hbm>> -> memref<256x128xf32, #tpu.memory_space<hbm>>
    tpu.enqueue_dma source(%arg7 : memref<256x128xf32, #tpu.memory_space<vmem>>) target(%dma_start3A_281 : memref<256x128xf32, #tpu.memory_space<hbm>>) target_semaphore(%arg11 : memref<!tpu.dma_semaphore, #tpu.memory_space<semaphore_mem>>)
    %dma_wait3A_282 = arith.constant 0 : i32
    %dma_wait3A_283 = tpu.memref_slice %arg4[%add3A_277, %dma_wait3A_282] : memref<131072x128xf32, #tpu.memory_space<hbm>> -> memref<256x128xf32, #tpu.memory_space<hbm>>
    %dma_wait3A_284 = arith.constant 0 : i32
    %dma_wait3A_285 = tpu.memref_slice %arg4[%add3A_277, %dma_wait3A_284] : memref<131072x128xf32, #tpu.memory_space<hbm>> -> memref<256x128xf32, #tpu.memory_space<hbm>>
    tpu.wait_dma2 semaphore(%arg11 : memref<!tpu.dma_semaphore, #tpu.memory_space<semaphore_mem>>) src(%arg7 : memref<256x128xf32, #tpu.memory_space<vmem>>) dst(%dma_wait3A_285 : memref<256x128xf32, #tpu.memory_space<hbm>>)
    %dma_start3A_286 = arith.constant 3840 : i32
    %dma_start3A_287 = tpu.memref_slice %arg5[%dma_start3A_286] : memref<4096xi32, #tpu.memory_space<vmem>> -> memref<256xi32, #tpu.memory_space<vmem>>
    %dma_start3A_288 = arith.constant 0 : i32
    %dma_start3A_289 = arith.constant 0 : i32
    %dma_start3A_290 = tpu.memref_slice %arg2[%dma_start3A_288, %dma_start3A_289] : memref<8192x128xf32, #tpu.memory_space<hbm>> -> memref<8192x128xf32, #tpu.memory_space<hbm>>
    tpu.enqueue_indirect_dma source(%dma_start3A_290 : memref<8192x128xf32, #tpu.memory_space<hbm>>) target(%arg7 : memref<256x128xf32, #tpu.memory_space<vmem>>) offsets(%dma_start3A_287 : memref<256xi32, #tpu.memory_space<vmem>>) semaphore(%arg9 : memref<!tpu.dma_semaphore, #tpu.memory_space<semaphore_mem>>)
    %dma_wait3A_291 = arith.constant 3584 : i32
    %dma_wait3A_292 = tpu.memref_slice %arg5[%dma_wait3A_291] : memref<4096xi32, #tpu.memory_space<vmem>> -> memref<256xi32, #tpu.memory_space<vmem>>
    %dma_wait3A_293 = arith.constant 0 : i32
    %dma_wait3A_294 = arith.constant 0 : i32
    %dma_wait3A_295 = tpu.memref_slice %arg2[%dma_wait3A_293, %dma_wait3A_294] : memref<8192x128xf32, #tpu.memory_space<hbm>> -> memref<8192x128xf32, #tpu.memory_space<hbm>>
    tpu.wait_indirect_dma semaphore(%arg8 : memref<!tpu.dma_semaphore, #tpu.memory_space<semaphore_mem>>) src(%dma_wait3A_295 : memref<8192x128xf32, #tpu.memory_space<hbm>>) dst(%arg6 : memref<256x128xf32, #tpu.memory_space<vmem>>)
    %add3A_296 = arith.constant 3584 : i32
    %add3A_297 = arith.addi %mul3A_2, %add3A_296 : i32
    %dma_start3A_298 = arith.constant 0 : i32
    %dma_start3A_299 = tpu.memref_slice %arg4[%add3A_297, %dma_start3A_298] : memref<131072x128xf32, #tpu.memory_space<hbm>> -> memref<256x128xf32, #tpu.memory_space<hbm>>
    %dma_start3A_300 = arith.constant 0 : i32
    %dma_start3A_301 = tpu.memref_slice %arg4[%add3A_297, %dma_start3A_300] : memref<131072x128xf32, #tpu.memory_space<hbm>> -> memref<256x128xf32, #tpu.memory_space<hbm>>
    tpu.enqueue_dma source(%arg6 : memref<256x128xf32, #tpu.memory_space<vmem>>) target(%dma_start3A_301 : memref<256x128xf32, #tpu.memory_space<hbm>>) target_semaphore(%arg10 : memref<!tpu.dma_semaphore, #tpu.memory_space<semaphore_mem>>)
    %dma_wait3A_302 = arith.constant 3840 : i32
    %dma_wait3A_303 = tpu.memref_slice %arg5[%dma_wait3A_302] : memref<4096xi32, #tpu.memory_space<vmem>> -> memref<256xi32, #tpu.memory_space<vmem>>
    %dma_wait3A_304 = arith.constant 0 : i32
    %dma_wait3A_305 = arith.constant 0 : i32
    %dma_wait3A_306 = tpu.memref_slice %arg2[%dma_wait3A_304, %dma_wait3A_305] : memref<8192x128xf32, #tpu.memory_space<hbm>> -> memref<8192x128xf32, #tpu.memory_space<hbm>>
    tpu.wait_indirect_dma semaphore(%arg9 : memref<!tpu.dma_semaphore, #tpu.memory_space<semaphore_mem>>) src(%dma_wait3A_306 : memref<8192x128xf32, #tpu.memory_space<hbm>>) dst(%arg7 : memref<256x128xf32, #tpu.memory_space<vmem>>)
    %add3A_307 = arith.constant 3840 : i32
    %add3A_308 = arith.addi %mul3A_2, %add3A_307 : i32
    %dma_start3A_309 = arith.constant 0 : i32
    %dma_start3A_310 = tpu.memref_slice %arg4[%add3A_308, %dma_start3A_309] : memref<131072x128xf32, #tpu.memory_space<hbm>> -> memref<256x128xf32, #tpu.memory_space<hbm>>
    %dma_start3A_311 = arith.constant 0 : i32
    %dma_start3A_312 = tpu.memref_slice %arg4[%add3A_308, %dma_start3A_311] : memref<131072x128xf32, #tpu.memory_space<hbm>> -> memref<256x128xf32, #tpu.memory_space<hbm>>
    tpu.enqueue_dma source(%arg7 : memref<256x128xf32, #tpu.memory_space<vmem>>) target(%dma_start3A_312 : memref<256x128xf32, #tpu.memory_space<hbm>>) target_semaphore(%arg11 : memref<!tpu.dma_semaphore, #tpu.memory_space<semaphore_mem>>)
    %dma_wait3A_313 = arith.constant 0 : i32
    %dma_wait3A_314 = tpu.memref_slice %arg4[%add3A_297, %dma_wait3A_313] : memref<131072x128xf32, #tpu.memory_space<hbm>> -> memref<256x128xf32, #tpu.memory_space<hbm>>
    %dma_wait3A_315 = arith.constant 0 : i32
    %dma_wait3A_316 = tpu.memref_slice %arg4[%add3A_297, %dma_wait3A_315] : memref<131072x128xf32, #tpu.memory_space<hbm>> -> memref<256x128xf32, #tpu.memory_space<hbm>>
    tpu.wait_dma2 semaphore(%arg10 : memref<!tpu.dma_semaphore, #tpu.memory_space<semaphore_mem>>) src(%arg6 : memref<256x128xf32, #tpu.memory_space<vmem>>) dst(%dma_wait3A_316 : memref<256x128xf32, #tpu.memory_space<hbm>>)
    %dma_wait3A_317 = arith.constant 0 : i32
    %dma_wait3A_318 = tpu.memref_slice %arg4[%add3A_308, %dma_wait3A_317] : memref<131072x128xf32, #tpu.memory_space<hbm>> -> memref<256x128xf32, #tpu.memory_space<hbm>>
    %dma_wait3A_319 = arith.constant 0 : i32
    %dma_wait3A_320 = tpu.memref_slice %arg4[%add3A_308, %dma_wait3A_319] : memref<131072x128xf32, #tpu.memory_space<hbm>> -> memref<256x128xf32, #tpu.memory_space<hbm>>
    tpu.wait_dma2 semaphore(%arg11 : memref<!tpu.dma_semaphore, #tpu.memory_space<semaphore_mem>>) src(%arg7 : memref<256x128xf32, #tpu.memory_space<vmem>>) dst(%dma_wait3A_320 : memref<256x128xf32, #tpu.memory_space<hbm>>)
    return
  }
}

module attributes {stable_mosaic.version = 14 : i64} {
  func.func @_k2_body(%arg0: i32, %arg1: i32, %arg2: memref<1x512x3xf32, #tpu.memory_space<vmem>>, %arg3: memref<1x3x4096xf32, #tpu.memory_space<vmem>>, %arg4: memref<1x512x16xi32, #tpu.memory_space<vmem>>) attributes {dimension_semantics = [#tpu.dimension_semantics<arbitrary>, #tpu.dimension_semantics<arbitrary>], iteration_bounds = array<i64: 2, 8>, scalar_prefetch = 0 : i64, scratch_operands = 0 : i64, tpu.core_type = #tpu.core_type<tc>, window_params = [{transform_indices = @transform_0, window_bounds = array<i64: 1, 512, 3>}, {transform_indices = @transform_1, window_bounds = array<i64: 1, 3, 4096>}, {transform_indices = @transform_2, window_bounds = array<i64: 1, 512, 16>}]} {
    %get3A = arith.constant 0 : index
    %get3A_0 = arith.constant 0 : index
    %get3A_1 = arith.constant 0 : index
    %get3A_2 = vector.load %arg2[%get3A, %get3A_0, %get3A_1] : memref<1x512x3xf32, #tpu.memory_space<vmem>>, vector<1x512x3xf32>
    %get3A_3 = vector.shape_cast %get3A_2 : vector<1x512x3xf32> to vector<512x3xf32>
    %get3A_4 = arith.constant 0 : index
    %get3A_5 = arith.constant 0 : index
    %get3A_6 = arith.constant 0 : index
    %get3A_7 = vector.load %arg3[%get3A_4, %get3A_5, %get3A_6] : memref<1x3x4096xf32, #tpu.memory_space<vmem>>, vector<1x3x4096xf32>
    %get3A_8 = vector.shape_cast %get3A_7 : vector<1x3x4096xf32> to vector<3x4096xf32>
    %mul3A = arith.mulf %get3A_3, %get3A_3 : vector<512x3xf32>
    %reduce_sum3A = arith.constant dense<0.000000e+00> : vector<512xf32>
    %reduce_sum3A_9 = vector.multi_reduction <add>, %mul3A, %reduce_sum3A [1] : vector<512x3xf32> to vector<512xf32>
    %broadcast_in_dim3A = vector.shape_cast %reduce_sum3A_9 : vector<512xf32> to vector<512x1xf32>
    %add3A = arith.constant 1.250000e-01 : f32
    %add3A_10 = vector.broadcast %add3A : f32 to vector<512x1xf32>
    %add3A_11 = arith.addf %broadcast_in_dim3A, %add3A_10 : vector<512x1xf32>
    %mul3A_12 = arith.mulf %get3A_8, %get3A_8 : vector<3x4096xf32>
    %reduce_sum3A_13 = arith.constant dense<0.000000e+00> : vector<4096xf32>
    %reduce_sum3A_14 = vector.multi_reduction <add>, %mul3A_12, %reduce_sum3A_13 [0] : vector<3x4096xf32> to vector<4096xf32>
    %broadcast_in_dim3A_15 = vector.shape_cast %reduce_sum3A_14 : vector<4096xf32> to vector<1x4096xf32>
    %convert_element_type3A = arith.truncf %get3A_3 : vector<512x3xf32> to vector<512x3xbf16>
    %convert_element_type3A_16 = arith.truncf %get3A_8 : vector<3x4096xf32> to vector<3x4096xbf16>
    %dot_general3A = arith.constant dense<0.000000e+00> : vector<512x4096xf32>
    %dot_general3A_17 = tpu.matmul %convert_element_type3A, %convert_element_type3A_16, %dot_general3A {dimension_numbers = #tpu.dot_dimension_numbers<[1], [0], [0], [1], [0, 0, 1, 1], [], []>, transpose_lhs_hint = false} : vector<512x3xbf16>, vector<3x4096xbf16>, vector<512x4096xf32> -> vector<512x4096xf32>
    %add3A_18 = vector.broadcast %add3A_11 : vector<512x1xf32> to vector<512x4096xf32>
    %add3A_19 = vector.broadcast %broadcast_in_dim3A_15 : vector<1x4096xf32> to vector<512x4096xf32>
    %add3A_20 = arith.addf %add3A_18, %add3A_19 : vector<512x4096xf32>
    %mul3A_21 = arith.constant 2.000000e+00 : f32
    %mul3A_22 = vector.broadcast %mul3A_21 : f32 to vector<512x4096xf32>
    %mul3A_23 = arith.mulf %mul3A_22, %dot_general3A_17 : vector<512x4096xf32>
    %sub3A = arith.subf %add3A_20, %mul3A_23 : vector<512x4096xf32>
    %iota3A = tpu.iota {dimensions = array<i32: 1>} : vector<512x128xi32>
    %convert_element_type3A_24 = arith.sitofp %iota3A : vector<512x128xi32> to vector<512x128xf32>
    %broadcast_in_dim3A_25 = arith.constant 0x7F800000 : f32
    %broadcast_in_dim3A_26 = vector.broadcast %broadcast_in_dim3A_25 : f32 to vector<512x128xf32>
    %broadcast_in_dim3A_27 = arith.constant 0x7F800000 : f32
    %broadcast_in_dim3A_28 = vector.broadcast %broadcast_in_dim3A_27 : f32 to vector<512x128xf32>
    %broadcast_in_dim3A_29 = arith.constant 0x7F800000 : f32
    %broadcast_in_dim3A_30 = vector.broadcast %broadcast_in_dim3A_29 : f32 to vector<512x128xf32>
    %broadcast_in_dim3A_31 = arith.constant 0x7F800000 : f32
    %broadcast_in_dim3A_32 = vector.broadcast %broadcast_in_dim3A_31 : f32 to vector<512x128xf32>
    %slice3A = vector.extract_strided_slice %sub3A {offsets = [0, 0], sizes = [512, 128], strides = [1, 1]} : vector<512x4096xf32> to vector<512x128xf32>
    %bitcast_convert_type3A = tpu.bitcast %slice3A : vector<512x128xf32> -> vector<512x128xi32>
    %and3A = arith.constant -32 : i32
    %and3A_33 = vector.broadcast %and3A : i32 to vector<512x128xi32>
    %and3A_34 = arith.andi %bitcast_convert_type3A, %and3A_33 : vector<512x128xi32>
    %or3A = arith.constant 0 : i32
    %or3A_35 = vector.broadcast %or3A : i32 to vector<512x128xi32>
    %or3A_36 = arith.ori %and3A_34, %or3A_35 : vector<512x128xi32>
    %bitcast_convert_type3A_37 = tpu.bitcast %or3A_36 : vector<512x128xi32> -> vector<512x128xf32>
    %lt3A = arith.cmpf olt, %bitcast_convert_type3A_37, %broadcast_in_dim3A_26 : vector<512x128xf32>
    %lt3A_38 = arith.cmpf olt, %bitcast_convert_type3A_37, %broadcast_in_dim3A_28 : vector<512x128xf32>
    %lt3A_39 = arith.cmpf olt, %bitcast_convert_type3A_37, %broadcast_in_dim3A_30 : vector<512x128xf32>
    %lt3A_40 = arith.cmpf olt, %bitcast_convert_type3A_37, %broadcast_in_dim3A_32 : vector<512x128xf32>
    %select_n3A = arith.select %lt3A, %bitcast_convert_type3A_37, %broadcast_in_dim3A_26 : vector<512x128xi1>, vector<512x128xf32>
    %select_n3A_41 = arith.select %lt3A_38, %bitcast_convert_type3A_37, %broadcast_in_dim3A_28 : vector<512x128xi1>, vector<512x128xf32>
    %select_n3A_42 = arith.select %lt3A, %broadcast_in_dim3A_26, %select_n3A_41 : vector<512x128xi1>, vector<512x128xf32>
    %select_n3A_43 = arith.select %lt3A_39, %bitcast_convert_type3A_37, %broadcast_in_dim3A_30 : vector<512x128xi1>, vector<512x128xf32>
    %select_n3A_44 = arith.select %lt3A_38, %broadcast_in_dim3A_28, %select_n3A_43 : vector<512x128xi1>, vector<512x128xf32>
    %select_n3A_45 = arith.select %lt3A_40, %bitcast_convert_type3A_37, %broadcast_in_dim3A_32 : vector<512x128xi1>, vector<512x128xf32>
    %select_n3A_46 = arith.select %lt3A_39, %broadcast_in_dim3A_30, %select_n3A_45 : vector<512x128xi1>, vector<512x128xf32>
    %slice3A_47 = vector.extract_strided_slice %sub3A {offsets = [0, 128], sizes = [512, 128], strides = [1, 1]} : vector<512x4096xf32> to vector<512x128xf32>
    %bitcast_convert_type3A_48 = tpu.bitcast %slice3A_47 : vector<512x128xf32> -> vector<512x128xi32>
    %and3A_49 = arith.constant -32 : i32
    %and3A_50 = vector.broadcast %and3A_49 : i32 to vector<512x128xi32>
    %and3A_51 = arith.andi %bitcast_convert_type3A_48, %and3A_50 : vector<512x128xi32>
    %or3A_52 = arith.constant 1 : i32
    %or3A_53 = vector.broadcast %or3A_52 : i32 to vector<512x128xi32>
    %or3A_54 = arith.ori %and3A_51, %or3A_53 : vector<512x128xi32>
    %bitcast_convert_type3A_55 = tpu.bitcast %or3A_54 : vector<512x128xi32> -> vector<512x128xf32>
    %lt3A_56 = arith.cmpf olt, %bitcast_convert_type3A_55, %select_n3A : vector<512x128xf32>
    %lt3A_57 = arith.cmpf olt, %bitcast_convert_type3A_55, %select_n3A_42 : vector<512x128xf32>
    %lt3A_58 = arith.cmpf olt, %bitcast_convert_type3A_55, %select_n3A_44 : vector<512x128xf32>
    %lt3A_59 = arith.cmpf olt, %bitcast_convert_type3A_55, %select_n3A_46 : vector<512x128xf32>
    %select_n3A_60 = arith.select %lt3A_56, %bitcast_convert_type3A_55, %select_n3A : vector<512x128xi1>, vector<512x128xf32>
    %select_n3A_61 = arith.select %lt3A_57, %bitcast_convert_type3A_55, %select_n3A_42 : vector<512x128xi1>, vector<512x128xf32>
    %select_n3A_62 = arith.select %lt3A_56, %select_n3A, %select_n3A_61 : vector<512x128xi1>, vector<512x128xf32>
    %select_n3A_63 = arith.select %lt3A_58, %bitcast_convert_type3A_55, %select_n3A_44 : vector<512x128xi1>, vector<512x128xf32>
    %select_n3A_64 = arith.select %lt3A_57, %select_n3A_42, %select_n3A_63 : vector<512x128xi1>, vector<512x128xf32>
    %select_n3A_65 = arith.select %lt3A_59, %bitcast_convert_type3A_55, %select_n3A_46 : vector<512x128xi1>, vector<512x128xf32>
    %select_n3A_66 = arith.select %lt3A_58, %select_n3A_44, %select_n3A_65 : vector<512x128xi1>, vector<512x128xf32>
    %slice3A_67 = vector.extract_strided_slice %sub3A {offsets = [0, 256], sizes = [512, 128], strides = [1, 1]} : vector<512x4096xf32> to vector<512x128xf32>
    %bitcast_convert_type3A_68 = tpu.bitcast %slice3A_67 : vector<512x128xf32> -> vector<512x128xi32>
    %and3A_69 = arith.constant -32 : i32
    %and3A_70 = vector.broadcast %and3A_69 : i32 to vector<512x128xi32>
    %and3A_71 = arith.andi %bitcast_convert_type3A_68, %and3A_70 : vector<512x128xi32>
    %or3A_72 = arith.constant 2 : i32
    %or3A_73 = vector.broadcast %or3A_72 : i32 to vector<512x128xi32>
    %or3A_74 = arith.ori %and3A_71, %or3A_73 : vector<512x128xi32>
    %bitcast_convert_type3A_75 = tpu.bitcast %or3A_74 : vector<512x128xi32> -> vector<512x128xf32>
    %lt3A_76 = arith.cmpf olt, %bitcast_convert_type3A_75, %select_n3A_60 : vector<512x128xf32>
    %lt3A_77 = arith.cmpf olt, %bitcast_convert_type3A_75, %select_n3A_62 : vector<512x128xf32>
    %lt3A_78 = arith.cmpf olt, %bitcast_convert_type3A_75, %select_n3A_64 : vector<512x128xf32>
    %lt3A_79 = arith.cmpf olt, %bitcast_convert_type3A_75, %select_n3A_66 : vector<512x128xf32>
    %select_n3A_80 = arith.select %lt3A_76, %bitcast_convert_type3A_75, %select_n3A_60 : vector<512x128xi1>, vector<512x128xf32>
    %select_n3A_81 = arith.select %lt3A_77, %bitcast_convert_type3A_75, %select_n3A_62 : vector<512x128xi1>, vector<512x128xf32>
    %select_n3A_82 = arith.select %lt3A_76, %select_n3A_60, %select_n3A_81 : vector<512x128xi1>, vector<512x128xf32>
    %select_n3A_83 = arith.select %lt3A_78, %bitcast_convert_type3A_75, %select_n3A_64 : vector<512x128xi1>, vector<512x128xf32>
    %select_n3A_84 = arith.select %lt3A_77, %select_n3A_62, %select_n3A_83 : vector<512x128xi1>, vector<512x128xf32>
    %select_n3A_85 = arith.select %lt3A_79, %bitcast_convert_type3A_75, %select_n3A_66 : vector<512x128xi1>, vector<512x128xf32>
    %select_n3A_86 = arith.select %lt3A_78, %select_n3A_64, %select_n3A_85 : vector<512x128xi1>, vector<512x128xf32>
    %slice3A_87 = vector.extract_strided_slice %sub3A {offsets = [0, 384], sizes = [512, 128], strides = [1, 1]} : vector<512x4096xf32> to vector<512x128xf32>
    %bitcast_convert_type3A_88 = tpu.bitcast %slice3A_87 : vector<512x128xf32> -> vector<512x128xi32>
    %and3A_89 = arith.constant -32 : i32
    %and3A_90 = vector.broadcast %and3A_89 : i32 to vector<512x128xi32>
    %and3A_91 = arith.andi %bitcast_convert_type3A_88, %and3A_90 : vector<512x128xi32>
    %or3A_92 = arith.constant 3 : i32
    %or3A_93 = vector.broadcast %or3A_92 : i32 to vector<512x128xi32>
    %or3A_94 = arith.ori %and3A_91, %or3A_93 : vector<512x128xi32>
    %bitcast_convert_type3A_95 = tpu.bitcast %or3A_94 : vector<512x128xi32> -> vector<512x128xf32>
    %lt3A_96 = arith.cmpf olt, %bitcast_convert_type3A_95, %select_n3A_80 : vector<512x128xf32>
    %lt3A_97 = arith.cmpf olt, %bitcast_convert_type3A_95, %select_n3A_82 : vector<512x128xf32>
    %lt3A_98 = arith.cmpf olt, %bitcast_convert_type3A_95, %select_n3A_84 : vector<512x128xf32>
    %lt3A_99 = arith.cmpf olt, %bitcast_convert_type3A_95, %select_n3A_86 : vector<512x128xf32>
    %select_n3A_100 = arith.select %lt3A_96, %bitcast_convert_type3A_95, %select_n3A_80 : vector<512x128xi1>, vector<512x128xf32>
    %select_n3A_101 = arith.select %lt3A_97, %bitcast_convert_type3A_95, %select_n3A_82 : vector<512x128xi1>, vector<512x128xf32>
    %select_n3A_102 = arith.select %lt3A_96, %select_n3A_80, %select_n3A_101 : vector<512x128xi1>, vector<512x128xf32>
    %select_n3A_103 = arith.select %lt3A_98, %bitcast_convert_type3A_95, %select_n3A_84 : vector<512x128xi1>, vector<512x128xf32>
    %select_n3A_104 = arith.select %lt3A_97, %select_n3A_82, %select_n3A_103 : vector<512x128xi1>, vector<512x128xf32>
    %select_n3A_105 = arith.select %lt3A_99, %bitcast_convert_type3A_95, %select_n3A_86 : vector<512x128xi1>, vector<512x128xf32>
    %select_n3A_106 = arith.select %lt3A_98, %select_n3A_84, %select_n3A_105 : vector<512x128xi1>, vector<512x128xf32>
    %slice3A_107 = vector.extract_strided_slice %sub3A {offsets = [0, 512], sizes = [512, 128], strides = [1, 1]} : vector<512x4096xf32> to vector<512x128xf32>
    %bitcast_convert_type3A_108 = tpu.bitcast %slice3A_107 : vector<512x128xf32> -> vector<512x128xi32>
    %and3A_109 = arith.constant -32 : i32
    %and3A_110 = vector.broadcast %and3A_109 : i32 to vector<512x128xi32>
    %and3A_111 = arith.andi %bitcast_convert_type3A_108, %and3A_110 : vector<512x128xi32>
    %or3A_112 = arith.constant 4 : i32
    %or3A_113 = vector.broadcast %or3A_112 : i32 to vector<512x128xi32>
    %or3A_114 = arith.ori %and3A_111, %or3A_113 : vector<512x128xi32>
    %bitcast_convert_type3A_115 = tpu.bitcast %or3A_114 : vector<512x128xi32> -> vector<512x128xf32>
    %lt3A_116 = arith.cmpf olt, %bitcast_convert_type3A_115, %select_n3A_100 : vector<512x128xf32>
    %lt3A_117 = arith.cmpf olt, %bitcast_convert_type3A_115, %select_n3A_102 : vector<512x128xf32>
    %lt3A_118 = arith.cmpf olt, %bitcast_convert_type3A_115, %select_n3A_104 : vector<512x128xf32>
    %lt3A_119 = arith.cmpf olt, %bitcast_convert_type3A_115, %select_n3A_106 : vector<512x128xf32>
    %select_n3A_120 = arith.select %lt3A_116, %bitcast_convert_type3A_115, %select_n3A_100 : vector<512x128xi1>, vector<512x128xf32>
    %select_n3A_121 = arith.select %lt3A_117, %bitcast_convert_type3A_115, %select_n3A_102 : vector<512x128xi1>, vector<512x128xf32>
    %select_n3A_122 = arith.select %lt3A_116, %select_n3A_100, %select_n3A_121 : vector<512x128xi1>, vector<512x128xf32>
    %select_n3A_123 = arith.select %lt3A_118, %bitcast_convert_type3A_115, %select_n3A_104 : vector<512x128xi1>, vector<512x128xf32>
    %select_n3A_124 = arith.select %lt3A_117, %select_n3A_102, %select_n3A_123 : vector<512x128xi1>, vector<512x128xf32>
    %select_n3A_125 = arith.select %lt3A_119, %bitcast_convert_type3A_115, %select_n3A_106 : vector<512x128xi1>, vector<512x128xf32>
    %select_n3A_126 = arith.select %lt3A_118, %select_n3A_104, %select_n3A_125 : vector<512x128xi1>, vector<512x128xf32>
    %slice3A_127 = vector.extract_strided_slice %sub3A {offsets = [0, 640], sizes = [512, 128], strides = [1, 1]} : vector<512x4096xf32> to vector<512x128xf32>
    %bitcast_convert_type3A_128 = tpu.bitcast %slice3A_127 : vector<512x128xf32> -> vector<512x128xi32>
    %and3A_129 = arith.constant -32 : i32
    %and3A_130 = vector.broadcast %and3A_129 : i32 to vector<512x128xi32>
    %and3A_131 = arith.andi %bitcast_convert_type3A_128, %and3A_130 : vector<512x128xi32>
    %or3A_132 = arith.constant 5 : i32
    %or3A_133 = vector.broadcast %or3A_132 : i32 to vector<512x128xi32>
    %or3A_134 = arith.ori %and3A_131, %or3A_133 : vector<512x128xi32>
    %bitcast_convert_type3A_135 = tpu.bitcast %or3A_134 : vector<512x128xi32> -> vector<512x128xf32>
    %lt3A_136 = arith.cmpf olt, %bitcast_convert_type3A_135, %select_n3A_120 : vector<512x128xf32>
    %lt3A_137 = arith.cmpf olt, %bitcast_convert_type3A_135, %select_n3A_122 : vector<512x128xf32>
    %lt3A_138 = arith.cmpf olt, %bitcast_convert_type3A_135, %select_n3A_124 : vector<512x128xf32>
    %lt3A_139 = arith.cmpf olt, %bitcast_convert_type3A_135, %select_n3A_126 : vector<512x128xf32>
    %select_n3A_140 = arith.select %lt3A_136, %bitcast_convert_type3A_135, %select_n3A_120 : vector<512x128xi1>, vector<512x128xf32>
    %select_n3A_141 = arith.select %lt3A_137, %bitcast_convert_type3A_135, %select_n3A_122 : vector<512x128xi1>, vector<512x128xf32>
    %select_n3A_142 = arith.select %lt3A_136, %select_n3A_120, %select_n3A_141 : vector<512x128xi1>, vector<512x128xf32>
    %select_n3A_143 = arith.select %lt3A_138, %bitcast_convert_type3A_135, %select_n3A_124 : vector<512x128xi1>, vector<512x128xf32>
    %select_n3A_144 = arith.select %lt3A_137, %select_n3A_122, %select_n3A_143 : vector<512x128xi1>, vector<512x128xf32>
    %select_n3A_145 = arith.select %lt3A_139, %bitcast_convert_type3A_135, %select_n3A_126 : vector<512x128xi1>, vector<512x128xf32>
    %select_n3A_146 = arith.select %lt3A_138, %select_n3A_124, %select_n3A_145 : vector<512x128xi1>, vector<512x128xf32>
    %slice3A_147 = vector.extract_strided_slice %sub3A {offsets = [0, 768], sizes = [512, 128], strides = [1, 1]} : vector<512x4096xf32> to vector<512x128xf32>
    %bitcast_convert_type3A_148 = tpu.bitcast %slice3A_147 : vector<512x128xf32> -> vector<512x128xi32>
    %and3A_149 = arith.constant -32 : i32
    %and3A_150 = vector.broadcast %and3A_149 : i32 to vector<512x128xi32>
    %and3A_151 = arith.andi %bitcast_convert_type3A_148, %and3A_150 : vector<512x128xi32>
    %or3A_152 = arith.constant 6 : i32
    %or3A_153 = vector.broadcast %or3A_152 : i32 to vector<512x128xi32>
    %or3A_154 = arith.ori %and3A_151, %or3A_153 : vector<512x128xi32>
    %bitcast_convert_type3A_155 = tpu.bitcast %or3A_154 : vector<512x128xi32> -> vector<512x128xf32>
    %lt3A_156 = arith.cmpf olt, %bitcast_convert_type3A_155, %select_n3A_140 : vector<512x128xf32>
    %lt3A_157 = arith.cmpf olt, %bitcast_convert_type3A_155, %select_n3A_142 : vector<512x128xf32>
    %lt3A_158 = arith.cmpf olt, %bitcast_convert_type3A_155, %select_n3A_144 : vector<512x128xf32>
    %lt3A_159 = arith.cmpf olt, %bitcast_convert_type3A_155, %select_n3A_146 : vector<512x128xf32>
    %select_n3A_160 = arith.select %lt3A_156, %bitcast_convert_type3A_155, %select_n3A_140 : vector<512x128xi1>, vector<512x128xf32>
    %select_n3A_161 = arith.select %lt3A_157, %bitcast_convert_type3A_155, %select_n3A_142 : vector<512x128xi1>, vector<512x128xf32>
    %select_n3A_162 = arith.select %lt3A_156, %select_n3A_140, %select_n3A_161 : vector<512x128xi1>, vector<512x128xf32>
    %select_n3A_163 = arith.select %lt3A_158, %bitcast_convert_type3A_155, %select_n3A_144 : vector<512x128xi1>, vector<512x128xf32>
    %select_n3A_164 = arith.select %lt3A_157, %select_n3A_142, %select_n3A_163 : vector<512x128xi1>, vector<512x128xf32>
    %select_n3A_165 = arith.select %lt3A_159, %bitcast_convert_type3A_155, %select_n3A_146 : vector<512x128xi1>, vector<512x128xf32>
    %select_n3A_166 = arith.select %lt3A_158, %select_n3A_144, %select_n3A_165 : vector<512x128xi1>, vector<512x128xf32>
    %slice3A_167 = vector.extract_strided_slice %sub3A {offsets = [0, 896], sizes = [512, 128], strides = [1, 1]} : vector<512x4096xf32> to vector<512x128xf32>
    %bitcast_convert_type3A_168 = tpu.bitcast %slice3A_167 : vector<512x128xf32> -> vector<512x128xi32>
    %and3A_169 = arith.constant -32 : i32
    %and3A_170 = vector.broadcast %and3A_169 : i32 to vector<512x128xi32>
    %and3A_171 = arith.andi %bitcast_convert_type3A_168, %and3A_170 : vector<512x128xi32>
    %or3A_172 = arith.constant 7 : i32
    %or3A_173 = vector.broadcast %or3A_172 : i32 to vector<512x128xi32>
    %or3A_174 = arith.ori %and3A_171, %or3A_173 : vector<512x128xi32>
    %bitcast_convert_type3A_175 = tpu.bitcast %or3A_174 : vector<512x128xi32> -> vector<512x128xf32>
    %lt3A_176 = arith.cmpf olt, %bitcast_convert_type3A_175, %select_n3A_160 : vector<512x128xf32>
    %lt3A_177 = arith.cmpf olt, %bitcast_convert_type3A_175, %select_n3A_162 : vector<512x128xf32>
    %lt3A_178 = arith.cmpf olt, %bitcast_convert_type3A_175, %select_n3A_164 : vector<512x128xf32>
    %lt3A_179 = arith.cmpf olt, %bitcast_convert_type3A_175, %select_n3A_166 : vector<512x128xf32>
    %select_n3A_180 = arith.select %lt3A_176, %bitcast_convert_type3A_175, %select_n3A_160 : vector<512x128xi1>, vector<512x128xf32>
    %select_n3A_181 = arith.select %lt3A_177, %bitcast_convert_type3A_175, %select_n3A_162 : vector<512x128xi1>, vector<512x128xf32>
    %select_n3A_182 = arith.select %lt3A_176, %select_n3A_160, %select_n3A_181 : vector<512x128xi1>, vector<512x128xf32>
    %select_n3A_183 = arith.select %lt3A_178, %bitcast_convert_type3A_175, %select_n3A_164 : vector<512x128xi1>, vector<512x128xf32>
    %select_n3A_184 = arith.select %lt3A_177, %select_n3A_162, %select_n3A_183 : vector<512x128xi1>, vector<512x128xf32>
    %select_n3A_185 = arith.select %lt3A_179, %bitcast_convert_type3A_175, %select_n3A_166 : vector<512x128xi1>, vector<512x128xf32>
    %select_n3A_186 = arith.select %lt3A_178, %select_n3A_164, %select_n3A_185 : vector<512x128xi1>, vector<512x128xf32>
    %slice3A_187 = vector.extract_strided_slice %sub3A {offsets = [0, 1024], sizes = [512, 128], strides = [1, 1]} : vector<512x4096xf32> to vector<512x128xf32>
    %bitcast_convert_type3A_188 = tpu.bitcast %slice3A_187 : vector<512x128xf32> -> vector<512x128xi32>
    %and3A_189 = arith.constant -32 : i32
    %and3A_190 = vector.broadcast %and3A_189 : i32 to vector<512x128xi32>
    %and3A_191 = arith.andi %bitcast_convert_type3A_188, %and3A_190 : vector<512x128xi32>
    %or3A_192 = arith.constant 8 : i32
    %or3A_193 = vector.broadcast %or3A_192 : i32 to vector<512x128xi32>
    %or3A_194 = arith.ori %and3A_191, %or3A_193 : vector<512x128xi32>
    %bitcast_convert_type3A_195 = tpu.bitcast %or3A_194 : vector<512x128xi32> -> vector<512x128xf32>
    %lt3A_196 = arith.cmpf olt, %bitcast_convert_type3A_195, %select_n3A_180 : vector<512x128xf32>
    %lt3A_197 = arith.cmpf olt, %bitcast_convert_type3A_195, %select_n3A_182 : vector<512x128xf32>
    %lt3A_198 = arith.cmpf olt, %bitcast_convert_type3A_195, %select_n3A_184 : vector<512x128xf32>
    %lt3A_199 = arith.cmpf olt, %bitcast_convert_type3A_195, %select_n3A_186 : vector<512x128xf32>
    %select_n3A_200 = arith.select %lt3A_196, %bitcast_convert_type3A_195, %select_n3A_180 : vector<512x128xi1>, vector<512x128xf32>
    %select_n3A_201 = arith.select %lt3A_197, %bitcast_convert_type3A_195, %select_n3A_182 : vector<512x128xi1>, vector<512x128xf32>
    %select_n3A_202 = arith.select %lt3A_196, %select_n3A_180, %select_n3A_201 : vector<512x128xi1>, vector<512x128xf32>
    %select_n3A_203 = arith.select %lt3A_198, %bitcast_convert_type3A_195, %select_n3A_184 : vector<512x128xi1>, vector<512x128xf32>
    %select_n3A_204 = arith.select %lt3A_197, %select_n3A_182, %select_n3A_203 : vector<512x128xi1>, vector<512x128xf32>
    %select_n3A_205 = arith.select %lt3A_199, %bitcast_convert_type3A_195, %select_n3A_186 : vector<512x128xi1>, vector<512x128xf32>
    %select_n3A_206 = arith.select %lt3A_198, %select_n3A_184, %select_n3A_205 : vector<512x128xi1>, vector<512x128xf32>
    %slice3A_207 = vector.extract_strided_slice %sub3A {offsets = [0, 1152], sizes = [512, 128], strides = [1, 1]} : vector<512x4096xf32> to vector<512x128xf32>
    %bitcast_convert_type3A_208 = tpu.bitcast %slice3A_207 : vector<512x128xf32> -> vector<512x128xi32>
    %and3A_209 = arith.constant -32 : i32
    %and3A_210 = vector.broadcast %and3A_209 : i32 to vector<512x128xi32>
    %and3A_211 = arith.andi %bitcast_convert_type3A_208, %and3A_210 : vector<512x128xi32>
    %or3A_212 = arith.constant 9 : i32
    %or3A_213 = vector.broadcast %or3A_212 : i32 to vector<512x128xi32>
    %or3A_214 = arith.ori %and3A_211, %or3A_213 : vector<512x128xi32>
    %bitcast_convert_type3A_215 = tpu.bitcast %or3A_214 : vector<512x128xi32> -> vector<512x128xf32>
    %lt3A_216 = arith.cmpf olt, %bitcast_convert_type3A_215, %select_n3A_200 : vector<512x128xf32>
    %lt3A_217 = arith.cmpf olt, %bitcast_convert_type3A_215, %select_n3A_202 : vector<512x128xf32>
    %lt3A_218 = arith.cmpf olt, %bitcast_convert_type3A_215, %select_n3A_204 : vector<512x128xf32>
    %lt3A_219 = arith.cmpf olt, %bitcast_convert_type3A_215, %select_n3A_206 : vector<512x128xf32>
    %select_n3A_220 = arith.select %lt3A_216, %bitcast_convert_type3A_215, %select_n3A_200 : vector<512x128xi1>, vector<512x128xf32>
    %select_n3A_221 = arith.select %lt3A_217, %bitcast_convert_type3A_215, %select_n3A_202 : vector<512x128xi1>, vector<512x128xf32>
    %select_n3A_222 = arith.select %lt3A_216, %select_n3A_200, %select_n3A_221 : vector<512x128xi1>, vector<512x128xf32>
    %select_n3A_223 = arith.select %lt3A_218, %bitcast_convert_type3A_215, %select_n3A_204 : vector<512x128xi1>, vector<512x128xf32>
    %select_n3A_224 = arith.select %lt3A_217, %select_n3A_202, %select_n3A_223 : vector<512x128xi1>, vector<512x128xf32>
    %select_n3A_225 = arith.select %lt3A_219, %bitcast_convert_type3A_215, %select_n3A_206 : vector<512x128xi1>, vector<512x128xf32>
    %select_n3A_226 = arith.select %lt3A_218, %select_n3A_204, %select_n3A_225 : vector<512x128xi1>, vector<512x128xf32>
    %slice3A_227 = vector.extract_strided_slice %sub3A {offsets = [0, 1280], sizes = [512, 128], strides = [1, 1]} : vector<512x4096xf32> to vector<512x128xf32>
    %bitcast_convert_type3A_228 = tpu.bitcast %slice3A_227 : vector<512x128xf32> -> vector<512x128xi32>
    %and3A_229 = arith.constant -32 : i32
    %and3A_230 = vector.broadcast %and3A_229 : i32 to vector<512x128xi32>
    %and3A_231 = arith.andi %bitcast_convert_type3A_228, %and3A_230 : vector<512x128xi32>
    %or3A_232 = arith.constant 10 : i32
    %or3A_233 = vector.broadcast %or3A_232 : i32 to vector<512x128xi32>
    %or3A_234 = arith.ori %and3A_231, %or3A_233 : vector<512x128xi32>
    %bitcast_convert_type3A_235 = tpu.bitcast %or3A_234 : vector<512x128xi32> -> vector<512x128xf32>
    %lt3A_236 = arith.cmpf olt, %bitcast_convert_type3A_235, %select_n3A_220 : vector<512x128xf32>
    %lt3A_237 = arith.cmpf olt, %bitcast_convert_type3A_235, %select_n3A_222 : vector<512x128xf32>
    %lt3A_238 = arith.cmpf olt, %bitcast_convert_type3A_235, %select_n3A_224 : vector<512x128xf32>
    %lt3A_239 = arith.cmpf olt, %bitcast_convert_type3A_235, %select_n3A_226 : vector<512x128xf32>
    %select_n3A_240 = arith.select %lt3A_236, %bitcast_convert_type3A_235, %select_n3A_220 : vector<512x128xi1>, vector<512x128xf32>
    %select_n3A_241 = arith.select %lt3A_237, %bitcast_convert_type3A_235, %select_n3A_222 : vector<512x128xi1>, vector<512x128xf32>
    %select_n3A_242 = arith.select %lt3A_236, %select_n3A_220, %select_n3A_241 : vector<512x128xi1>, vector<512x128xf32>
    %select_n3A_243 = arith.select %lt3A_238, %bitcast_convert_type3A_235, %select_n3A_224 : vector<512x128xi1>, vector<512x128xf32>
    %select_n3A_244 = arith.select %lt3A_237, %select_n3A_222, %select_n3A_243 : vector<512x128xi1>, vector<512x128xf32>
    %select_n3A_245 = arith.select %lt3A_239, %bitcast_convert_type3A_235, %select_n3A_226 : vector<512x128xi1>, vector<512x128xf32>
    %select_n3A_246 = arith.select %lt3A_238, %select_n3A_224, %select_n3A_245 : vector<512x128xi1>, vector<512x128xf32>
    %slice3A_247 = vector.extract_strided_slice %sub3A {offsets = [0, 1408], sizes = [512, 128], strides = [1, 1]} : vector<512x4096xf32> to vector<512x128xf32>
    %bitcast_convert_type3A_248 = tpu.bitcast %slice3A_247 : vector<512x128xf32> -> vector<512x128xi32>
    %and3A_249 = arith.constant -32 : i32
    %and3A_250 = vector.broadcast %and3A_249 : i32 to vector<512x128xi32>
    %and3A_251 = arith.andi %bitcast_convert_type3A_248, %and3A_250 : vector<512x128xi32>
    %or3A_252 = arith.constant 11 : i32
    %or3A_253 = vector.broadcast %or3A_252 : i32 to vector<512x128xi32>
    %or3A_254 = arith.ori %and3A_251, %or3A_253 : vector<512x128xi32>
    %bitcast_convert_type3A_255 = tpu.bitcast %or3A_254 : vector<512x128xi32> -> vector<512x128xf32>
    %lt3A_256 = arith.cmpf olt, %bitcast_convert_type3A_255, %select_n3A_240 : vector<512x128xf32>
    %lt3A_257 = arith.cmpf olt, %bitcast_convert_type3A_255, %select_n3A_242 : vector<512x128xf32>
    %lt3A_258 = arith.cmpf olt, %bitcast_convert_type3A_255, %select_n3A_244 : vector<512x128xf32>
    %lt3A_259 = arith.cmpf olt, %bitcast_convert_type3A_255, %select_n3A_246 : vector<512x128xf32>
    %select_n3A_260 = arith.select %lt3A_256, %bitcast_convert_type3A_255, %select_n3A_240 : vector<512x128xi1>, vector<512x128xf32>
    %select_n3A_261 = arith.select %lt3A_257, %bitcast_convert_type3A_255, %select_n3A_242 : vector<512x128xi1>, vector<512x128xf32>
    %select_n3A_262 = arith.select %lt3A_256, %select_n3A_240, %select_n3A_261 : vector<512x128xi1>, vector<512x128xf32>
    %select_n3A_263 = arith.select %lt3A_258, %bitcast_convert_type3A_255, %select_n3A_244 : vector<512x128xi1>, vector<512x128xf32>
    %select_n3A_264 = arith.select %lt3A_257, %select_n3A_242, %select_n3A_263 : vector<512x128xi1>, vector<512x128xf32>
    %select_n3A_265 = arith.select %lt3A_259, %bitcast_convert_type3A_255, %select_n3A_246 : vector<512x128xi1>, vector<512x128xf32>
    %select_n3A_266 = arith.select %lt3A_258, %select_n3A_244, %select_n3A_265 : vector<512x128xi1>, vector<512x128xf32>
    %slice3A_267 = vector.extract_strided_slice %sub3A {offsets = [0, 1536], sizes = [512, 128], strides = [1, 1]} : vector<512x4096xf32> to vector<512x128xf32>
    %bitcast_convert_type3A_268 = tpu.bitcast %slice3A_267 : vector<512x128xf32> -> vector<512x128xi32>
    %and3A_269 = arith.constant -32 : i32
    %and3A_270 = vector.broadcast %and3A_269 : i32 to vector<512x128xi32>
    %and3A_271 = arith.andi %bitcast_convert_type3A_268, %and3A_270 : vector<512x128xi32>
    %or3A_272 = arith.constant 12 : i32
    %or3A_273 = vector.broadcast %or3A_272 : i32 to vector<512x128xi32>
    %or3A_274 = arith.ori %and3A_271, %or3A_273 : vector<512x128xi32>
    %bitcast_convert_type3A_275 = tpu.bitcast %or3A_274 : vector<512x128xi32> -> vector<512x128xf32>
    %lt3A_276 = arith.cmpf olt, %bitcast_convert_type3A_275, %select_n3A_260 : vector<512x128xf32>
    %lt3A_277 = arith.cmpf olt, %bitcast_convert_type3A_275, %select_n3A_262 : vector<512x128xf32>
    %lt3A_278 = arith.cmpf olt, %bitcast_convert_type3A_275, %select_n3A_264 : vector<512x128xf32>
    %lt3A_279 = arith.cmpf olt, %bitcast_convert_type3A_275, %select_n3A_266 : vector<512x128xf32>
    %select_n3A_280 = arith.select %lt3A_276, %bitcast_convert_type3A_275, %select_n3A_260 : vector<512x128xi1>, vector<512x128xf32>
    %select_n3A_281 = arith.select %lt3A_277, %bitcast_convert_type3A_275, %select_n3A_262 : vector<512x128xi1>, vector<512x128xf32>
    %select_n3A_282 = arith.select %lt3A_276, %select_n3A_260, %select_n3A_281 : vector<512x128xi1>, vector<512x128xf32>
    %select_n3A_283 = arith.select %lt3A_278, %bitcast_convert_type3A_275, %select_n3A_264 : vector<512x128xi1>, vector<512x128xf32>
    %select_n3A_284 = arith.select %lt3A_277, %select_n3A_262, %select_n3A_283 : vector<512x128xi1>, vector<512x128xf32>
    %select_n3A_285 = arith.select %lt3A_279, %bitcast_convert_type3A_275, %select_n3A_266 : vector<512x128xi1>, vector<512x128xf32>
    %select_n3A_286 = arith.select %lt3A_278, %select_n3A_264, %select_n3A_285 : vector<512x128xi1>, vector<512x128xf32>
    %slice3A_287 = vector.extract_strided_slice %sub3A {offsets = [0, 1664], sizes = [512, 128], strides = [1, 1]} : vector<512x4096xf32> to vector<512x128xf32>
    %bitcast_convert_type3A_288 = tpu.bitcast %slice3A_287 : vector<512x128xf32> -> vector<512x128xi32>
    %and3A_289 = arith.constant -32 : i32
    %and3A_290 = vector.broadcast %and3A_289 : i32 to vector<512x128xi32>
    %and3A_291 = arith.andi %bitcast_convert_type3A_288, %and3A_290 : vector<512x128xi32>
    %or3A_292 = arith.constant 13 : i32
    %or3A_293 = vector.broadcast %or3A_292 : i32 to vector<512x128xi32>
    %or3A_294 = arith.ori %and3A_291, %or3A_293 : vector<512x128xi32>
    %bitcast_convert_type3A_295 = tpu.bitcast %or3A_294 : vector<512x128xi32> -> vector<512x128xf32>
    %lt3A_296 = arith.cmpf olt, %bitcast_convert_type3A_295, %select_n3A_280 : vector<512x128xf32>
    %lt3A_297 = arith.cmpf olt, %bitcast_convert_type3A_295, %select_n3A_282 : vector<512x128xf32>
    %lt3A_298 = arith.cmpf olt, %bitcast_convert_type3A_295, %select_n3A_284 : vector<512x128xf32>
    %lt3A_299 = arith.cmpf olt, %bitcast_convert_type3A_295, %select_n3A_286 : vector<512x128xf32>
    %select_n3A_300 = arith.select %lt3A_296, %bitcast_convert_type3A_295, %select_n3A_280 : vector<512x128xi1>, vector<512x128xf32>
    %select_n3A_301 = arith.select %lt3A_297, %bitcast_convert_type3A_295, %select_n3A_282 : vector<512x128xi1>, vector<512x128xf32>
    %select_n3A_302 = arith.select %lt3A_296, %select_n3A_280, %select_n3A_301 : vector<512x128xi1>, vector<512x128xf32>
    %select_n3A_303 = arith.select %lt3A_298, %bitcast_convert_type3A_295, %select_n3A_284 : vector<512x128xi1>, vector<512x128xf32>
    %select_n3A_304 = arith.select %lt3A_297, %select_n3A_282, %select_n3A_303 : vector<512x128xi1>, vector<512x128xf32>
    %select_n3A_305 = arith.select %lt3A_299, %bitcast_convert_type3A_295, %select_n3A_286 : vector<512x128xi1>, vector<512x128xf32>
    %select_n3A_306 = arith.select %lt3A_298, %select_n3A_284, %select_n3A_305 : vector<512x128xi1>, vector<512x128xf32>
    %slice3A_307 = vector.extract_strided_slice %sub3A {offsets = [0, 1792], sizes = [512, 128], strides = [1, 1]} : vector<512x4096xf32> to vector<512x128xf32>
    %bitcast_convert_type3A_308 = tpu.bitcast %slice3A_307 : vector<512x128xf32> -> vector<512x128xi32>
    %and3A_309 = arith.constant -32 : i32
    %and3A_310 = vector.broadcast %and3A_309 : i32 to vector<512x128xi32>
    %and3A_311 = arith.andi %bitcast_convert_type3A_308, %and3A_310 : vector<512x128xi32>
    %or3A_312 = arith.constant 14 : i32
    %or3A_313 = vector.broadcast %or3A_312 : i32 to vector<512x128xi32>
    %or3A_314 = arith.ori %and3A_311, %or3A_313 : vector<512x128xi32>
    %bitcast_convert_type3A_315 = tpu.bitcast %or3A_314 : vector<512x128xi32> -> vector<512x128xf32>
    %lt3A_316 = arith.cmpf olt, %bitcast_convert_type3A_315, %select_n3A_300 : vector<512x128xf32>
    %lt3A_317 = arith.cmpf olt, %bitcast_convert_type3A_315, %select_n3A_302 : vector<512x128xf32>
    %lt3A_318 = arith.cmpf olt, %bitcast_convert_type3A_315, %select_n3A_304 : vector<512x128xf32>
    %lt3A_319 = arith.cmpf olt, %bitcast_convert_type3A_315, %select_n3A_306 : vector<512x128xf32>
    %select_n3A_320 = arith.select %lt3A_316, %bitcast_convert_type3A_315, %select_n3A_300 : vector<512x128xi1>, vector<512x128xf32>
    %select_n3A_321 = arith.select %lt3A_317, %bitcast_convert_type3A_315, %select_n3A_302 : vector<512x128xi1>, vector<512x128xf32>
    %select_n3A_322 = arith.select %lt3A_316, %select_n3A_300, %select_n3A_321 : vector<512x128xi1>, vector<512x128xf32>
    %select_n3A_323 = arith.select %lt3A_318, %bitcast_convert_type3A_315, %select_n3A_304 : vector<512x128xi1>, vector<512x128xf32>
    %select_n3A_324 = arith.select %lt3A_317, %select_n3A_302, %select_n3A_323 : vector<512x128xi1>, vector<512x128xf32>
    %select_n3A_325 = arith.select %lt3A_319, %bitcast_convert_type3A_315, %select_n3A_306 : vector<512x128xi1>, vector<512x128xf32>
    %select_n3A_326 = arith.select %lt3A_318, %select_n3A_304, %select_n3A_325 : vector<512x128xi1>, vector<512x128xf32>
    %slice3A_327 = vector.extract_strided_slice %sub3A {offsets = [0, 1920], sizes = [512, 128], strides = [1, 1]} : vector<512x4096xf32> to vector<512x128xf32>
    %bitcast_convert_type3A_328 = tpu.bitcast %slice3A_327 : vector<512x128xf32> -> vector<512x128xi32>
    %and3A_329 = arith.constant -32 : i32
    %and3A_330 = vector.broadcast %and3A_329 : i32 to vector<512x128xi32>
    %and3A_331 = arith.andi %bitcast_convert_type3A_328, %and3A_330 : vector<512x128xi32>
    %or3A_332 = arith.constant 15 : i32
    %or3A_333 = vector.broadcast %or3A_332 : i32 to vector<512x128xi32>
    %or3A_334 = arith.ori %and3A_331, %or3A_333 : vector<512x128xi32>
    %bitcast_convert_type3A_335 = tpu.bitcast %or3A_334 : vector<512x128xi32> -> vector<512x128xf32>
    %lt3A_336 = arith.cmpf olt, %bitcast_convert_type3A_335, %select_n3A_320 : vector<512x128xf32>
    %lt3A_337 = arith.cmpf olt, %bitcast_convert_type3A_335, %select_n3A_322 : vector<512x128xf32>
    %lt3A_338 = arith.cmpf olt, %bitcast_convert_type3A_335, %select_n3A_324 : vector<512x128xf32>
    %lt3A_339 = arith.cmpf olt, %bitcast_convert_type3A_335, %select_n3A_326 : vector<512x128xf32>
    %select_n3A_340 = arith.select %lt3A_336, %bitcast_convert_type3A_335, %select_n3A_320 : vector<512x128xi1>, vector<512x128xf32>
    %select_n3A_341 = arith.select %lt3A_337, %bitcast_convert_type3A_335, %select_n3A_322 : vector<512x128xi1>, vector<512x128xf32>
    %select_n3A_342 = arith.select %lt3A_336, %select_n3A_320, %select_n3A_341 : vector<512x128xi1>, vector<512x128xf32>
    %select_n3A_343 = arith.select %lt3A_338, %bitcast_convert_type3A_335, %select_n3A_324 : vector<512x128xi1>, vector<512x128xf32>
    %select_n3A_344 = arith.select %lt3A_337, %select_n3A_322, %select_n3A_343 : vector<512x128xi1>, vector<512x128xf32>
    %select_n3A_345 = arith.select %lt3A_339, %bitcast_convert_type3A_335, %select_n3A_326 : vector<512x128xi1>, vector<512x128xf32>
    %select_n3A_346 = arith.select %lt3A_338, %select_n3A_324, %select_n3A_345 : vector<512x128xi1>, vector<512x128xf32>
    %slice3A_347 = vector.extract_strided_slice %sub3A {offsets = [0, 2048], sizes = [512, 128], strides = [1, 1]} : vector<512x4096xf32> to vector<512x128xf32>
    %bitcast_convert_type3A_348 = tpu.bitcast %slice3A_347 : vector<512x128xf32> -> vector<512x128xi32>
    %and3A_349 = arith.constant -32 : i32
    %and3A_350 = vector.broadcast %and3A_349 : i32 to vector<512x128xi32>
    %and3A_351 = arith.andi %bitcast_convert_type3A_348, %and3A_350 : vector<512x128xi32>
    %or3A_352 = arith.constant 16 : i32
    %or3A_353 = vector.broadcast %or3A_352 : i32 to vector<512x128xi32>
    %or3A_354 = arith.ori %and3A_351, %or3A_353 : vector<512x128xi32>
    %bitcast_convert_type3A_355 = tpu.bitcast %or3A_354 : vector<512x128xi32> -> vector<512x128xf32>
    %lt3A_356 = arith.cmpf olt, %bitcast_convert_type3A_355, %select_n3A_340 : vector<512x128xf32>
    %lt3A_357 = arith.cmpf olt, %bitcast_convert_type3A_355, %select_n3A_342 : vector<512x128xf32>
    %lt3A_358 = arith.cmpf olt, %bitcast_convert_type3A_355, %select_n3A_344 : vector<512x128xf32>
    %lt3A_359 = arith.cmpf olt, %bitcast_convert_type3A_355, %select_n3A_346 : vector<512x128xf32>
    %select_n3A_360 = arith.select %lt3A_356, %bitcast_convert_type3A_355, %select_n3A_340 : vector<512x128xi1>, vector<512x128xf32>
    %select_n3A_361 = arith.select %lt3A_357, %bitcast_convert_type3A_355, %select_n3A_342 : vector<512x128xi1>, vector<512x128xf32>
    %select_n3A_362 = arith.select %lt3A_356, %select_n3A_340, %select_n3A_361 : vector<512x128xi1>, vector<512x128xf32>
    %select_n3A_363 = arith.select %lt3A_358, %bitcast_convert_type3A_355, %select_n3A_344 : vector<512x128xi1>, vector<512x128xf32>
    %select_n3A_364 = arith.select %lt3A_357, %select_n3A_342, %select_n3A_363 : vector<512x128xi1>, vector<512x128xf32>
    %select_n3A_365 = arith.select %lt3A_359, %bitcast_convert_type3A_355, %select_n3A_346 : vector<512x128xi1>, vector<512x128xf32>
    %select_n3A_366 = arith.select %lt3A_358, %select_n3A_344, %select_n3A_365 : vector<512x128xi1>, vector<512x128xf32>
    %slice3A_367 = vector.extract_strided_slice %sub3A {offsets = [0, 2176], sizes = [512, 128], strides = [1, 1]} : vector<512x4096xf32> to vector<512x128xf32>
    %bitcast_convert_type3A_368 = tpu.bitcast %slice3A_367 : vector<512x128xf32> -> vector<512x128xi32>
    %and3A_369 = arith.constant -32 : i32
    %and3A_370 = vector.broadcast %and3A_369 : i32 to vector<512x128xi32>
    %and3A_371 = arith.andi %bitcast_convert_type3A_368, %and3A_370 : vector<512x128xi32>
    %or3A_372 = arith.constant 17 : i32
    %or3A_373 = vector.broadcast %or3A_372 : i32 to vector<512x128xi32>
    %or3A_374 = arith.ori %and3A_371, %or3A_373 : vector<512x128xi32>
    %bitcast_convert_type3A_375 = tpu.bitcast %or3A_374 : vector<512x128xi32> -> vector<512x128xf32>
    %lt3A_376 = arith.cmpf olt, %bitcast_convert_type3A_375, %select_n3A_360 : vector<512x128xf32>
    %lt3A_377 = arith.cmpf olt, %bitcast_convert_type3A_375, %select_n3A_362 : vector<512x128xf32>
    %lt3A_378 = arith.cmpf olt, %bitcast_convert_type3A_375, %select_n3A_364 : vector<512x128xf32>
    %lt3A_379 = arith.cmpf olt, %bitcast_convert_type3A_375, %select_n3A_366 : vector<512x128xf32>
    %select_n3A_380 = arith.select %lt3A_376, %bitcast_convert_type3A_375, %select_n3A_360 : vector<512x128xi1>, vector<512x128xf32>
    %select_n3A_381 = arith.select %lt3A_377, %bitcast_convert_type3A_375, %select_n3A_362 : vector<512x128xi1>, vector<512x128xf32>
    %select_n3A_382 = arith.select %lt3A_376, %select_n3A_360, %select_n3A_381 : vector<512x128xi1>, vector<512x128xf32>
    %select_n3A_383 = arith.select %lt3A_378, %bitcast_convert_type3A_375, %select_n3A_364 : vector<512x128xi1>, vector<512x128xf32>
    %select_n3A_384 = arith.select %lt3A_377, %select_n3A_362, %select_n3A_383 : vector<512x128xi1>, vector<512x128xf32>
    %select_n3A_385 = arith.select %lt3A_379, %bitcast_convert_type3A_375, %select_n3A_366 : vector<512x128xi1>, vector<512x128xf32>
    %select_n3A_386 = arith.select %lt3A_378, %select_n3A_364, %select_n3A_385 : vector<512x128xi1>, vector<512x128xf32>
    %slice3A_387 = vector.extract_strided_slice %sub3A {offsets = [0, 2304], sizes = [512, 128], strides = [1, 1]} : vector<512x4096xf32> to vector<512x128xf32>
    %bitcast_convert_type3A_388 = tpu.bitcast %slice3A_387 : vector<512x128xf32> -> vector<512x128xi32>
    %and3A_389 = arith.constant -32 : i32
    %and3A_390 = vector.broadcast %and3A_389 : i32 to vector<512x128xi32>
    %and3A_391 = arith.andi %bitcast_convert_type3A_388, %and3A_390 : vector<512x128xi32>
    %or3A_392 = arith.constant 18 : i32
    %or3A_393 = vector.broadcast %or3A_392 : i32 to vector<512x128xi32>
    %or3A_394 = arith.ori %and3A_391, %or3A_393 : vector<512x128xi32>
    %bitcast_convert_type3A_395 = tpu.bitcast %or3A_394 : vector<512x128xi32> -> vector<512x128xf32>
    %lt3A_396 = arith.cmpf olt, %bitcast_convert_type3A_395, %select_n3A_380 : vector<512x128xf32>
    %lt3A_397 = arith.cmpf olt, %bitcast_convert_type3A_395, %select_n3A_382 : vector<512x128xf32>
    %lt3A_398 = arith.cmpf olt, %bitcast_convert_type3A_395, %select_n3A_384 : vector<512x128xf32>
    %lt3A_399 = arith.cmpf olt, %bitcast_convert_type3A_395, %select_n3A_386 : vector<512x128xf32>
    %select_n3A_400 = arith.select %lt3A_396, %bitcast_convert_type3A_395, %select_n3A_380 : vector<512x128xi1>, vector<512x128xf32>
    %select_n3A_401 = arith.select %lt3A_397, %bitcast_convert_type3A_395, %select_n3A_382 : vector<512x128xi1>, vector<512x128xf32>
    %select_n3A_402 = arith.select %lt3A_396, %select_n3A_380, %select_n3A_401 : vector<512x128xi1>, vector<512x128xf32>
    %select_n3A_403 = arith.select %lt3A_398, %bitcast_convert_type3A_395, %select_n3A_384 : vector<512x128xi1>, vector<512x128xf32>
    %select_n3A_404 = arith.select %lt3A_397, %select_n3A_382, %select_n3A_403 : vector<512x128xi1>, vector<512x128xf32>
    %select_n3A_405 = arith.select %lt3A_399, %bitcast_convert_type3A_395, %select_n3A_386 : vector<512x128xi1>, vector<512x128xf32>
    %select_n3A_406 = arith.select %lt3A_398, %select_n3A_384, %select_n3A_405 : vector<512x128xi1>, vector<512x128xf32>
    %slice3A_407 = vector.extract_strided_slice %sub3A {offsets = [0, 2432], sizes = [512, 128], strides = [1, 1]} : vector<512x4096xf32> to vector<512x128xf32>
    %bitcast_convert_type3A_408 = tpu.bitcast %slice3A_407 : vector<512x128xf32> -> vector<512x128xi32>
    %and3A_409 = arith.constant -32 : i32
    %and3A_410 = vector.broadcast %and3A_409 : i32 to vector<512x128xi32>
    %and3A_411 = arith.andi %bitcast_convert_type3A_408, %and3A_410 : vector<512x128xi32>
    %or3A_412 = arith.constant 19 : i32
    %or3A_413 = vector.broadcast %or3A_412 : i32 to vector<512x128xi32>
    %or3A_414 = arith.ori %and3A_411, %or3A_413 : vector<512x128xi32>
    %bitcast_convert_type3A_415 = tpu.bitcast %or3A_414 : vector<512x128xi32> -> vector<512x128xf32>
    %lt3A_416 = arith.cmpf olt, %bitcast_convert_type3A_415, %select_n3A_400 : vector<512x128xf32>
    %lt3A_417 = arith.cmpf olt, %bitcast_convert_type3A_415, %select_n3A_402 : vector<512x128xf32>
    %lt3A_418 = arith.cmpf olt, %bitcast_convert_type3A_415, %select_n3A_404 : vector<512x128xf32>
    %lt3A_419 = arith.cmpf olt, %bitcast_convert_type3A_415, %select_n3A_406 : vector<512x128xf32>
    %select_n3A_420 = arith.select %lt3A_416, %bitcast_convert_type3A_415, %select_n3A_400 : vector<512x128xi1>, vector<512x128xf32>
    %select_n3A_421 = arith.select %lt3A_417, %bitcast_convert_type3A_415, %select_n3A_402 : vector<512x128xi1>, vector<512x128xf32>
    %select_n3A_422 = arith.select %lt3A_416, %select_n3A_400, %select_n3A_421 : vector<512x128xi1>, vector<512x128xf32>
    %select_n3A_423 = arith.select %lt3A_418, %bitcast_convert_type3A_415, %select_n3A_404 : vector<512x128xi1>, vector<512x128xf32>
    %select_n3A_424 = arith.select %lt3A_417, %select_n3A_402, %select_n3A_423 : vector<512x128xi1>, vector<512x128xf32>
    %select_n3A_425 = arith.select %lt3A_419, %bitcast_convert_type3A_415, %select_n3A_406 : vector<512x128xi1>, vector<512x128xf32>
    %select_n3A_426 = arith.select %lt3A_418, %select_n3A_404, %select_n3A_425 : vector<512x128xi1>, vector<512x128xf32>
    %slice3A_427 = vector.extract_strided_slice %sub3A {offsets = [0, 2560], sizes = [512, 128], strides = [1, 1]} : vector<512x4096xf32> to vector<512x128xf32>
    %bitcast_convert_type3A_428 = tpu.bitcast %slice3A_427 : vector<512x128xf32> -> vector<512x128xi32>
    %and3A_429 = arith.constant -32 : i32
    %and3A_430 = vector.broadcast %and3A_429 : i32 to vector<512x128xi32>
    %and3A_431 = arith.andi %bitcast_convert_type3A_428, %and3A_430 : vector<512x128xi32>
    %or3A_432 = arith.constant 20 : i32
    %or3A_433 = vector.broadcast %or3A_432 : i32 to vector<512x128xi32>
    %or3A_434 = arith.ori %and3A_431, %or3A_433 : vector<512x128xi32>
    %bitcast_convert_type3A_435 = tpu.bitcast %or3A_434 : vector<512x128xi32> -> vector<512x128xf32>
    %lt3A_436 = arith.cmpf olt, %bitcast_convert_type3A_435, %select_n3A_420 : vector<512x128xf32>
    %lt3A_437 = arith.cmpf olt, %bitcast_convert_type3A_435, %select_n3A_422 : vector<512x128xf32>
    %lt3A_438 = arith.cmpf olt, %bitcast_convert_type3A_435, %select_n3A_424 : vector<512x128xf32>
    %lt3A_439 = arith.cmpf olt, %bitcast_convert_type3A_435, %select_n3A_426 : vector<512x128xf32>
    %select_n3A_440 = arith.select %lt3A_436, %bitcast_convert_type3A_435, %select_n3A_420 : vector<512x128xi1>, vector<512x128xf32>
    %select_n3A_441 = arith.select %lt3A_437, %bitcast_convert_type3A_435, %select_n3A_422 : vector<512x128xi1>, vector<512x128xf32>
    %select_n3A_442 = arith.select %lt3A_436, %select_n3A_420, %select_n3A_441 : vector<512x128xi1>, vector<512x128xf32>
    %select_n3A_443 = arith.select %lt3A_438, %bitcast_convert_type3A_435, %select_n3A_424 : vector<512x128xi1>, vector<512x128xf32>
    %select_n3A_444 = arith.select %lt3A_437, %select_n3A_422, %select_n3A_443 : vector<512x128xi1>, vector<512x128xf32>
    %select_n3A_445 = arith.select %lt3A_439, %bitcast_convert_type3A_435, %select_n3A_426 : vector<512x128xi1>, vector<512x128xf32>
    %select_n3A_446 = arith.select %lt3A_438, %select_n3A_424, %select_n3A_445 : vector<512x128xi1>, vector<512x128xf32>
    %slice3A_447 = vector.extract_strided_slice %sub3A {offsets = [0, 2688], sizes = [512, 128], strides = [1, 1]} : vector<512x4096xf32> to vector<512x128xf32>
    %bitcast_convert_type3A_448 = tpu.bitcast %slice3A_447 : vector<512x128xf32> -> vector<512x128xi32>
    %and3A_449 = arith.constant -32 : i32
    %and3A_450 = vector.broadcast %and3A_449 : i32 to vector<512x128xi32>
    %and3A_451 = arith.andi %bitcast_convert_type3A_448, %and3A_450 : vector<512x128xi32>
    %or3A_452 = arith.constant 21 : i32
    %or3A_453 = vector.broadcast %or3A_452 : i32 to vector<512x128xi32>
    %or3A_454 = arith.ori %and3A_451, %or3A_453 : vector<512x128xi32>
    %bitcast_convert_type3A_455 = tpu.bitcast %or3A_454 : vector<512x128xi32> -> vector<512x128xf32>
    %lt3A_456 = arith.cmpf olt, %bitcast_convert_type3A_455, %select_n3A_440 : vector<512x128xf32>
    %lt3A_457 = arith.cmpf olt, %bitcast_convert_type3A_455, %select_n3A_442 : vector<512x128xf32>
    %lt3A_458 = arith.cmpf olt, %bitcast_convert_type3A_455, %select_n3A_444 : vector<512x128xf32>
    %lt3A_459 = arith.cmpf olt, %bitcast_convert_type3A_455, %select_n3A_446 : vector<512x128xf32>
    %select_n3A_460 = arith.select %lt3A_456, %bitcast_convert_type3A_455, %select_n3A_440 : vector<512x128xi1>, vector<512x128xf32>
    %select_n3A_461 = arith.select %lt3A_457, %bitcast_convert_type3A_455, %select_n3A_442 : vector<512x128xi1>, vector<512x128xf32>
    %select_n3A_462 = arith.select %lt3A_456, %select_n3A_440, %select_n3A_461 : vector<512x128xi1>, vector<512x128xf32>
    %select_n3A_463 = arith.select %lt3A_458, %bitcast_convert_type3A_455, %select_n3A_444 : vector<512x128xi1>, vector<512x128xf32>
    %select_n3A_464 = arith.select %lt3A_457, %select_n3A_442, %select_n3A_463 : vector<512x128xi1>, vector<512x128xf32>
    %select_n3A_465 = arith.select %lt3A_459, %bitcast_convert_type3A_455, %select_n3A_446 : vector<512x128xi1>, vector<512x128xf32>
    %select_n3A_466 = arith.select %lt3A_458, %select_n3A_444, %select_n3A_465 : vector<512x128xi1>, vector<512x128xf32>
    %slice3A_467 = vector.extract_strided_slice %sub3A {offsets = [0, 2816], sizes = [512, 128], strides = [1, 1]} : vector<512x4096xf32> to vector<512x128xf32>
    %bitcast_convert_type3A_468 = tpu.bitcast %slice3A_467 : vector<512x128xf32> -> vector<512x128xi32>
    %and3A_469 = arith.constant -32 : i32
    %and3A_470 = vector.broadcast %and3A_469 : i32 to vector<512x128xi32>
    %and3A_471 = arith.andi %bitcast_convert_type3A_468, %and3A_470 : vector<512x128xi32>
    %or3A_472 = arith.constant 22 : i32
    %or3A_473 = vector.broadcast %or3A_472 : i32 to vector<512x128xi32>
    %or3A_474 = arith.ori %and3A_471, %or3A_473 : vector<512x128xi32>
    %bitcast_convert_type3A_475 = tpu.bitcast %or3A_474 : vector<512x128xi32> -> vector<512x128xf32>
    %lt3A_476 = arith.cmpf olt, %bitcast_convert_type3A_475, %select_n3A_460 : vector<512x128xf32>
    %lt3A_477 = arith.cmpf olt, %bitcast_convert_type3A_475, %select_n3A_462 : vector<512x128xf32>
    %lt3A_478 = arith.cmpf olt, %bitcast_convert_type3A_475, %select_n3A_464 : vector<512x128xf32>
    %lt3A_479 = arith.cmpf olt, %bitcast_convert_type3A_475, %select_n3A_466 : vector<512x128xf32>
    %select_n3A_480 = arith.select %lt3A_476, %bitcast_convert_type3A_475, %select_n3A_460 : vector<512x128xi1>, vector<512x128xf32>
    %select_n3A_481 = arith.select %lt3A_477, %bitcast_convert_type3A_475, %select_n3A_462 : vector<512x128xi1>, vector<512x128xf32>
    %select_n3A_482 = arith.select %lt3A_476, %select_n3A_460, %select_n3A_481 : vector<512x128xi1>, vector<512x128xf32>
    %select_n3A_483 = arith.select %lt3A_478, %bitcast_convert_type3A_475, %select_n3A_464 : vector<512x128xi1>, vector<512x128xf32>
    %select_n3A_484 = arith.select %lt3A_477, %select_n3A_462, %select_n3A_483 : vector<512x128xi1>, vector<512x128xf32>
    %select_n3A_485 = arith.select %lt3A_479, %bitcast_convert_type3A_475, %select_n3A_466 : vector<512x128xi1>, vector<512x128xf32>
    %select_n3A_486 = arith.select %lt3A_478, %select_n3A_464, %select_n3A_485 : vector<512x128xi1>, vector<512x128xf32>
    %slice3A_487 = vector.extract_strided_slice %sub3A {offsets = [0, 2944], sizes = [512, 128], strides = [1, 1]} : vector<512x4096xf32> to vector<512x128xf32>
    %bitcast_convert_type3A_488 = tpu.bitcast %slice3A_487 : vector<512x128xf32> -> vector<512x128xi32>
    %and3A_489 = arith.constant -32 : i32
    %and3A_490 = vector.broadcast %and3A_489 : i32 to vector<512x128xi32>
    %and3A_491 = arith.andi %bitcast_convert_type3A_488, %and3A_490 : vector<512x128xi32>
    %or3A_492 = arith.constant 23 : i32
    %or3A_493 = vector.broadcast %or3A_492 : i32 to vector<512x128xi32>
    %or3A_494 = arith.ori %and3A_491, %or3A_493 : vector<512x128xi32>
    %bitcast_convert_type3A_495 = tpu.bitcast %or3A_494 : vector<512x128xi32> -> vector<512x128xf32>
    %lt3A_496 = arith.cmpf olt, %bitcast_convert_type3A_495, %select_n3A_480 : vector<512x128xf32>
    %lt3A_497 = arith.cmpf olt, %bitcast_convert_type3A_495, %select_n3A_482 : vector<512x128xf32>
    %lt3A_498 = arith.cmpf olt, %bitcast_convert_type3A_495, %select_n3A_484 : vector<512x128xf32>
    %lt3A_499 = arith.cmpf olt, %bitcast_convert_type3A_495, %select_n3A_486 : vector<512x128xf32>
    %select_n3A_500 = arith.select %lt3A_496, %bitcast_convert_type3A_495, %select_n3A_480 : vector<512x128xi1>, vector<512x128xf32>
    %select_n3A_501 = arith.select %lt3A_497, %bitcast_convert_type3A_495, %select_n3A_482 : vector<512x128xi1>, vector<512x128xf32>
    %select_n3A_502 = arith.select %lt3A_496, %select_n3A_480, %select_n3A_501 : vector<512x128xi1>, vector<512x128xf32>
    %select_n3A_503 = arith.select %lt3A_498, %bitcast_convert_type3A_495, %select_n3A_484 : vector<512x128xi1>, vector<512x128xf32>
    %select_n3A_504 = arith.select %lt3A_497, %select_n3A_482, %select_n3A_503 : vector<512x128xi1>, vector<512x128xf32>
    %select_n3A_505 = arith.select %lt3A_499, %bitcast_convert_type3A_495, %select_n3A_486 : vector<512x128xi1>, vector<512x128xf32>
    %select_n3A_506 = arith.select %lt3A_498, %select_n3A_484, %select_n3A_505 : vector<512x128xi1>, vector<512x128xf32>
    %slice3A_507 = vector.extract_strided_slice %sub3A {offsets = [0, 3072], sizes = [512, 128], strides = [1, 1]} : vector<512x4096xf32> to vector<512x128xf32>
    %bitcast_convert_type3A_508 = tpu.bitcast %slice3A_507 : vector<512x128xf32> -> vector<512x128xi32>
    %and3A_509 = arith.constant -32 : i32
    %and3A_510 = vector.broadcast %and3A_509 : i32 to vector<512x128xi32>
    %and3A_511 = arith.andi %bitcast_convert_type3A_508, %and3A_510 : vector<512x128xi32>
    %or3A_512 = arith.constant 24 : i32
    %or3A_513 = vector.broadcast %or3A_512 : i32 to vector<512x128xi32>
    %or3A_514 = arith.ori %and3A_511, %or3A_513 : vector<512x128xi32>
    %bitcast_convert_type3A_515 = tpu.bitcast %or3A_514 : vector<512x128xi32> -> vector<512x128xf32>
    %lt3A_516 = arith.cmpf olt, %bitcast_convert_type3A_515, %select_n3A_500 : vector<512x128xf32>
    %lt3A_517 = arith.cmpf olt, %bitcast_convert_type3A_515, %select_n3A_502 : vector<512x128xf32>
    %lt3A_518 = arith.cmpf olt, %bitcast_convert_type3A_515, %select_n3A_504 : vector<512x128xf32>
    %lt3A_519 = arith.cmpf olt, %bitcast_convert_type3A_515, %select_n3A_506 : vector<512x128xf32>
    %select_n3A_520 = arith.select %lt3A_516, %bitcast_convert_type3A_515, %select_n3A_500 : vector<512x128xi1>, vector<512x128xf32>
    %select_n3A_521 = arith.select %lt3A_517, %bitcast_convert_type3A_515, %select_n3A_502 : vector<512x128xi1>, vector<512x128xf32>
    %select_n3A_522 = arith.select %lt3A_516, %select_n3A_500, %select_n3A_521 : vector<512x128xi1>, vector<512x128xf32>
    %select_n3A_523 = arith.select %lt3A_518, %bitcast_convert_type3A_515, %select_n3A_504 : vector<512x128xi1>, vector<512x128xf32>
    %select_n3A_524 = arith.select %lt3A_517, %select_n3A_502, %select_n3A_523 : vector<512x128xi1>, vector<512x128xf32>
    %select_n3A_525 = arith.select %lt3A_519, %bitcast_convert_type3A_515, %select_n3A_506 : vector<512x128xi1>, vector<512x128xf32>
    %select_n3A_526 = arith.select %lt3A_518, %select_n3A_504, %select_n3A_525 : vector<512x128xi1>, vector<512x128xf32>
    %slice3A_527 = vector.extract_strided_slice %sub3A {offsets = [0, 3200], sizes = [512, 128], strides = [1, 1]} : vector<512x4096xf32> to vector<512x128xf32>
    %bitcast_convert_type3A_528 = tpu.bitcast %slice3A_527 : vector<512x128xf32> -> vector<512x128xi32>
    %and3A_529 = arith.constant -32 : i32
    %and3A_530 = vector.broadcast %and3A_529 : i32 to vector<512x128xi32>
    %and3A_531 = arith.andi %bitcast_convert_type3A_528, %and3A_530 : vector<512x128xi32>
    %or3A_532 = arith.constant 25 : i32
    %or3A_533 = vector.broadcast %or3A_532 : i32 to vector<512x128xi32>
    %or3A_534 = arith.ori %and3A_531, %or3A_533 : vector<512x128xi32>
    %bitcast_convert_type3A_535 = tpu.bitcast %or3A_534 : vector<512x128xi32> -> vector<512x128xf32>
    %lt3A_536 = arith.cmpf olt, %bitcast_convert_type3A_535, %select_n3A_520 : vector<512x128xf32>
    %lt3A_537 = arith.cmpf olt, %bitcast_convert_type3A_535, %select_n3A_522 : vector<512x128xf32>
    %lt3A_538 = arith.cmpf olt, %bitcast_convert_type3A_535, %select_n3A_524 : vector<512x128xf32>
    %lt3A_539 = arith.cmpf olt, %bitcast_convert_type3A_535, %select_n3A_526 : vector<512x128xf32>
    %select_n3A_540 = arith.select %lt3A_536, %bitcast_convert_type3A_535, %select_n3A_520 : vector<512x128xi1>, vector<512x128xf32>
    %select_n3A_541 = arith.select %lt3A_537, %bitcast_convert_type3A_535, %select_n3A_522 : vector<512x128xi1>, vector<512x128xf32>
    %select_n3A_542 = arith.select %lt3A_536, %select_n3A_520, %select_n3A_541 : vector<512x128xi1>, vector<512x128xf32>
    %select_n3A_543 = arith.select %lt3A_538, %bitcast_convert_type3A_535, %select_n3A_524 : vector<512x128xi1>, vector<512x128xf32>
    %select_n3A_544 = arith.select %lt3A_537, %select_n3A_522, %select_n3A_543 : vector<512x128xi1>, vector<512x128xf32>
    %select_n3A_545 = arith.select %lt3A_539, %bitcast_convert_type3A_535, %select_n3A_526 : vector<512x128xi1>, vector<512x128xf32>
    %select_n3A_546 = arith.select %lt3A_538, %select_n3A_524, %select_n3A_545 : vector<512x128xi1>, vector<512x128xf32>
    %slice3A_547 = vector.extract_strided_slice %sub3A {offsets = [0, 3328], sizes = [512, 128], strides = [1, 1]} : vector<512x4096xf32> to vector<512x128xf32>
    %bitcast_convert_type3A_548 = tpu.bitcast %slice3A_547 : vector<512x128xf32> -> vector<512x128xi32>
    %and3A_549 = arith.constant -32 : i32
    %and3A_550 = vector.broadcast %and3A_549 : i32 to vector<512x128xi32>
    %and3A_551 = arith.andi %bitcast_convert_type3A_548, %and3A_550 : vector<512x128xi32>
    %or3A_552 = arith.constant 26 : i32
    %or3A_553 = vector.broadcast %or3A_552 : i32 to vector<512x128xi32>
    %or3A_554 = arith.ori %and3A_551, %or3A_553 : vector<512x128xi32>
    %bitcast_convert_type3A_555 = tpu.bitcast %or3A_554 : vector<512x128xi32> -> vector<512x128xf32>
    %lt3A_556 = arith.cmpf olt, %bitcast_convert_type3A_555, %select_n3A_540 : vector<512x128xf32>
    %lt3A_557 = arith.cmpf olt, %bitcast_convert_type3A_555, %select_n3A_542 : vector<512x128xf32>
    %lt3A_558 = arith.cmpf olt, %bitcast_convert_type3A_555, %select_n3A_544 : vector<512x128xf32>
    %lt3A_559 = arith.cmpf olt, %bitcast_convert_type3A_555, %select_n3A_546 : vector<512x128xf32>
    %select_n3A_560 = arith.select %lt3A_556, %bitcast_convert_type3A_555, %select_n3A_540 : vector<512x128xi1>, vector<512x128xf32>
    %select_n3A_561 = arith.select %lt3A_557, %bitcast_convert_type3A_555, %select_n3A_542 : vector<512x128xi1>, vector<512x128xf32>
    %select_n3A_562 = arith.select %lt3A_556, %select_n3A_540, %select_n3A_561 : vector<512x128xi1>, vector<512x128xf32>
    %select_n3A_563 = arith.select %lt3A_558, %bitcast_convert_type3A_555, %select_n3A_544 : vector<512x128xi1>, vector<512x128xf32>
    %select_n3A_564 = arith.select %lt3A_557, %select_n3A_542, %select_n3A_563 : vector<512x128xi1>, vector<512x128xf32>
    %select_n3A_565 = arith.select %lt3A_559, %bitcast_convert_type3A_555, %select_n3A_546 : vector<512x128xi1>, vector<512x128xf32>
    %select_n3A_566 = arith.select %lt3A_558, %select_n3A_544, %select_n3A_565 : vector<512x128xi1>, vector<512x128xf32>
    %slice3A_567 = vector.extract_strided_slice %sub3A {offsets = [0, 3456], sizes = [512, 128], strides = [1, 1]} : vector<512x4096xf32> to vector<512x128xf32>
    %bitcast_convert_type3A_568 = tpu.bitcast %slice3A_567 : vector<512x128xf32> -> vector<512x128xi32>
    %and3A_569 = arith.constant -32 : i32
    %and3A_570 = vector.broadcast %and3A_569 : i32 to vector<512x128xi32>
    %and3A_571 = arith.andi %bitcast_convert_type3A_568, %and3A_570 : vector<512x128xi32>
    %or3A_572 = arith.constant 27 : i32
    %or3A_573 = vector.broadcast %or3A_572 : i32 to vector<512x128xi32>
    %or3A_574 = arith.ori %and3A_571, %or3A_573 : vector<512x128xi32>
    %bitcast_convert_type3A_575 = tpu.bitcast %or3A_574 : vector<512x128xi32> -> vector<512x128xf32>
    %lt3A_576 = arith.cmpf olt, %bitcast_convert_type3A_575, %select_n3A_560 : vector<512x128xf32>
    %lt3A_577 = arith.cmpf olt, %bitcast_convert_type3A_575, %select_n3A_562 : vector<512x128xf32>
    %lt3A_578 = arith.cmpf olt, %bitcast_convert_type3A_575, %select_n3A_564 : vector<512x128xf32>
    %lt3A_579 = arith.cmpf olt, %bitcast_convert_type3A_575, %select_n3A_566 : vector<512x128xf32>
    %select_n3A_580 = arith.select %lt3A_576, %bitcast_convert_type3A_575, %select_n3A_560 : vector<512x128xi1>, vector<512x128xf32>
    %select_n3A_581 = arith.select %lt3A_577, %bitcast_convert_type3A_575, %select_n3A_562 : vector<512x128xi1>, vector<512x128xf32>
    %select_n3A_582 = arith.select %lt3A_576, %select_n3A_560, %select_n3A_581 : vector<512x128xi1>, vector<512x128xf32>
    %select_n3A_583 = arith.select %lt3A_578, %bitcast_convert_type3A_575, %select_n3A_564 : vector<512x128xi1>, vector<512x128xf32>
    %select_n3A_584 = arith.select %lt3A_577, %select_n3A_562, %select_n3A_583 : vector<512x128xi1>, vector<512x128xf32>
    %select_n3A_585 = arith.select %lt3A_579, %bitcast_convert_type3A_575, %select_n3A_566 : vector<512x128xi1>, vector<512x128xf32>
    %select_n3A_586 = arith.select %lt3A_578, %select_n3A_564, %select_n3A_585 : vector<512x128xi1>, vector<512x128xf32>
    %slice3A_587 = vector.extract_strided_slice %sub3A {offsets = [0, 3584], sizes = [512, 128], strides = [1, 1]} : vector<512x4096xf32> to vector<512x128xf32>
    %bitcast_convert_type3A_588 = tpu.bitcast %slice3A_587 : vector<512x128xf32> -> vector<512x128xi32>
    %and3A_589 = arith.constant -32 : i32
    %and3A_590 = vector.broadcast %and3A_589 : i32 to vector<512x128xi32>
    %and3A_591 = arith.andi %bitcast_convert_type3A_588, %and3A_590 : vector<512x128xi32>
    %or3A_592 = arith.constant 28 : i32
    %or3A_593 = vector.broadcast %or3A_592 : i32 to vector<512x128xi32>
    %or3A_594 = arith.ori %and3A_591, %or3A_593 : vector<512x128xi32>
    %bitcast_convert_type3A_595 = tpu.bitcast %or3A_594 : vector<512x128xi32> -> vector<512x128xf32>
    %lt3A_596 = arith.cmpf olt, %bitcast_convert_type3A_595, %select_n3A_580 : vector<512x128xf32>
    %lt3A_597 = arith.cmpf olt, %bitcast_convert_type3A_595, %select_n3A_582 : vector<512x128xf32>
    %lt3A_598 = arith.cmpf olt, %bitcast_convert_type3A_595, %select_n3A_584 : vector<512x128xf32>
    %lt3A_599 = arith.cmpf olt, %bitcast_convert_type3A_595, %select_n3A_586 : vector<512x128xf32>
    %select_n3A_600 = arith.select %lt3A_596, %bitcast_convert_type3A_595, %select_n3A_580 : vector<512x128xi1>, vector<512x128xf32>
    %select_n3A_601 = arith.select %lt3A_597, %bitcast_convert_type3A_595, %select_n3A_582 : vector<512x128xi1>, vector<512x128xf32>
    %select_n3A_602 = arith.select %lt3A_596, %select_n3A_580, %select_n3A_601 : vector<512x128xi1>, vector<512x128xf32>
    %select_n3A_603 = arith.select %lt3A_598, %bitcast_convert_type3A_595, %select_n3A_584 : vector<512x128xi1>, vector<512x128xf32>
    %select_n3A_604 = arith.select %lt3A_597, %select_n3A_582, %select_n3A_603 : vector<512x128xi1>, vector<512x128xf32>
    %select_n3A_605 = arith.select %lt3A_599, %bitcast_convert_type3A_595, %select_n3A_586 : vector<512x128xi1>, vector<512x128xf32>
    %select_n3A_606 = arith.select %lt3A_598, %select_n3A_584, %select_n3A_605 : vector<512x128xi1>, vector<512x128xf32>
    %slice3A_607 = vector.extract_strided_slice %sub3A {offsets = [0, 3712], sizes = [512, 128], strides = [1, 1]} : vector<512x4096xf32> to vector<512x128xf32>
    %bitcast_convert_type3A_608 = tpu.bitcast %slice3A_607 : vector<512x128xf32> -> vector<512x128xi32>
    %and3A_609 = arith.constant -32 : i32
    %and3A_610 = vector.broadcast %and3A_609 : i32 to vector<512x128xi32>
    %and3A_611 = arith.andi %bitcast_convert_type3A_608, %and3A_610 : vector<512x128xi32>
    %or3A_612 = arith.constant 29 : i32
    %or3A_613 = vector.broadcast %or3A_612 : i32 to vector<512x128xi32>
    %or3A_614 = arith.ori %and3A_611, %or3A_613 : vector<512x128xi32>
    %bitcast_convert_type3A_615 = tpu.bitcast %or3A_614 : vector<512x128xi32> -> vector<512x128xf32>
    %lt3A_616 = arith.cmpf olt, %bitcast_convert_type3A_615, %select_n3A_600 : vector<512x128xf32>
    %lt3A_617 = arith.cmpf olt, %bitcast_convert_type3A_615, %select_n3A_602 : vector<512x128xf32>
    %lt3A_618 = arith.cmpf olt, %bitcast_convert_type3A_615, %select_n3A_604 : vector<512x128xf32>
    %lt3A_619 = arith.cmpf olt, %bitcast_convert_type3A_615, %select_n3A_606 : vector<512x128xf32>
    %select_n3A_620 = arith.select %lt3A_616, %bitcast_convert_type3A_615, %select_n3A_600 : vector<512x128xi1>, vector<512x128xf32>
    %select_n3A_621 = arith.select %lt3A_617, %bitcast_convert_type3A_615, %select_n3A_602 : vector<512x128xi1>, vector<512x128xf32>
    %select_n3A_622 = arith.select %lt3A_616, %select_n3A_600, %select_n3A_621 : vector<512x128xi1>, vector<512x128xf32>
    %select_n3A_623 = arith.select %lt3A_618, %bitcast_convert_type3A_615, %select_n3A_604 : vector<512x128xi1>, vector<512x128xf32>
    %select_n3A_624 = arith.select %lt3A_617, %select_n3A_602, %select_n3A_623 : vector<512x128xi1>, vector<512x128xf32>
    %select_n3A_625 = arith.select %lt3A_619, %bitcast_convert_type3A_615, %select_n3A_606 : vector<512x128xi1>, vector<512x128xf32>
    %select_n3A_626 = arith.select %lt3A_618, %select_n3A_604, %select_n3A_625 : vector<512x128xi1>, vector<512x128xf32>
    %slice3A_627 = vector.extract_strided_slice %sub3A {offsets = [0, 3840], sizes = [512, 128], strides = [1, 1]} : vector<512x4096xf32> to vector<512x128xf32>
    %bitcast_convert_type3A_628 = tpu.bitcast %slice3A_627 : vector<512x128xf32> -> vector<512x128xi32>
    %and3A_629 = arith.constant -32 : i32
    %and3A_630 = vector.broadcast %and3A_629 : i32 to vector<512x128xi32>
    %and3A_631 = arith.andi %bitcast_convert_type3A_628, %and3A_630 : vector<512x128xi32>
    %or3A_632 = arith.constant 30 : i32
    %or3A_633 = vector.broadcast %or3A_632 : i32 to vector<512x128xi32>
    %or3A_634 = arith.ori %and3A_631, %or3A_633 : vector<512x128xi32>
    %bitcast_convert_type3A_635 = tpu.bitcast %or3A_634 : vector<512x128xi32> -> vector<512x128xf32>
    %lt3A_636 = arith.cmpf olt, %bitcast_convert_type3A_635, %select_n3A_620 : vector<512x128xf32>
    %lt3A_637 = arith.cmpf olt, %bitcast_convert_type3A_635, %select_n3A_622 : vector<512x128xf32>
    %lt3A_638 = arith.cmpf olt, %bitcast_convert_type3A_635, %select_n3A_624 : vector<512x128xf32>
    %lt3A_639 = arith.cmpf olt, %bitcast_convert_type3A_635, %select_n3A_626 : vector<512x128xf32>
    %select_n3A_640 = arith.select %lt3A_636, %bitcast_convert_type3A_635, %select_n3A_620 : vector<512x128xi1>, vector<512x128xf32>
    %select_n3A_641 = arith.select %lt3A_637, %bitcast_convert_type3A_635, %select_n3A_622 : vector<512x128xi1>, vector<512x128xf32>
    %select_n3A_642 = arith.select %lt3A_636, %select_n3A_620, %select_n3A_641 : vector<512x128xi1>, vector<512x128xf32>
    %select_n3A_643 = arith.select %lt3A_638, %bitcast_convert_type3A_635, %select_n3A_624 : vector<512x128xi1>, vector<512x128xf32>
    %select_n3A_644 = arith.select %lt3A_637, %select_n3A_622, %select_n3A_643 : vector<512x128xi1>, vector<512x128xf32>
    %select_n3A_645 = arith.select %lt3A_639, %bitcast_convert_type3A_635, %select_n3A_626 : vector<512x128xi1>, vector<512x128xf32>
    %select_n3A_646 = arith.select %lt3A_638, %select_n3A_624, %select_n3A_645 : vector<512x128xi1>, vector<512x128xf32>
    %slice3A_647 = vector.extract_strided_slice %sub3A {offsets = [0, 3968], sizes = [512, 128], strides = [1, 1]} : vector<512x4096xf32> to vector<512x128xf32>
    %bitcast_convert_type3A_648 = tpu.bitcast %slice3A_647 : vector<512x128xf32> -> vector<512x128xi32>
    %and3A_649 = arith.constant -32 : i32
    %and3A_650 = vector.broadcast %and3A_649 : i32 to vector<512x128xi32>
    %and3A_651 = arith.andi %bitcast_convert_type3A_648, %and3A_650 : vector<512x128xi32>
    %or3A_652 = arith.constant 31 : i32
    %or3A_653 = vector.broadcast %or3A_652 : i32 to vector<512x128xi32>
    %or3A_654 = arith.ori %and3A_651, %or3A_653 : vector<512x128xi32>
    %bitcast_convert_type3A_655 = tpu.bitcast %or3A_654 : vector<512x128xi32> -> vector<512x128xf32>
    %lt3A_656 = arith.cmpf olt, %bitcast_convert_type3A_655, %select_n3A_640 : vector<512x128xf32>
    %lt3A_657 = arith.cmpf olt, %bitcast_convert_type3A_655, %select_n3A_642 : vector<512x128xf32>
    %lt3A_658 = arith.cmpf olt, %bitcast_convert_type3A_655, %select_n3A_644 : vector<512x128xf32>
    %lt3A_659 = arith.cmpf olt, %bitcast_convert_type3A_655, %select_n3A_646 : vector<512x128xf32>
    %select_n3A_660 = arith.select %lt3A_656, %bitcast_convert_type3A_655, %select_n3A_640 : vector<512x128xi1>, vector<512x128xf32>
    %select_n3A_661 = arith.select %lt3A_657, %bitcast_convert_type3A_655, %select_n3A_642 : vector<512x128xi1>, vector<512x128xf32>
    %select_n3A_662 = arith.select %lt3A_656, %select_n3A_640, %select_n3A_661 : vector<512x128xi1>, vector<512x128xf32>
    %select_n3A_663 = arith.select %lt3A_658, %bitcast_convert_type3A_655, %select_n3A_644 : vector<512x128xi1>, vector<512x128xf32>
    %select_n3A_664 = arith.select %lt3A_657, %select_n3A_642, %select_n3A_663 : vector<512x128xi1>, vector<512x128xf32>
    %select_n3A_665 = arith.select %lt3A_659, %bitcast_convert_type3A_655, %select_n3A_646 : vector<512x128xi1>, vector<512x128xf32>
    %select_n3A_666 = arith.select %lt3A_658, %select_n3A_644, %select_n3A_665 : vector<512x128xi1>, vector<512x128xf32>
    %reduce_min3A = arith.constant dense<0x7F800000> : vector<512xf32>
    %reduce_min3A_667 = vector.multi_reduction <minimumf>, %select_n3A_660, %reduce_min3A [1] : vector<512x128xf32> to vector<512xf32>
    %broadcast_in_dim3A_668 = vector.shape_cast %reduce_min3A_667 : vector<512xf32> to vector<512x1xf32>
    %le3A = vector.broadcast %broadcast_in_dim3A_668 : vector<512x1xf32> to vector<512x128xf32>
    %le3A_669 = arith.cmpf ole, %select_n3A_660, %le3A : vector<512x128xf32>
    %jit3A = arith.constant 1.280000e+02 : f32
    %broadcast_in_dim3A_670 = vector.broadcast %jit3A : f32 to vector<512x128xf32>
    %select_n3A_671 = arith.select %le3A_669, %convert_element_type3A_24, %broadcast_in_dim3A_670 : vector<512x128xi1>, vector<512x128xf32>
    %reduce_min3A_672 = arith.constant dense<0x7F800000> : vector<512xf32>
    %reduce_min3A_673 = vector.multi_reduction <minimumf>, %select_n3A_671, %reduce_min3A_672 [1] : vector<512x128xf32> to vector<512xf32>
    %broadcast_in_dim3A_674 = vector.shape_cast %reduce_min3A_673 : vector<512xf32> to vector<512x1xf32>
    %eq3A = vector.broadcast %broadcast_in_dim3A_674 : vector<512x1xf32> to vector<512x128xf32>
    %eq3A_675 = arith.cmpf oeq, %convert_element_type3A_24, %eq3A : vector<512x128xf32>
    %and3A_676 = arith.andi %le3A_669, %eq3A_675 : vector<512x128xi1>
    %bitcast_convert_type3A_677 = tpu.bitcast %broadcast_in_dim3A_668 : vector<512x1xf32> -> vector<512x1xi32>
    %and3A_678 = arith.constant 31 : i32
    %and3A_679 = vector.broadcast %and3A_678 : i32 to vector<512x1xi32>
    %and3A_680 = arith.andi %bitcast_convert_type3A_677, %and3A_679 : vector<512x1xi32>
    %convert_element_type3A_681 = arith.sitofp %and3A_680 : vector<512x1xi32> to vector<512x1xf32>
    %mul3A_682 = arith.constant 1.280000e+02 : f32
    %mul3A_683 = vector.broadcast %mul3A_682 : f32 to vector<512x1xf32>
    %mul3A_684 = arith.mulf %convert_element_type3A_681, %mul3A_683 : vector<512x1xf32>
    %add3A_685 = arith.addf %mul3A_684, %broadcast_in_dim3A_674 : vector<512x1xf32>
    %select_n3A_686 = arith.select %and3A_676, %select_n3A_662, %select_n3A_660 : vector<512x128xi1>, vector<512x128xf32>
    %select_n3A_687 = arith.select %and3A_676, %select_n3A_664, %select_n3A_662 : vector<512x128xi1>, vector<512x128xf32>
    %select_n3A_688 = arith.select %and3A_676, %select_n3A_666, %select_n3A_664 : vector<512x128xi1>, vector<512x128xf32>
    %jit3A_689 = arith.constant 0x7F800000 : f32
    %broadcast_in_dim3A_690 = vector.broadcast %jit3A_689 : f32 to vector<512x128xf32>
    %select_n3A_691 = arith.select %and3A_676, %broadcast_in_dim3A_690, %select_n3A_666 : vector<512x128xi1>, vector<512x128xf32>
    %reduce_min3A_692 = arith.constant dense<0x7F800000> : vector<512xf32>
    %reduce_min3A_693 = vector.multi_reduction <minimumf>, %select_n3A_686, %reduce_min3A_692 [1] : vector<512x128xf32> to vector<512xf32>
    %broadcast_in_dim3A_694 = vector.shape_cast %reduce_min3A_693 : vector<512xf32> to vector<512x1xf32>
    %le3A_695 = vector.broadcast %broadcast_in_dim3A_694 : vector<512x1xf32> to vector<512x128xf32>
    %le3A_696 = arith.cmpf ole, %select_n3A_686, %le3A_695 : vector<512x128xf32>
    %jit3A_697 = arith.constant 1.280000e+02 : f32
    %broadcast_in_dim3A_698 = vector.broadcast %jit3A_697 : f32 to vector<512x128xf32>
    %select_n3A_699 = arith.select %le3A_696, %convert_element_type3A_24, %broadcast_in_dim3A_698 : vector<512x128xi1>, vector<512x128xf32>
    %reduce_min3A_700 = arith.constant dense<0x7F800000> : vector<512xf32>
    %reduce_min3A_701 = vector.multi_reduction <minimumf>, %select_n3A_699, %reduce_min3A_700 [1] : vector<512x128xf32> to vector<512xf32>
    %broadcast_in_dim3A_702 = vector.shape_cast %reduce_min3A_701 : vector<512xf32> to vector<512x1xf32>
    %eq3A_703 = vector.broadcast %broadcast_in_dim3A_702 : vector<512x1xf32> to vector<512x128xf32>
    %eq3A_704 = arith.cmpf oeq, %convert_element_type3A_24, %eq3A_703 : vector<512x128xf32>
    %and3A_705 = arith.andi %le3A_696, %eq3A_704 : vector<512x128xi1>
    %bitcast_convert_type3A_706 = tpu.bitcast %broadcast_in_dim3A_694 : vector<512x1xf32> -> vector<512x1xi32>
    %and3A_707 = arith.constant 31 : i32
    %and3A_708 = vector.broadcast %and3A_707 : i32 to vector<512x1xi32>
    %and3A_709 = arith.andi %bitcast_convert_type3A_706, %and3A_708 : vector<512x1xi32>
    %convert_element_type3A_710 = arith.sitofp %and3A_709 : vector<512x1xi32> to vector<512x1xf32>
    %mul3A_711 = arith.constant 1.280000e+02 : f32
    %mul3A_712 = vector.broadcast %mul3A_711 : f32 to vector<512x1xf32>
    %mul3A_713 = arith.mulf %convert_element_type3A_710, %mul3A_712 : vector<512x1xf32>
    %add3A_714 = arith.addf %mul3A_713, %broadcast_in_dim3A_702 : vector<512x1xf32>
    %select_n3A_715 = arith.select %and3A_705, %select_n3A_687, %select_n3A_686 : vector<512x128xi1>, vector<512x128xf32>
    %select_n3A_716 = arith.select %and3A_705, %select_n3A_688, %select_n3A_687 : vector<512x128xi1>, vector<512x128xf32>
    %select_n3A_717 = arith.select %and3A_705, %select_n3A_691, %select_n3A_688 : vector<512x128xi1>, vector<512x128xf32>
    %jit3A_718 = arith.constant 0x7F800000 : f32
    %broadcast_in_dim3A_719 = vector.broadcast %jit3A_718 : f32 to vector<512x128xf32>
    %select_n3A_720 = arith.select %and3A_705, %broadcast_in_dim3A_719, %select_n3A_691 : vector<512x128xi1>, vector<512x128xf32>
    %reduce_min3A_721 = arith.constant dense<0x7F800000> : vector<512xf32>
    %reduce_min3A_722 = vector.multi_reduction <minimumf>, %select_n3A_715, %reduce_min3A_721 [1] : vector<512x128xf32> to vector<512xf32>
    %broadcast_in_dim3A_723 = vector.shape_cast %reduce_min3A_722 : vector<512xf32> to vector<512x1xf32>
    %le3A_724 = vector.broadcast %broadcast_in_dim3A_723 : vector<512x1xf32> to vector<512x128xf32>
    %le3A_725 = arith.cmpf ole, %select_n3A_715, %le3A_724 : vector<512x128xf32>
    %jit3A_726 = arith.constant 1.280000e+02 : f32
    %broadcast_in_dim3A_727 = vector.broadcast %jit3A_726 : f32 to vector<512x128xf32>
    %select_n3A_728 = arith.select %le3A_725, %convert_element_type3A_24, %broadcast_in_dim3A_727 : vector<512x128xi1>, vector<512x128xf32>
    %reduce_min3A_729 = arith.constant dense<0x7F800000> : vector<512xf32>
    %reduce_min3A_730 = vector.multi_reduction <minimumf>, %select_n3A_728, %reduce_min3A_729 [1] : vector<512x128xf32> to vector<512xf32>
    %broadcast_in_dim3A_731 = vector.shape_cast %reduce_min3A_730 : vector<512xf32> to vector<512x1xf32>
    %eq3A_732 = vector.broadcast %broadcast_in_dim3A_731 : vector<512x1xf32> to vector<512x128xf32>
    %eq3A_733 = arith.cmpf oeq, %convert_element_type3A_24, %eq3A_732 : vector<512x128xf32>
    %and3A_734 = arith.andi %le3A_725, %eq3A_733 : vector<512x128xi1>
    %bitcast_convert_type3A_735 = tpu.bitcast %broadcast_in_dim3A_723 : vector<512x1xf32> -> vector<512x1xi32>
    %and3A_736 = arith.constant 31 : i32
    %and3A_737 = vector.broadcast %and3A_736 : i32 to vector<512x1xi32>
    %and3A_738 = arith.andi %bitcast_convert_type3A_735, %and3A_737 : vector<512x1xi32>
    %convert_element_type3A_739 = arith.sitofp %and3A_738 : vector<512x1xi32> to vector<512x1xf32>
    %mul3A_740 = arith.constant 1.280000e+02 : f32
    %mul3A_741 = vector.broadcast %mul3A_740 : f32 to vector<512x1xf32>
    %mul3A_742 = arith.mulf %convert_element_type3A_739, %mul3A_741 : vector<512x1xf32>
    %add3A_743 = arith.addf %mul3A_742, %broadcast_in_dim3A_731 : vector<512x1xf32>
    %select_n3A_744 = arith.select %and3A_734, %select_n3A_716, %select_n3A_715 : vector<512x128xi1>, vector<512x128xf32>
    %select_n3A_745 = arith.select %and3A_734, %select_n3A_717, %select_n3A_716 : vector<512x128xi1>, vector<512x128xf32>
    %select_n3A_746 = arith.select %and3A_734, %select_n3A_720, %select_n3A_717 : vector<512x128xi1>, vector<512x128xf32>
    %jit3A_747 = arith.constant 0x7F800000 : f32
    %broadcast_in_dim3A_748 = vector.broadcast %jit3A_747 : f32 to vector<512x128xf32>
    %select_n3A_749 = arith.select %and3A_734, %broadcast_in_dim3A_748, %select_n3A_720 : vector<512x128xi1>, vector<512x128xf32>
    %reduce_min3A_750 = arith.constant dense<0x7F800000> : vector<512xf32>
    %reduce_min3A_751 = vector.multi_reduction <minimumf>, %select_n3A_744, %reduce_min3A_750 [1] : vector<512x128xf32> to vector<512xf32>
    %broadcast_in_dim3A_752 = vector.shape_cast %reduce_min3A_751 : vector<512xf32> to vector<512x1xf32>
    %le3A_753 = vector.broadcast %broadcast_in_dim3A_752 : vector<512x1xf32> to vector<512x128xf32>
    %le3A_754 = arith.cmpf ole, %select_n3A_744, %le3A_753 : vector<512x128xf32>
    %jit3A_755 = arith.constant 1.280000e+02 : f32
    %broadcast_in_dim3A_756 = vector.broadcast %jit3A_755 : f32 to vector<512x128xf32>
    %select_n3A_757 = arith.select %le3A_754, %convert_element_type3A_24, %broadcast_in_dim3A_756 : vector<512x128xi1>, vector<512x128xf32>
    %reduce_min3A_758 = arith.constant dense<0x7F800000> : vector<512xf32>
    %reduce_min3A_759 = vector.multi_reduction <minimumf>, %select_n3A_757, %reduce_min3A_758 [1] : vector<512x128xf32> to vector<512xf32>
    %broadcast_in_dim3A_760 = vector.shape_cast %reduce_min3A_759 : vector<512xf32> to vector<512x1xf32>
    %eq3A_761 = vector.broadcast %broadcast_in_dim3A_760 : vector<512x1xf32> to vector<512x128xf32>
    %eq3A_762 = arith.cmpf oeq, %convert_element_type3A_24, %eq3A_761 : vector<512x128xf32>
    %and3A_763 = arith.andi %le3A_754, %eq3A_762 : vector<512x128xi1>
    %bitcast_convert_type3A_764 = tpu.bitcast %broadcast_in_dim3A_752 : vector<512x1xf32> -> vector<512x1xi32>
    %and3A_765 = arith.constant 31 : i32
    %and3A_766 = vector.broadcast %and3A_765 : i32 to vector<512x1xi32>
    %and3A_767 = arith.andi %bitcast_convert_type3A_764, %and3A_766 : vector<512x1xi32>
    %convert_element_type3A_768 = arith.sitofp %and3A_767 : vector<512x1xi32> to vector<512x1xf32>
    %mul3A_769 = arith.constant 1.280000e+02 : f32
    %mul3A_770 = vector.broadcast %mul3A_769 : f32 to vector<512x1xf32>
    %mul3A_771 = arith.mulf %convert_element_type3A_768, %mul3A_770 : vector<512x1xf32>
    %add3A_772 = arith.addf %mul3A_771, %broadcast_in_dim3A_760 : vector<512x1xf32>
    %select_n3A_773 = arith.select %and3A_763, %select_n3A_745, %select_n3A_744 : vector<512x128xi1>, vector<512x128xf32>
    %select_n3A_774 = arith.select %and3A_763, %select_n3A_746, %select_n3A_745 : vector<512x128xi1>, vector<512x128xf32>
    %select_n3A_775 = arith.select %and3A_763, %select_n3A_749, %select_n3A_746 : vector<512x128xi1>, vector<512x128xf32>
    %jit3A_776 = arith.constant 0x7F800000 : f32
    %broadcast_in_dim3A_777 = vector.broadcast %jit3A_776 : f32 to vector<512x128xf32>
    %select_n3A_778 = arith.select %and3A_763, %broadcast_in_dim3A_777, %select_n3A_749 : vector<512x128xi1>, vector<512x128xf32>
    %reduce_min3A_779 = arith.constant dense<0x7F800000> : vector<512xf32>
    %reduce_min3A_780 = vector.multi_reduction <minimumf>, %select_n3A_773, %reduce_min3A_779 [1] : vector<512x128xf32> to vector<512xf32>
    %broadcast_in_dim3A_781 = vector.shape_cast %reduce_min3A_780 : vector<512xf32> to vector<512x1xf32>
    %le3A_782 = vector.broadcast %broadcast_in_dim3A_781 : vector<512x1xf32> to vector<512x128xf32>
    %le3A_783 = arith.cmpf ole, %select_n3A_773, %le3A_782 : vector<512x128xf32>
    %jit3A_784 = arith.constant 1.280000e+02 : f32
    %broadcast_in_dim3A_785 = vector.broadcast %jit3A_784 : f32 to vector<512x128xf32>
    %select_n3A_786 = arith.select %le3A_783, %convert_element_type3A_24, %broadcast_in_dim3A_785 : vector<512x128xi1>, vector<512x128xf32>
    %reduce_min3A_787 = arith.constant dense<0x7F800000> : vector<512xf32>
    %reduce_min3A_788 = vector.multi_reduction <minimumf>, %select_n3A_786, %reduce_min3A_787 [1] : vector<512x128xf32> to vector<512xf32>
    %broadcast_in_dim3A_789 = vector.shape_cast %reduce_min3A_788 : vector<512xf32> to vector<512x1xf32>
    %eq3A_790 = vector.broadcast %broadcast_in_dim3A_789 : vector<512x1xf32> to vector<512x128xf32>
    %eq3A_791 = arith.cmpf oeq, %convert_element_type3A_24, %eq3A_790 : vector<512x128xf32>
    %and3A_792 = arith.andi %le3A_783, %eq3A_791 : vector<512x128xi1>
    %bitcast_convert_type3A_793 = tpu.bitcast %broadcast_in_dim3A_781 : vector<512x1xf32> -> vector<512x1xi32>
    %and3A_794 = arith.constant 31 : i32
    %and3A_795 = vector.broadcast %and3A_794 : i32 to vector<512x1xi32>
    %and3A_796 = arith.andi %bitcast_convert_type3A_793, %and3A_795 : vector<512x1xi32>
    %convert_element_type3A_797 = arith.sitofp %and3A_796 : vector<512x1xi32> to vector<512x1xf32>
    %mul3A_798 = arith.constant 1.280000e+02 : f32
    %mul3A_799 = vector.broadcast %mul3A_798 : f32 to vector<512x1xf32>
    %mul3A_800 = arith.mulf %convert_element_type3A_797, %mul3A_799 : vector<512x1xf32>
    %add3A_801 = arith.addf %mul3A_800, %broadcast_in_dim3A_789 : vector<512x1xf32>
    %select_n3A_802 = arith.select %and3A_792, %select_n3A_774, %select_n3A_773 : vector<512x128xi1>, vector<512x128xf32>
    %select_n3A_803 = arith.select %and3A_792, %select_n3A_775, %select_n3A_774 : vector<512x128xi1>, vector<512x128xf32>
    %select_n3A_804 = arith.select %and3A_792, %select_n3A_778, %select_n3A_775 : vector<512x128xi1>, vector<512x128xf32>
    %jit3A_805 = arith.constant 0x7F800000 : f32
    %broadcast_in_dim3A_806 = vector.broadcast %jit3A_805 : f32 to vector<512x128xf32>
    %select_n3A_807 = arith.select %and3A_792, %broadcast_in_dim3A_806, %select_n3A_778 : vector<512x128xi1>, vector<512x128xf32>
    %reduce_min3A_808 = arith.constant dense<0x7F800000> : vector<512xf32>
    %reduce_min3A_809 = vector.multi_reduction <minimumf>, %select_n3A_802, %reduce_min3A_808 [1] : vector<512x128xf32> to vector<512xf32>
    %broadcast_in_dim3A_810 = vector.shape_cast %reduce_min3A_809 : vector<512xf32> to vector<512x1xf32>
    %le3A_811 = vector.broadcast %broadcast_in_dim3A_810 : vector<512x1xf32> to vector<512x128xf32>
    %le3A_812 = arith.cmpf ole, %select_n3A_802, %le3A_811 : vector<512x128xf32>
    %jit3A_813 = arith.constant 1.280000e+02 : f32
    %broadcast_in_dim3A_814 = vector.broadcast %jit3A_813 : f32 to vector<512x128xf32>
    %select_n3A_815 = arith.select %le3A_812, %convert_element_type3A_24, %broadcast_in_dim3A_814 : vector<512x128xi1>, vector<512x128xf32>
    %reduce_min3A_816 = arith.constant dense<0x7F800000> : vector<512xf32>
    %reduce_min3A_817 = vector.multi_reduction <minimumf>, %select_n3A_815, %reduce_min3A_816 [1] : vector<512x128xf32> to vector<512xf32>
    %broadcast_in_dim3A_818 = vector.shape_cast %reduce_min3A_817 : vector<512xf32> to vector<512x1xf32>
    %eq3A_819 = vector.broadcast %broadcast_in_dim3A_818 : vector<512x1xf32> to vector<512x128xf32>
    %eq3A_820 = arith.cmpf oeq, %convert_element_type3A_24, %eq3A_819 : vector<512x128xf32>
    %and3A_821 = arith.andi %le3A_812, %eq3A_820 : vector<512x128xi1>
    %bitcast_convert_type3A_822 = tpu.bitcast %broadcast_in_dim3A_810 : vector<512x1xf32> -> vector<512x1xi32>
    %and3A_823 = arith.constant 31 : i32
    %and3A_824 = vector.broadcast %and3A_823 : i32 to vector<512x1xi32>
    %and3A_825 = arith.andi %bitcast_convert_type3A_822, %and3A_824 : vector<512x1xi32>
    %convert_element_type3A_826 = arith.sitofp %and3A_825 : vector<512x1xi32> to vector<512x1xf32>
    %mul3A_827 = arith.constant 1.280000e+02 : f32
    %mul3A_828 = vector.broadcast %mul3A_827 : f32 to vector<512x1xf32>
    %mul3A_829 = arith.mulf %convert_element_type3A_826, %mul3A_828 : vector<512x1xf32>
    %add3A_830 = arith.addf %mul3A_829, %broadcast_in_dim3A_818 : vector<512x1xf32>
    %select_n3A_831 = arith.select %and3A_821, %select_n3A_803, %select_n3A_802 : vector<512x128xi1>, vector<512x128xf32>
    %select_n3A_832 = arith.select %and3A_821, %select_n3A_804, %select_n3A_803 : vector<512x128xi1>, vector<512x128xf32>
    %select_n3A_833 = arith.select %and3A_821, %select_n3A_807, %select_n3A_804 : vector<512x128xi1>, vector<512x128xf32>
    %jit3A_834 = arith.constant 0x7F800000 : f32
    %broadcast_in_dim3A_835 = vector.broadcast %jit3A_834 : f32 to vector<512x128xf32>
    %select_n3A_836 = arith.select %and3A_821, %broadcast_in_dim3A_835, %select_n3A_807 : vector<512x128xi1>, vector<512x128xf32>
    %reduce_min3A_837 = arith.constant dense<0x7F800000> : vector<512xf32>
    %reduce_min3A_838 = vector.multi_reduction <minimumf>, %select_n3A_831, %reduce_min3A_837 [1] : vector<512x128xf32> to vector<512xf32>
    %broadcast_in_dim3A_839 = vector.shape_cast %reduce_min3A_838 : vector<512xf32> to vector<512x1xf32>
    %le3A_840 = vector.broadcast %broadcast_in_dim3A_839 : vector<512x1xf32> to vector<512x128xf32>
    %le3A_841 = arith.cmpf ole, %select_n3A_831, %le3A_840 : vector<512x128xf32>
    %jit3A_842 = arith.constant 1.280000e+02 : f32
    %broadcast_in_dim3A_843 = vector.broadcast %jit3A_842 : f32 to vector<512x128xf32>
    %select_n3A_844 = arith.select %le3A_841, %convert_element_type3A_24, %broadcast_in_dim3A_843 : vector<512x128xi1>, vector<512x128xf32>
    %reduce_min3A_845 = arith.constant dense<0x7F800000> : vector<512xf32>
    %reduce_min3A_846 = vector.multi_reduction <minimumf>, %select_n3A_844, %reduce_min3A_845 [1] : vector<512x128xf32> to vector<512xf32>
    %broadcast_in_dim3A_847 = vector.shape_cast %reduce_min3A_846 : vector<512xf32> to vector<512x1xf32>
    %eq3A_848 = vector.broadcast %broadcast_in_dim3A_847 : vector<512x1xf32> to vector<512x128xf32>
    %eq3A_849 = arith.cmpf oeq, %convert_element_type3A_24, %eq3A_848 : vector<512x128xf32>
    %and3A_850 = arith.andi %le3A_841, %eq3A_849 : vector<512x128xi1>
    %bitcast_convert_type3A_851 = tpu.bitcast %broadcast_in_dim3A_839 : vector<512x1xf32> -> vector<512x1xi32>
    %and3A_852 = arith.constant 31 : i32
    %and3A_853 = vector.broadcast %and3A_852 : i32 to vector<512x1xi32>
    %and3A_854 = arith.andi %bitcast_convert_type3A_851, %and3A_853 : vector<512x1xi32>
    %convert_element_type3A_855 = arith.sitofp %and3A_854 : vector<512x1xi32> to vector<512x1xf32>
    %mul3A_856 = arith.constant 1.280000e+02 : f32
    %mul3A_857 = vector.broadcast %mul3A_856 : f32 to vector<512x1xf32>
    %mul3A_858 = arith.mulf %convert_element_type3A_855, %mul3A_857 : vector<512x1xf32>
    %add3A_859 = arith.addf %mul3A_858, %broadcast_in_dim3A_847 : vector<512x1xf32>
    %select_n3A_860 = arith.select %and3A_850, %select_n3A_832, %select_n3A_831 : vector<512x128xi1>, vector<512x128xf32>
    %select_n3A_861 = arith.select %and3A_850, %select_n3A_833, %select_n3A_832 : vector<512x128xi1>, vector<512x128xf32>
    %select_n3A_862 = arith.select %and3A_850, %select_n3A_836, %select_n3A_833 : vector<512x128xi1>, vector<512x128xf32>
    %jit3A_863 = arith.constant 0x7F800000 : f32
    %broadcast_in_dim3A_864 = vector.broadcast %jit3A_863 : f32 to vector<512x128xf32>
    %select_n3A_865 = arith.select %and3A_850, %broadcast_in_dim3A_864, %select_n3A_836 : vector<512x128xi1>, vector<512x128xf32>
    %reduce_min3A_866 = arith.constant dense<0x7F800000> : vector<512xf32>
    %reduce_min3A_867 = vector.multi_reduction <minimumf>, %select_n3A_860, %reduce_min3A_866 [1] : vector<512x128xf32> to vector<512xf32>
    %broadcast_in_dim3A_868 = vector.shape_cast %reduce_min3A_867 : vector<512xf32> to vector<512x1xf32>
    %le3A_869 = vector.broadcast %broadcast_in_dim3A_868 : vector<512x1xf32> to vector<512x128xf32>
    %le3A_870 = arith.cmpf ole, %select_n3A_860, %le3A_869 : vector<512x128xf32>
    %jit3A_871 = arith.constant 1.280000e+02 : f32
    %broadcast_in_dim3A_872 = vector.broadcast %jit3A_871 : f32 to vector<512x128xf32>
    %select_n3A_873 = arith.select %le3A_870, %convert_element_type3A_24, %broadcast_in_dim3A_872 : vector<512x128xi1>, vector<512x128xf32>
    %reduce_min3A_874 = arith.constant dense<0x7F800000> : vector<512xf32>
    %reduce_min3A_875 = vector.multi_reduction <minimumf>, %select_n3A_873, %reduce_min3A_874 [1] : vector<512x128xf32> to vector<512xf32>
    %broadcast_in_dim3A_876 = vector.shape_cast %reduce_min3A_875 : vector<512xf32> to vector<512x1xf32>
    %eq3A_877 = vector.broadcast %broadcast_in_dim3A_876 : vector<512x1xf32> to vector<512x128xf32>
    %eq3A_878 = arith.cmpf oeq, %convert_element_type3A_24, %eq3A_877 : vector<512x128xf32>
    %and3A_879 = arith.andi %le3A_870, %eq3A_878 : vector<512x128xi1>
    %bitcast_convert_type3A_880 = tpu.bitcast %broadcast_in_dim3A_868 : vector<512x1xf32> -> vector<512x1xi32>
    %and3A_881 = arith.constant 31 : i32
    %and3A_882 = vector.broadcast %and3A_881 : i32 to vector<512x1xi32>
    %and3A_883 = arith.andi %bitcast_convert_type3A_880, %and3A_882 : vector<512x1xi32>
    %convert_element_type3A_884 = arith.sitofp %and3A_883 : vector<512x1xi32> to vector<512x1xf32>
    %mul3A_885 = arith.constant 1.280000e+02 : f32
    %mul3A_886 = vector.broadcast %mul3A_885 : f32 to vector<512x1xf32>
    %mul3A_887 = arith.mulf %convert_element_type3A_884, %mul3A_886 : vector<512x1xf32>
    %add3A_888 = arith.addf %mul3A_887, %broadcast_in_dim3A_876 : vector<512x1xf32>
    %select_n3A_889 = arith.select %and3A_879, %select_n3A_861, %select_n3A_860 : vector<512x128xi1>, vector<512x128xf32>
    %select_n3A_890 = arith.select %and3A_879, %select_n3A_862, %select_n3A_861 : vector<512x128xi1>, vector<512x128xf32>
    %select_n3A_891 = arith.select %and3A_879, %select_n3A_865, %select_n3A_862 : vector<512x128xi1>, vector<512x128xf32>
    %jit3A_892 = arith.constant 0x7F800000 : f32
    %broadcast_in_dim3A_893 = vector.broadcast %jit3A_892 : f32 to vector<512x128xf32>
    %select_n3A_894 = arith.select %and3A_879, %broadcast_in_dim3A_893, %select_n3A_865 : vector<512x128xi1>, vector<512x128xf32>
    %reduce_min3A_895 = arith.constant dense<0x7F800000> : vector<512xf32>
    %reduce_min3A_896 = vector.multi_reduction <minimumf>, %select_n3A_889, %reduce_min3A_895 [1] : vector<512x128xf32> to vector<512xf32>
    %broadcast_in_dim3A_897 = vector.shape_cast %reduce_min3A_896 : vector<512xf32> to vector<512x1xf32>
    %le3A_898 = vector.broadcast %broadcast_in_dim3A_897 : vector<512x1xf32> to vector<512x128xf32>
    %le3A_899 = arith.cmpf ole, %select_n3A_889, %le3A_898 : vector<512x128xf32>
    %jit3A_900 = arith.constant 1.280000e+02 : f32
    %broadcast_in_dim3A_901 = vector.broadcast %jit3A_900 : f32 to vector<512x128xf32>
    %select_n3A_902 = arith.select %le3A_899, %convert_element_type3A_24, %broadcast_in_dim3A_901 : vector<512x128xi1>, vector<512x128xf32>
    %reduce_min3A_903 = arith.constant dense<0x7F800000> : vector<512xf32>
    %reduce_min3A_904 = vector.multi_reduction <minimumf>, %select_n3A_902, %reduce_min3A_903 [1] : vector<512x128xf32> to vector<512xf32>
    %broadcast_in_dim3A_905 = vector.shape_cast %reduce_min3A_904 : vector<512xf32> to vector<512x1xf32>
    %eq3A_906 = vector.broadcast %broadcast_in_dim3A_905 : vector<512x1xf32> to vector<512x128xf32>
    %eq3A_907 = arith.cmpf oeq, %convert_element_type3A_24, %eq3A_906 : vector<512x128xf32>
    %and3A_908 = arith.andi %le3A_899, %eq3A_907 : vector<512x128xi1>
    %bitcast_convert_type3A_909 = tpu.bitcast %broadcast_in_dim3A_897 : vector<512x1xf32> -> vector<512x1xi32>
    %and3A_910 = arith.constant 31 : i32
    %and3A_911 = vector.broadcast %and3A_910 : i32 to vector<512x1xi32>
    %and3A_912 = arith.andi %bitcast_convert_type3A_909, %and3A_911 : vector<512x1xi32>
    %convert_element_type3A_913 = arith.sitofp %and3A_912 : vector<512x1xi32> to vector<512x1xf32>
    %mul3A_914 = arith.constant 1.280000e+02 : f32
    %mul3A_915 = vector.broadcast %mul3A_914 : f32 to vector<512x1xf32>
    %mul3A_916 = arith.mulf %convert_element_type3A_913, %mul3A_915 : vector<512x1xf32>
    %add3A_917 = arith.addf %mul3A_916, %broadcast_in_dim3A_905 : vector<512x1xf32>
    %select_n3A_918 = arith.select %and3A_908, %select_n3A_890, %select_n3A_889 : vector<512x128xi1>, vector<512x128xf32>
    %select_n3A_919 = arith.select %and3A_908, %select_n3A_891, %select_n3A_890 : vector<512x128xi1>, vector<512x128xf32>
    %select_n3A_920 = arith.select %and3A_908, %select_n3A_894, %select_n3A_891 : vector<512x128xi1>, vector<512x128xf32>
    %jit3A_921 = arith.constant 0x7F800000 : f32
    %broadcast_in_dim3A_922 = vector.broadcast %jit3A_921 : f32 to vector<512x128xf32>
    %select_n3A_923 = arith.select %and3A_908, %broadcast_in_dim3A_922, %select_n3A_894 : vector<512x128xi1>, vector<512x128xf32>
    %reduce_min3A_924 = arith.constant dense<0x7F800000> : vector<512xf32>
    %reduce_min3A_925 = vector.multi_reduction <minimumf>, %select_n3A_918, %reduce_min3A_924 [1] : vector<512x128xf32> to vector<512xf32>
    %broadcast_in_dim3A_926 = vector.shape_cast %reduce_min3A_925 : vector<512xf32> to vector<512x1xf32>
    %le3A_927 = vector.broadcast %broadcast_in_dim3A_926 : vector<512x1xf32> to vector<512x128xf32>
    %le3A_928 = arith.cmpf ole, %select_n3A_918, %le3A_927 : vector<512x128xf32>
    %jit3A_929 = arith.constant 1.280000e+02 : f32
    %broadcast_in_dim3A_930 = vector.broadcast %jit3A_929 : f32 to vector<512x128xf32>
    %select_n3A_931 = arith.select %le3A_928, %convert_element_type3A_24, %broadcast_in_dim3A_930 : vector<512x128xi1>, vector<512x128xf32>
    %reduce_min3A_932 = arith.constant dense<0x7F800000> : vector<512xf32>
    %reduce_min3A_933 = vector.multi_reduction <minimumf>, %select_n3A_931, %reduce_min3A_932 [1] : vector<512x128xf32> to vector<512xf32>
    %broadcast_in_dim3A_934 = vector.shape_cast %reduce_min3A_933 : vector<512xf32> to vector<512x1xf32>
    %eq3A_935 = vector.broadcast %broadcast_in_dim3A_934 : vector<512x1xf32> to vector<512x128xf32>
    %eq3A_936 = arith.cmpf oeq, %convert_element_type3A_24, %eq3A_935 : vector<512x128xf32>
    %and3A_937 = arith.andi %le3A_928, %eq3A_936 : vector<512x128xi1>
    %bitcast_convert_type3A_938 = tpu.bitcast %broadcast_in_dim3A_926 : vector<512x1xf32> -> vector<512x1xi32>
    %and3A_939 = arith.constant 31 : i32
    %and3A_940 = vector.broadcast %and3A_939 : i32 to vector<512x1xi32>
    %and3A_941 = arith.andi %bitcast_convert_type3A_938, %and3A_940 : vector<512x1xi32>
    %convert_element_type3A_942 = arith.sitofp %and3A_941 : vector<512x1xi32> to vector<512x1xf32>
    %mul3A_943 = arith.constant 1.280000e+02 : f32
    %mul3A_944 = vector.broadcast %mul3A_943 : f32 to vector<512x1xf32>
    %mul3A_945 = arith.mulf %convert_element_type3A_942, %mul3A_944 : vector<512x1xf32>
    %add3A_946 = arith.addf %mul3A_945, %broadcast_in_dim3A_934 : vector<512x1xf32>
    %select_n3A_947 = arith.select %and3A_937, %select_n3A_919, %select_n3A_918 : vector<512x128xi1>, vector<512x128xf32>
    %select_n3A_948 = arith.select %and3A_937, %select_n3A_920, %select_n3A_919 : vector<512x128xi1>, vector<512x128xf32>
    %select_n3A_949 = arith.select %and3A_937, %select_n3A_923, %select_n3A_920 : vector<512x128xi1>, vector<512x128xf32>
    %jit3A_950 = arith.constant 0x7F800000 : f32
    %broadcast_in_dim3A_951 = vector.broadcast %jit3A_950 : f32 to vector<512x128xf32>
    %select_n3A_952 = arith.select %and3A_937, %broadcast_in_dim3A_951, %select_n3A_923 : vector<512x128xi1>, vector<512x128xf32>
    %reduce_min3A_953 = arith.constant dense<0x7F800000> : vector<512xf32>
    %reduce_min3A_954 = vector.multi_reduction <minimumf>, %select_n3A_947, %reduce_min3A_953 [1] : vector<512x128xf32> to vector<512xf32>
    %broadcast_in_dim3A_955 = vector.shape_cast %reduce_min3A_954 : vector<512xf32> to vector<512x1xf32>
    %le3A_956 = vector.broadcast %broadcast_in_dim3A_955 : vector<512x1xf32> to vector<512x128xf32>
    %le3A_957 = arith.cmpf ole, %select_n3A_947, %le3A_956 : vector<512x128xf32>
    %jit3A_958 = arith.constant 1.280000e+02 : f32
    %broadcast_in_dim3A_959 = vector.broadcast %jit3A_958 : f32 to vector<512x128xf32>
    %select_n3A_960 = arith.select %le3A_957, %convert_element_type3A_24, %broadcast_in_dim3A_959 : vector<512x128xi1>, vector<512x128xf32>
    %reduce_min3A_961 = arith.constant dense<0x7F800000> : vector<512xf32>
    %reduce_min3A_962 = vector.multi_reduction <minimumf>, %select_n3A_960, %reduce_min3A_961 [1] : vector<512x128xf32> to vector<512xf32>
    %broadcast_in_dim3A_963 = vector.shape_cast %reduce_min3A_962 : vector<512xf32> to vector<512x1xf32>
    %eq3A_964 = vector.broadcast %broadcast_in_dim3A_963 : vector<512x1xf32> to vector<512x128xf32>
    %eq3A_965 = arith.cmpf oeq, %convert_element_type3A_24, %eq3A_964 : vector<512x128xf32>
    %and3A_966 = arith.andi %le3A_957, %eq3A_965 : vector<512x128xi1>
    %bitcast_convert_type3A_967 = tpu.bitcast %broadcast_in_dim3A_955 : vector<512x1xf32> -> vector<512x1xi32>
    %and3A_968 = arith.constant 31 : i32
    %and3A_969 = vector.broadcast %and3A_968 : i32 to vector<512x1xi32>
    %and3A_970 = arith.andi %bitcast_convert_type3A_967, %and3A_969 : vector<512x1xi32>
    %convert_element_type3A_971 = arith.sitofp %and3A_970 : vector<512x1xi32> to vector<512x1xf32>
    %mul3A_972 = arith.constant 1.280000e+02 : f32
    %mul3A_973 = vector.broadcast %mul3A_972 : f32 to vector<512x1xf32>
    %mul3A_974 = arith.mulf %convert_element_type3A_971, %mul3A_973 : vector<512x1xf32>
    %add3A_975 = arith.addf %mul3A_974, %broadcast_in_dim3A_963 : vector<512x1xf32>
    %select_n3A_976 = arith.select %and3A_966, %select_n3A_948, %select_n3A_947 : vector<512x128xi1>, vector<512x128xf32>
    %select_n3A_977 = arith.select %and3A_966, %select_n3A_949, %select_n3A_948 : vector<512x128xi1>, vector<512x128xf32>
    %select_n3A_978 = arith.select %and3A_966, %select_n3A_952, %select_n3A_949 : vector<512x128xi1>, vector<512x128xf32>
    %jit3A_979 = arith.constant 0x7F800000 : f32
    %broadcast_in_dim3A_980 = vector.broadcast %jit3A_979 : f32 to vector<512x128xf32>
    %select_n3A_981 = arith.select %and3A_966, %broadcast_in_dim3A_980, %select_n3A_952 : vector<512x128xi1>, vector<512x128xf32>
    %reduce_min3A_982 = arith.constant dense<0x7F800000> : vector<512xf32>
    %reduce_min3A_983 = vector.multi_reduction <minimumf>, %select_n3A_976, %reduce_min3A_982 [1] : vector<512x128xf32> to vector<512xf32>
    %broadcast_in_dim3A_984 = vector.shape_cast %reduce_min3A_983 : vector<512xf32> to vector<512x1xf32>
    %le3A_985 = vector.broadcast %broadcast_in_dim3A_984 : vector<512x1xf32> to vector<512x128xf32>
    %le3A_986 = arith.cmpf ole, %select_n3A_976, %le3A_985 : vector<512x128xf32>
    %jit3A_987 = arith.constant 1.280000e+02 : f32
    %broadcast_in_dim3A_988 = vector.broadcast %jit3A_987 : f32 to vector<512x128xf32>
    %select_n3A_989 = arith.select %le3A_986, %convert_element_type3A_24, %broadcast_in_dim3A_988 : vector<512x128xi1>, vector<512x128xf32>
    %reduce_min3A_990 = arith.constant dense<0x7F800000> : vector<512xf32>
    %reduce_min3A_991 = vector.multi_reduction <minimumf>, %select_n3A_989, %reduce_min3A_990 [1] : vector<512x128xf32> to vector<512xf32>
    %broadcast_in_dim3A_992 = vector.shape_cast %reduce_min3A_991 : vector<512xf32> to vector<512x1xf32>
    %eq3A_993 = vector.broadcast %broadcast_in_dim3A_992 : vector<512x1xf32> to vector<512x128xf32>
    %eq3A_994 = arith.cmpf oeq, %convert_element_type3A_24, %eq3A_993 : vector<512x128xf32>
    %and3A_995 = arith.andi %le3A_986, %eq3A_994 : vector<512x128xi1>
    %bitcast_convert_type3A_996 = tpu.bitcast %broadcast_in_dim3A_984 : vector<512x1xf32> -> vector<512x1xi32>
    %and3A_997 = arith.constant 31 : i32
    %and3A_998 = vector.broadcast %and3A_997 : i32 to vector<512x1xi32>
    %and3A_999 = arith.andi %bitcast_convert_type3A_996, %and3A_998 : vector<512x1xi32>
    %convert_element_type3A_1000 = arith.sitofp %and3A_999 : vector<512x1xi32> to vector<512x1xf32>
    %mul3A_1001 = arith.constant 1.280000e+02 : f32
    %mul3A_1002 = vector.broadcast %mul3A_1001 : f32 to vector<512x1xf32>
    %mul3A_1003 = arith.mulf %convert_element_type3A_1000, %mul3A_1002 : vector<512x1xf32>
    %add3A_1004 = arith.addf %mul3A_1003, %broadcast_in_dim3A_992 : vector<512x1xf32>
    %select_n3A_1005 = arith.select %and3A_995, %select_n3A_977, %select_n3A_976 : vector<512x128xi1>, vector<512x128xf32>
    %select_n3A_1006 = arith.select %and3A_995, %select_n3A_978, %select_n3A_977 : vector<512x128xi1>, vector<512x128xf32>
    %select_n3A_1007 = arith.select %and3A_995, %select_n3A_981, %select_n3A_978 : vector<512x128xi1>, vector<512x128xf32>
    %jit3A_1008 = arith.constant 0x7F800000 : f32
    %broadcast_in_dim3A_1009 = vector.broadcast %jit3A_1008 : f32 to vector<512x128xf32>
    %select_n3A_1010 = arith.select %and3A_995, %broadcast_in_dim3A_1009, %select_n3A_981 : vector<512x128xi1>, vector<512x128xf32>
    %reduce_min3A_1011 = arith.constant dense<0x7F800000> : vector<512xf32>
    %reduce_min3A_1012 = vector.multi_reduction <minimumf>, %select_n3A_1005, %reduce_min3A_1011 [1] : vector<512x128xf32> to vector<512xf32>
    %broadcast_in_dim3A_1013 = vector.shape_cast %reduce_min3A_1012 : vector<512xf32> to vector<512x1xf32>
    %le3A_1014 = vector.broadcast %broadcast_in_dim3A_1013 : vector<512x1xf32> to vector<512x128xf32>
    %le3A_1015 = arith.cmpf ole, %select_n3A_1005, %le3A_1014 : vector<512x128xf32>
    %jit3A_1016 = arith.constant 1.280000e+02 : f32
    %broadcast_in_dim3A_1017 = vector.broadcast %jit3A_1016 : f32 to vector<512x128xf32>
    %select_n3A_1018 = arith.select %le3A_1015, %convert_element_type3A_24, %broadcast_in_dim3A_1017 : vector<512x128xi1>, vector<512x128xf32>
    %reduce_min3A_1019 = arith.constant dense<0x7F800000> : vector<512xf32>
    %reduce_min3A_1020 = vector.multi_reduction <minimumf>, %select_n3A_1018, %reduce_min3A_1019 [1] : vector<512x128xf32> to vector<512xf32>
    %broadcast_in_dim3A_1021 = vector.shape_cast %reduce_min3A_1020 : vector<512xf32> to vector<512x1xf32>
    %eq3A_1022 = vector.broadcast %broadcast_in_dim3A_1021 : vector<512x1xf32> to vector<512x128xf32>
    %eq3A_1023 = arith.cmpf oeq, %convert_element_type3A_24, %eq3A_1022 : vector<512x128xf32>
    %and3A_1024 = arith.andi %le3A_1015, %eq3A_1023 : vector<512x128xi1>
    %bitcast_convert_type3A_1025 = tpu.bitcast %broadcast_in_dim3A_1013 : vector<512x1xf32> -> vector<512x1xi32>
    %and3A_1026 = arith.constant 31 : i32
    %and3A_1027 = vector.broadcast %and3A_1026 : i32 to vector<512x1xi32>
    %and3A_1028 = arith.andi %bitcast_convert_type3A_1025, %and3A_1027 : vector<512x1xi32>
    %convert_element_type3A_1029 = arith.sitofp %and3A_1028 : vector<512x1xi32> to vector<512x1xf32>
    %mul3A_1030 = arith.constant 1.280000e+02 : f32
    %mul3A_1031 = vector.broadcast %mul3A_1030 : f32 to vector<512x1xf32>
    %mul3A_1032 = arith.mulf %convert_element_type3A_1029, %mul3A_1031 : vector<512x1xf32>
    %add3A_1033 = arith.addf %mul3A_1032, %broadcast_in_dim3A_1021 : vector<512x1xf32>
    %select_n3A_1034 = arith.select %and3A_1024, %select_n3A_1006, %select_n3A_1005 : vector<512x128xi1>, vector<512x128xf32>
    %select_n3A_1035 = arith.select %and3A_1024, %select_n3A_1007, %select_n3A_1006 : vector<512x128xi1>, vector<512x128xf32>
    %select_n3A_1036 = arith.select %and3A_1024, %select_n3A_1010, %select_n3A_1007 : vector<512x128xi1>, vector<512x128xf32>
    %reduce_min3A_1037 = arith.constant dense<0x7F800000> : vector<512xf32>
    %reduce_min3A_1038 = vector.multi_reduction <minimumf>, %select_n3A_1034, %reduce_min3A_1037 [1] : vector<512x128xf32> to vector<512xf32>
    %broadcast_in_dim3A_1039 = vector.shape_cast %reduce_min3A_1038 : vector<512xf32> to vector<512x1xf32>
    %le3A_1040 = vector.broadcast %broadcast_in_dim3A_1039 : vector<512x1xf32> to vector<512x128xf32>
    %le3A_1041 = arith.cmpf ole, %select_n3A_1034, %le3A_1040 : vector<512x128xf32>
    %jit3A_1042 = arith.constant 1.280000e+02 : f32
    %broadcast_in_dim3A_1043 = vector.broadcast %jit3A_1042 : f32 to vector<512x128xf32>
    %select_n3A_1044 = arith.select %le3A_1041, %convert_element_type3A_24, %broadcast_in_dim3A_1043 : vector<512x128xi1>, vector<512x128xf32>
    %reduce_min3A_1045 = arith.constant dense<0x7F800000> : vector<512xf32>
    %reduce_min3A_1046 = vector.multi_reduction <minimumf>, %select_n3A_1044, %reduce_min3A_1045 [1] : vector<512x128xf32> to vector<512xf32>
    %broadcast_in_dim3A_1047 = vector.shape_cast %reduce_min3A_1046 : vector<512xf32> to vector<512x1xf32>
    %eq3A_1048 = vector.broadcast %broadcast_in_dim3A_1047 : vector<512x1xf32> to vector<512x128xf32>
    %eq3A_1049 = arith.cmpf oeq, %convert_element_type3A_24, %eq3A_1048 : vector<512x128xf32>
    %and3A_1050 = arith.andi %le3A_1041, %eq3A_1049 : vector<512x128xi1>
    %bitcast_convert_type3A_1051 = tpu.bitcast %broadcast_in_dim3A_1039 : vector<512x1xf32> -> vector<512x1xi32>
    %and3A_1052 = arith.constant 31 : i32
    %and3A_1053 = vector.broadcast %and3A_1052 : i32 to vector<512x1xi32>
    %and3A_1054 = arith.andi %bitcast_convert_type3A_1051, %and3A_1053 : vector<512x1xi32>
    %convert_element_type3A_1055 = arith.sitofp %and3A_1054 : vector<512x1xi32> to vector<512x1xf32>
    %mul3A_1056 = arith.constant 1.280000e+02 : f32
    %mul3A_1057 = vector.broadcast %mul3A_1056 : f32 to vector<512x1xf32>
    %mul3A_1058 = arith.mulf %convert_element_type3A_1055, %mul3A_1057 : vector<512x1xf32>
    %add3A_1059 = arith.addf %mul3A_1058, %broadcast_in_dim3A_1047 : vector<512x1xf32>
    %select_n3A_1060 = arith.select %and3A_1050, %select_n3A_1035, %select_n3A_1034 : vector<512x128xi1>, vector<512x128xf32>
    %select_n3A_1061 = arith.select %and3A_1050, %select_n3A_1036, %select_n3A_1035 : vector<512x128xi1>, vector<512x128xf32>
    %reduce_min3A_1062 = arith.constant dense<0x7F800000> : vector<512xf32>
    %reduce_min3A_1063 = vector.multi_reduction <minimumf>, %select_n3A_1060, %reduce_min3A_1062 [1] : vector<512x128xf32> to vector<512xf32>
    %broadcast_in_dim3A_1064 = vector.shape_cast %reduce_min3A_1063 : vector<512xf32> to vector<512x1xf32>
    %le3A_1065 = vector.broadcast %broadcast_in_dim3A_1064 : vector<512x1xf32> to vector<512x128xf32>
    %le3A_1066 = arith.cmpf ole, %select_n3A_1060, %le3A_1065 : vector<512x128xf32>
    %jit3A_1067 = arith.constant 1.280000e+02 : f32
    %broadcast_in_dim3A_1068 = vector.broadcast %jit3A_1067 : f32 to vector<512x128xf32>
    %select_n3A_1069 = arith.select %le3A_1066, %convert_element_type3A_24, %broadcast_in_dim3A_1068 : vector<512x128xi1>, vector<512x128xf32>
    %reduce_min3A_1070 = arith.constant dense<0x7F800000> : vector<512xf32>
    %reduce_min3A_1071 = vector.multi_reduction <minimumf>, %select_n3A_1069, %reduce_min3A_1070 [1] : vector<512x128xf32> to vector<512xf32>
    %broadcast_in_dim3A_1072 = vector.shape_cast %reduce_min3A_1071 : vector<512xf32> to vector<512x1xf32>
    %eq3A_1073 = vector.broadcast %broadcast_in_dim3A_1072 : vector<512x1xf32> to vector<512x128xf32>
    %eq3A_1074 = arith.cmpf oeq, %convert_element_type3A_24, %eq3A_1073 : vector<512x128xf32>
    %and3A_1075 = arith.andi %le3A_1066, %eq3A_1074 : vector<512x128xi1>
    %bitcast_convert_type3A_1076 = tpu.bitcast %broadcast_in_dim3A_1064 : vector<512x1xf32> -> vector<512x1xi32>
    %and3A_1077 = arith.constant 31 : i32
    %and3A_1078 = vector.broadcast %and3A_1077 : i32 to vector<512x1xi32>
    %and3A_1079 = arith.andi %bitcast_convert_type3A_1076, %and3A_1078 : vector<512x1xi32>
    %convert_element_type3A_1080 = arith.sitofp %and3A_1079 : vector<512x1xi32> to vector<512x1xf32>
    %mul3A_1081 = arith.constant 1.280000e+02 : f32
    %mul3A_1082 = vector.broadcast %mul3A_1081 : f32 to vector<512x1xf32>
    %mul3A_1083 = arith.mulf %convert_element_type3A_1080, %mul3A_1082 : vector<512x1xf32>
    %add3A_1084 = arith.addf %mul3A_1083, %broadcast_in_dim3A_1072 : vector<512x1xf32>
    %select_n3A_1085 = arith.select %and3A_1075, %select_n3A_1061, %select_n3A_1060 : vector<512x128xi1>, vector<512x128xf32>
    %reduce_min3A_1086 = arith.constant dense<0x7F800000> : vector<512xf32>
    %reduce_min3A_1087 = vector.multi_reduction <minimumf>, %select_n3A_1085, %reduce_min3A_1086 [1] : vector<512x128xf32> to vector<512xf32>
    %broadcast_in_dim3A_1088 = vector.shape_cast %reduce_min3A_1087 : vector<512xf32> to vector<512x1xf32>
    %le3A_1089 = vector.broadcast %broadcast_in_dim3A_1088 : vector<512x1xf32> to vector<512x128xf32>
    %le3A_1090 = arith.cmpf ole, %select_n3A_1085, %le3A_1089 : vector<512x128xf32>
    %jit3A_1091 = arith.constant 1.280000e+02 : f32
    %broadcast_in_dim3A_1092 = vector.broadcast %jit3A_1091 : f32 to vector<512x128xf32>
    %select_n3A_1093 = arith.select %le3A_1090, %convert_element_type3A_24, %broadcast_in_dim3A_1092 : vector<512x128xi1>, vector<512x128xf32>
    %reduce_min3A_1094 = arith.constant dense<0x7F800000> : vector<512xf32>
    %reduce_min3A_1095 = vector.multi_reduction <minimumf>, %select_n3A_1093, %reduce_min3A_1094 [1] : vector<512x128xf32> to vector<512xf32>
    %broadcast_in_dim3A_1096 = vector.shape_cast %reduce_min3A_1095 : vector<512xf32> to vector<512x1xf32>
    %bitcast_convert_type3A_1097 = tpu.bitcast %broadcast_in_dim3A_1088 : vector<512x1xf32> -> vector<512x1xi32>
    %and3A_1098 = arith.constant 31 : i32
    %and3A_1099 = vector.broadcast %and3A_1098 : i32 to vector<512x1xi32>
    %and3A_1100 = arith.andi %bitcast_convert_type3A_1097, %and3A_1099 : vector<512x1xi32>
    %convert_element_type3A_1101 = arith.sitofp %and3A_1100 : vector<512x1xi32> to vector<512x1xf32>
    %mul3A_1102 = arith.constant 1.280000e+02 : f32
    %mul3A_1103 = vector.broadcast %mul3A_1102 : f32 to vector<512x1xf32>
    %mul3A_1104 = arith.mulf %convert_element_type3A_1101, %mul3A_1103 : vector<512x1xf32>
    %add3A_1105 = arith.addf %mul3A_1104, %broadcast_in_dim3A_1096 : vector<512x1xf32>
    %concatenate3A = tpu.concatenate %add3A_685, %add3A_714, %add3A_743, %add3A_772, %add3A_801, %add3A_830, %add3A_859, %add3A_888, %add3A_917, %add3A_946, %add3A_975, %add3A_1004, %add3A_1033, %add3A_1059, %add3A_1084, %add3A_1105 in 1 : vector<512x1xf32>, vector<512x1xf32>, vector<512x1xf32>, vector<512x1xf32>, vector<512x1xf32>, vector<512x1xf32>, vector<512x1xf32>, vector<512x1xf32>, vector<512x1xf32>, vector<512x1xf32>, vector<512x1xf32>, vector<512x1xf32>, vector<512x1xf32>, vector<512x1xf32>, vector<512x1xf32>, vector<512x1xf32> -> vector<512x16xf32>
    %convert_element_type3A_1106 = arith.fptosi %concatenate3A : vector<512x16xf32> to vector<512x16xi32>
    %mul3A_1107 = arith.constant 4096 : i32
    %mul3A_1108 = arith.muli %arg0, %mul3A_1107 : i32
    %add3A_1109 = vector.broadcast %mul3A_1108 : i32 to vector<512x16xi32>
    %add3A_1110 = arith.addi %convert_element_type3A_1106, %add3A_1109 : vector<512x16xi32>
    %swap3A = arith.constant 0 : index
    %swap3A_1111 = arith.constant 0 : index
    %swap3A_1112 = arith.constant 0 : index
    %swap3A_1113 = vector.load %arg4[%swap3A, %swap3A_1111, %swap3A_1112] : memref<1x512x16xi32, #tpu.memory_space<vmem>>, vector<1x512x16xi32>
    %swap3A_1114 = vector.shape_cast %swap3A_1113 : vector<1x512x16xi32> to vector<512x16xi32>
    %swap3A_1115 = vector.shape_cast %add3A_1110 : vector<512x16xi32> to vector<1x512x16xi32>
    tpu.vector_store %arg4[%swap3A, %swap3A_1111, %swap3A_1112], %swap3A_1115 {strides = array<i32>} : memref<1x512x16xi32, #tpu.memory_space<vmem>>, vector<1x512x16xi32>,
    return
  }
  func.func @transform_0(%arg0: i32, %arg1: i32) -> (i32, i32, i32) {
    %c0_i32 = arith.constant 0 : i32
    %c0_i32_0 = arith.constant 0 : i32
    return %arg0, %arg1, %c0_i32 : i32, i32, i32
  }
  func.func @transform_1(%arg0: i32, %arg1: i32) -> (i32, i32, i32) {
    %c0_i32 = arith.constant 0 : i32
    %c0_i32_0 = arith.constant 0 : i32
    %c0_i32_1 = arith.constant 0 : i32
    return %arg0, %c0_i32, %c0_i32_0 : i32, i32, i32
  }
  func.func @transform_2(%arg0: i32, %arg1: i32) -> (i32, i32, i32) {
    %c0_i32 = arith.constant 0 : i32
    %c0_i32_0 = arith.constant 0 : i32
    return %arg0, %arg1, %c0_i32 : i32, i32, i32
  }
}

module attributes {stable_mosaic.version = 14 : i64} {
  func.func @_k1_body(%arg0: i32, %arg1: i32, %arg2: memref<1x64x2048xf32, #tpu.memory_space<vmem>>, %arg3: memref<1x64x2048xf32, #tpu.memory_space<vmem>>, %arg4: memref<1x2048x3xf32, #tpu.memory_space<vmem>>, %arg5: memref<64x64xf32, #tpu.memory_space<vmem>>, %arg6: memref<64x64xf32, #tpu.memory_space<vmem>>, %arg7: memref<32x64xf32, #tpu.memory_space<vmem>>, %arg8: memref<32x64xf32, #tpu.memory_space<vmem>>, %arg9: memref<64x64xf32, #tpu.memory_space<vmem>>, %arg10: memref<9x64xf32, #tpu.memory_space<vmem>>, %arg11: memref<1x2048x64xf32, #tpu.memory_space<vmem>>, %arg12: memref<1x2048x32xf32, #tpu.memory_space<vmem>>, %arg13: memref<1x2048x128xf32, #tpu.memory_space<vmem>>) attributes {dimension_semantics = [#tpu.dimension_semantics<arbitrary>, #tpu.dimension_semantics<arbitrary>], iteration_bounds = array<i64: 2, 2>, scalar_prefetch = 0 : i64, scratch_operands = 0 : i64, tpu.core_type = #tpu.core_type<tc>, window_params = [{transform_indices = @transform_0, window_bounds = array<i64: 1, 64, 2048>}, {transform_indices = @transform_1, window_bounds = array<i64: 1, 64, 2048>}, {transform_indices = @transform_2, window_bounds = array<i64: 1, 2048, 3>}, {pipeline_mode = #tpu.pipeline_mode<synchronous>, transform_indices = @transform_3, window_bounds = array<i64: 64, 64>}, {pipeline_mode = #tpu.pipeline_mode<synchronous>, transform_indices = @transform_4, window_bounds = array<i64: 64, 64>}, {pipeline_mode = #tpu.pipeline_mode<synchronous>, transform_indices = @transform_5, window_bounds = array<i64: 32, 64>}, {pipeline_mode = #tpu.pipeline_mode<synchronous>, transform_indices = @transform_6, window_bounds = array<i64: 32, 64>}, {pipeline_mode = #tpu.pipeline_mode<synchronous>, transform_indices = @transform_7, window_bounds = array<i64: 64, 64>}, {pipeline_mode = #tpu.pipeline_mode<synchronous>, transform_indices = @transform_8, window_bounds = array<i64: 9, 64>}, {transform_indices = @transform_9, window_bounds = array<i64: 1, 2048, 64>}, {transform_indices = @transform_10, window_bounds = array<i64: 1, 2048, 32>}, {transform_indices = @transform_11, window_bounds = array<i64: 1, 2048, 128>}]} {
    %get3A = arith.constant 0 : index
    %get3A_0 = arith.constant 0 : index
    %get3A_1 = vector.load %arg10[%get3A, %get3A_0] : memref<9x64xf32, #tpu.memory_space<vmem>>, vector<9x64xf32>
    %get3A_2 = arith.constant 0 : index
    %get3A_3 = arith.constant 0 : index
    %get3A_4 = vector.load %arg5[%get3A_2, %get3A_3] : memref<64x64xf32, #tpu.memory_space<vmem>>, vector<64x64xf32>
    %get3A_5 = arith.constant 0 : index
    %get3A_6 = arith.constant 0 : index
    %get3A_7 = arith.constant 0 : index
    %get3A_8 = vector.load %arg2[%get3A_5, %get3A_6, %get3A_7] : memref<1x64x2048xf32, #tpu.memory_space<vmem>>, vector<1x64x2048xf32>
    %get3A_9 = vector.shape_cast %get3A_8 : vector<1x64x2048xf32> to vector<64x2048xf32>
    %dot_general3A = arith.constant dense<0.000000e+00> : vector<64x2048xf32>
    %dot_general3A_10 = tpu.matmul %get3A_4, %get3A_9, %dot_general3A {dimension_numbers = #tpu.dot_dimension_numbers<[1], [0], [0], [1], [0, 0, 1, 1], [], []>, transpose_lhs_hint = false} : vector<64x64xf32>, vector<64x2048xf32>, vector<64x2048xf32> -> vector<64x2048xf32>
    %slice3A = vector.extract_strided_slice %get3A_1 {offsets = [0, 0], sizes = [1, 64], strides = [1, 1]} : vector<9x64xf32> to vector<1x64xf32>
    %squeeze3A = vector.shape_cast %slice3A : vector<1x64xf32> to vector<64xf32>
    %broadcast_in_dim3A = vector.shape_cast %squeeze3A : vector<64xf32> to vector<64x1xf32>
    %add3A = vector.broadcast %broadcast_in_dim3A : vector<64x1xf32> to vector<64x2048xf32>
    %add3A_11 = arith.addf %dot_general3A_10, %add3A : vector<64x2048xf32>
    %slice3A_12 = vector.extract_strided_slice %get3A_1 {offsets = [2, 0], sizes = [1, 64], strides = [1, 1]} : vector<9x64xf32> to vector<1x64xf32>
    %squeeze3A_13 = vector.shape_cast %slice3A_12 : vector<1x64xf32> to vector<64xf32>
    %broadcast_in_dim3A_14 = vector.shape_cast %squeeze3A_13 : vector<64xf32> to vector<64x1xf32>
    %mul3A = vector.broadcast %broadcast_in_dim3A_14 : vector<64x1xf32> to vector<64x2048xf32>
    %mul3A_15 = arith.mulf %add3A_11, %mul3A : vector<64x2048xf32>
    %slice3A_16 = vector.extract_strided_slice %get3A_1 {offsets = [3, 0], sizes = [1, 64], strides = [1, 1]} : vector<9x64xf32> to vector<1x64xf32>
    %squeeze3A_17 = vector.shape_cast %slice3A_16 : vector<1x64xf32> to vector<64xf32>
    %broadcast_in_dim3A_18 = vector.shape_cast %squeeze3A_17 : vector<64xf32> to vector<64x1xf32>
    %add3A_19 = vector.broadcast %broadcast_in_dim3A_18 : vector<64x1xf32> to vector<64x2048xf32>
    %add3A_20 = arith.addf %mul3A_15, %add3A_19 : vector<64x2048xf32>
    %max3A = arith.constant 0.000000e+00 : f32
    %max3A_21 = vector.broadcast %max3A : f32 to vector<64x2048xf32>
    %max3A_22 = arith.maximumf %add3A_20, %max3A_21 : vector<64x2048xf32>
    %transpose3A = tpu.transpose %max3A_22, [1, 0] : vector<64x2048xf32> -> vector<2048x64xf32>
    %swap3A = arith.constant 0 : index
    %swap3A_23 = arith.constant 0 : index
    %swap3A_24 = arith.constant 0 : index
    %swap3A_25 = vector.load %arg11[%swap3A, %swap3A_23, %swap3A_24] : memref<1x2048x64xf32, #tpu.memory_space<vmem>>, vector<1x2048x64xf32>
    %swap3A_26 = vector.shape_cast %swap3A_25 : vector<1x2048x64xf32> to vector<2048x64xf32>
    %swap3A_27 = vector.shape_cast %transpose3A : vector<2048x64xf32> to vector<1x2048x64xf32>
    tpu.vector_store %arg11[%swap3A, %swap3A_23, %swap3A_24], %swap3A_27 {strides = array<i32>} : memref<1x2048x64xf32, #tpu.memory_space<vmem>>, vector<1x2048x64xf32>,
    %get3A_28 = arith.constant 0 : index
    %get3A_29 = arith.constant 0 : index
    %get3A_30 = vector.load %arg7[%get3A_28, %get3A_29] : memref<32x64xf32, #tpu.memory_space<vmem>>, vector<32x64xf32>
    %transpose3A_31 = tpu.transpose %get3A_30, [1, 0] : vector<32x64xf32> -> vector<64x32xf32>
    %dot_general3A_32 = arith.constant dense<0.000000e+00> : vector<2048x32xf32>
    %dot_general3A_33 = tpu.matmul %transpose3A, %transpose3A_31, %dot_general3A_32 {dimension_numbers = #tpu.dot_dimension_numbers<[1], [0], [0], [1], [0, 0, 1, 1], [], []>, transpose_lhs_hint = false} : vector<2048x64xf32>, vector<64x32xf32>, vector<2048x32xf32> -> vector<2048x32xf32>
    %slice3A_34 = vector.extract_strided_slice %get3A_1 {offsets = [6, 0], sizes = [1, 32], strides = [1, 1]} : vector<9x64xf32> to vector<1x32xf32>
    %squeeze3A_35 = vector.shape_cast %slice3A_34 : vector<1x32xf32> to vector<32xf32>
    %broadcast_in_dim3A_36 = vector.shape_cast %squeeze3A_35 : vector<32xf32> to vector<1x32xf32>
    %add3A_37 = vector.broadcast %broadcast_in_dim3A_36 : vector<1x32xf32> to vector<2048x32xf32>
    %add3A_38 = arith.addf %dot_general3A_33, %add3A_37 : vector<2048x32xf32>
    %swap3A_39 = arith.constant 0 : index
    %swap3A_40 = arith.constant 0 : index
    %swap3A_41 = arith.constant 0 : index
    %swap3A_42 = vector.load %arg12[%swap3A_39, %swap3A_40, %swap3A_41] : memref<1x2048x32xf32, #tpu.memory_space<vmem>>, vector<1x2048x32xf32>
    %swap3A_43 = vector.shape_cast %swap3A_42 : vector<1x2048x32xf32> to vector<2048x32xf32>
    %swap3A_44 = vector.shape_cast %add3A_38 : vector<2048x32xf32> to vector<1x2048x32xf32>
    tpu.vector_store %arg12[%swap3A_39, %swap3A_40, %swap3A_41], %swap3A_44 {strides = array<i32>} : memref<1x2048x32xf32, #tpu.memory_space<vmem>>, vector<1x2048x32xf32>,
    %get3A_45 = arith.constant 0 : index
    %get3A_46 = arith.constant 0 : index
    %get3A_47 = vector.load %arg6[%get3A_45, %get3A_46] : memref<64x64xf32, #tpu.memory_space<vmem>>, vector<64x64xf32>
    %get3A_48 = arith.constant 0 : index
    %get3A_49 = arith.constant 0 : index
    %get3A_50 = arith.constant 0 : index
    %get3A_51 = vector.load %arg3[%get3A_48, %get3A_49, %get3A_50] : memref<1x64x2048xf32, #tpu.memory_space<vmem>>, vector<1x64x2048xf32>
    %get3A_52 = vector.shape_cast %get3A_51 : vector<1x64x2048xf32> to vector<64x2048xf32>
    %dot_general3A_53 = arith.constant dense<0.000000e+00> : vector<64x2048xf32>
    %dot_general3A_54 = tpu.matmul %get3A_47, %get3A_52, %dot_general3A_53 {dimension_numbers = #tpu.dot_dimension_numbers<[1], [0], [0], [1], [0, 0, 1, 1], [], []>, transpose_lhs_hint = false} : vector<64x64xf32>, vector<64x2048xf32>, vector<64x2048xf32> -> vector<64x2048xf32>
    %slice3A_55 = vector.extract_strided_slice %get3A_1 {offsets = [1, 0], sizes = [1, 64], strides = [1, 1]} : vector<9x64xf32> to vector<1x64xf32>
    %squeeze3A_56 = vector.shape_cast %slice3A_55 : vector<1x64xf32> to vector<64xf32>
    %broadcast_in_dim3A_57 = vector.shape_cast %squeeze3A_56 : vector<64xf32> to vector<64x1xf32>
    %add3A_58 = vector.broadcast %broadcast_in_dim3A_57 : vector<64x1xf32> to vector<64x2048xf32>
    %add3A_59 = arith.addf %dot_general3A_54, %add3A_58 : vector<64x2048xf32>
    %slice3A_60 = vector.extract_strided_slice %get3A_1 {offsets = [4, 0], sizes = [1, 64], strides = [1, 1]} : vector<9x64xf32> to vector<1x64xf32>
    %squeeze3A_61 = vector.shape_cast %slice3A_60 : vector<1x64xf32> to vector<64xf32>
    %broadcast_in_dim3A_62 = vector.shape_cast %squeeze3A_61 : vector<64xf32> to vector<64x1xf32>
    %mul3A_63 = vector.broadcast %broadcast_in_dim3A_62 : vector<64x1xf32> to vector<64x2048xf32>
    %mul3A_64 = arith.mulf %add3A_59, %mul3A_63 : vector<64x2048xf32>
    %slice3A_65 = vector.extract_strided_slice %get3A_1 {offsets = [5, 0], sizes = [1, 64], strides = [1, 1]} : vector<9x64xf32> to vector<1x64xf32>
    %squeeze3A_66 = vector.shape_cast %slice3A_65 : vector<1x64xf32> to vector<64xf32>
    %broadcast_in_dim3A_67 = vector.shape_cast %squeeze3A_66 : vector<64xf32> to vector<64x1xf32>
    %add3A_68 = vector.broadcast %broadcast_in_dim3A_67 : vector<64x1xf32> to vector<64x2048xf32>
    %add3A_69 = arith.addf %mul3A_64, %add3A_68 : vector<64x2048xf32>
    %max3A_70 = arith.constant 0.000000e+00 : f32
    %max3A_71 = vector.broadcast %max3A_70 : f32 to vector<64x2048xf32>
    %max3A_72 = arith.maximumf %add3A_69, %max3A_71 : vector<64x2048xf32>
    %transpose3A_73 = tpu.transpose %max3A_72, [1, 0] : vector<64x2048xf32> -> vector<2048x64xf32>
    %get3A_74 = arith.constant 0 : index
    %get3A_75 = arith.constant 0 : index
    %get3A_76 = vector.load %arg8[%get3A_74, %get3A_75] : memref<32x64xf32, #tpu.memory_space<vmem>>, vector<32x64xf32>
    %transpose3A_77 = tpu.transpose %get3A_76, [1, 0] : vector<32x64xf32> -> vector<64x32xf32>
    %dot_general3A_78 = arith.constant dense<0.000000e+00> : vector<2048x32xf32>
    %dot_general3A_79 = tpu.matmul %transpose3A_73, %transpose3A_77, %dot_general3A_78 {dimension_numbers = #tpu.dot_dimension_numbers<[1], [0], [0], [1], [0, 0, 1, 1], [], []>, transpose_lhs_hint = false} : vector<2048x64xf32>, vector<64x32xf32>, vector<2048x32xf32> -> vector<2048x32xf32>
    %slice3A_80 = vector.extract_strided_slice %get3A_1 {offsets = [7, 0], sizes = [1, 32], strides = [1, 1]} : vector<9x64xf32> to vector<1x32xf32>
    %squeeze3A_81 = vector.shape_cast %slice3A_80 : vector<1x32xf32> to vector<32xf32>
    %broadcast_in_dim3A_82 = vector.shape_cast %squeeze3A_81 : vector<32xf32> to vector<1x32xf32>
    %add3A_83 = vector.broadcast %broadcast_in_dim3A_82 : vector<1x32xf32> to vector<2048x32xf32>
    %add3A_84 = arith.addf %dot_general3A_79, %add3A_83 : vector<2048x32xf32>
    %get3A_85 = arith.constant 0 : index
    %get3A_86 = arith.constant 0 : index
    %get3A_87 = vector.load %arg9[%get3A_85, %get3A_86] : memref<64x64xf32, #tpu.memory_space<vmem>>, vector<64x64xf32>
    %transpose3A_88 = tpu.transpose %get3A_87, [1, 0] : vector<64x64xf32> -> vector<64x64xf32>
    %dot_general3A_89 = arith.constant dense<0.000000e+00> : vector<2048x64xf32>
    %dot_general3A_90 = tpu.matmul %transpose3A_73, %transpose3A_88, %dot_general3A_89 {dimension_numbers = #tpu.dot_dimension_numbers<[1], [0], [0], [1], [0, 0, 1, 1], [], []>, transpose_lhs_hint = false} : vector<2048x64xf32>, vector<64x64xf32>, vector<2048x64xf32> -> vector<2048x64xf32>
    %slice3A_91 = vector.extract_strided_slice %get3A_1 {offsets = [8, 0], sizes = [1, 64], strides = [1, 1]} : vector<9x64xf32> to vector<1x64xf32>
    %squeeze3A_92 = vector.shape_cast %slice3A_91 : vector<1x64xf32> to vector<64xf32>
    %broadcast_in_dim3A_93 = vector.shape_cast %squeeze3A_92 : vector<64xf32> to vector<1x64xf32>
    %add3A_94 = vector.broadcast %broadcast_in_dim3A_93 : vector<1x64xf32> to vector<2048x64xf32>
    %add3A_95 = arith.addf %dot_general3A_90, %add3A_94 : vector<2048x64xf32>
    %swap3A_96 = arith.constant 0 : index
    %swap3A_97 = arith.constant 0 : index
    %swap3A_98 = arith.constant 0 : index
    %swap3A_99 = vector.load %arg13[%swap3A_96, %swap3A_97, %swap3A_98] : memref<1x2048x128xf32, #tpu.memory_space<vmem>>, vector<1x2048x32xf32>
    %swap3A_100 = vector.shape_cast %swap3A_99 : vector<1x2048x32xf32> to vector<2048x32xf32>
    %swap3A_101 = vector.shape_cast %add3A_84 : vector<2048x32xf32> to vector<1x2048x32xf32>
    tpu.vector_store %arg13[%swap3A_96, %swap3A_97, %swap3A_98], %swap3A_101 {strides = array<i32>} : memref<1x2048x128xf32, #tpu.memory_space<vmem>>, vector<1x2048x32xf32>,
    %swap3A_102 = arith.constant 0 : index
    %swap3A_103 = arith.constant 0 : index
    %swap3A_104 = arith.constant 32 : index
    %swap3A_105 = vector.load %arg13[%swap3A_102, %swap3A_103, %swap3A_104] : memref<1x2048x128xf32, #tpu.memory_space<vmem>>, vector<1x2048x64xf32>
    %swap3A_106 = vector.shape_cast %swap3A_105 : vector<1x2048x64xf32> to vector<2048x64xf32>
    %swap3A_107 = vector.shape_cast %add3A_95 : vector<2048x64xf32> to vector<1x2048x64xf32>
    tpu.vector_store %arg13[%swap3A_102, %swap3A_103, %swap3A_104], %swap3A_107 {strides = array<i32>} : memref<1x2048x128xf32, #tpu.memory_space<vmem>>, vector<1x2048x64xf32>,
    %get3A_108 = arith.constant 0 : index
    %get3A_109 = arith.constant 0 : index
    %get3A_110 = arith.constant 0 : index
    %get3A_111 = vector.load %arg4[%get3A_108, %get3A_109, %get3A_110] : memref<1x2048x3xf32, #tpu.memory_space<vmem>>, vector<1x2048x3xf32>
    %get3A_112 = vector.shape_cast %get3A_111 : vector<1x2048x3xf32> to vector<2048x3xf32>
    %swap3A_113 = arith.constant 0 : index
    %swap3A_114 = arith.constant 0 : index
    %swap3A_115 = arith.constant 96 : index
    %swap3A_116 = vector.load %arg13[%swap3A_113, %swap3A_114, %swap3A_115] : memref<1x2048x128xf32, #tpu.memory_space<vmem>>, vector<1x2048x3xf32>
    %swap3A_117 = vector.shape_cast %swap3A_116 : vector<1x2048x3xf32> to vector<2048x3xf32>
    %swap3A_118 = vector.shape_cast %get3A_112 : vector<2048x3xf32> to vector<1x2048x3xf32>
    tpu.vector_store %arg13[%swap3A_113, %swap3A_114, %swap3A_115], %swap3A_118 {strides = array<i32>} : memref<1x2048x128xf32, #tpu.memory_space<vmem>>, vector<1x2048x3xf32>,
    %broadcast_in_dim3A_119 = arith.constant 0.000000e+00 : f32
    %broadcast_in_dim3A_120 = vector.broadcast %broadcast_in_dim3A_119 : f32 to vector<2048x29xf32>
    %swap3A_121 = arith.constant 0 : index
    %swap3A_122 = arith.constant 0 : index
    %swap3A_123 = arith.constant 99 : index
    %swap3A_124 = vector.load %arg13[%swap3A_121, %swap3A_122, %swap3A_123] : memref<1x2048x128xf32, #tpu.memory_space<vmem>>, vector<1x2048x29xf32>
    %swap3A_125 = vector.shape_cast %swap3A_124 : vector<1x2048x29xf32> to vector<2048x29xf32>
    %swap3A_126 = vector.shape_cast %broadcast_in_dim3A_120 : vector<2048x29xf32> to vector<1x2048x29xf32>
    tpu.vector_store %arg13[%swap3A_121, %swap3A_122, %swap3A_123], %swap3A_126 {strides = array<i32>} : memref<1x2048x128xf32, #tpu.memory_space<vmem>>, vector<1x2048x29xf32>,
    return
  }
  func.func @transform_0(%arg0: i32, %arg1: i32) -> (i32, i32, i32) {
    %c0_i32 = arith.constant 0 : i32
    %c0_i32_0 = arith.constant 0 : i32
    return %arg0, %c0_i32, %arg1 : i32, i32, i32
  }
  func.func @transform_1(%arg0: i32, %arg1: i32) -> (i32, i32, i32) {
    %c0_i32 = arith.constant 0 : i32
    %c0_i32_0 = arith.constant 0 : i32
    return %arg0, %c0_i32, %arg1 : i32, i32, i32
  }
  func.func @transform_2(%arg0: i32, %arg1: i32) -> (i32, i32, i32) {
    %c0_i32 = arith.constant 0 : i32
    %c0_i32_0 = arith.constant 0 : i32
    return %arg0, %arg1, %c0_i32 : i32, i32, i32
  }
  func.func @transform_3(%arg0: i32, %arg1: i32) -> (i32, i32) {
    %c0_i32 = arith.constant 0 : i32
    %c0_i32_0 = arith.constant 0 : i32
    %c0_i32_1 = arith.constant 0 : i32
    return %c0_i32, %c0_i32_0 : i32, i32
  }
  func.func @transform_4(%arg0: i32, %arg1: i32) -> (i32, i32) {
    %c0_i32 = arith.constant 0 : i32
    %c0_i32_0 = arith.constant 0 : i32
    %c0_i32_1 = arith.constant 0 : i32
    return %c0_i32, %c0_i32_0 : i32, i32
  }
  func.func @transform_5(%arg0: i32, %arg1: i32) -> (i32, i32) {
    %c0_i32 = arith.constant 0 : i32
    %c0_i32_0 = arith.constant 0 : i32
    %c0_i32_1 = arith.constant 0 : i32
    return %c0_i32, %c0_i32_0 : i32, i32
  }
  func.func @transform_6(%arg0: i32, %arg1: i32) -> (i32, i32) {
    %c0_i32 = arith.constant 0 : i32
    %c0_i32_0 = arith.constant 0 : i32
    %c0_i32_1 = arith.constant 0 : i32
    return %c0_i32, %c0_i32_0 : i32, i32
  }
  func.func @transform_7(%arg0: i32, %arg1: i32) -> (i32, i32) {
    %c0_i32 = arith.constant 0 : i32
    %c0_i32_0 = arith.constant 0 : i32
    %c0_i32_1 = arith.constant 0 : i32
    return %c0_i32, %c0_i32_0 : i32, i32
  }
  func.func @transform_8(%arg0: i32, %arg1: i32) -> (i32, i32) {
    %c0_i32 = arith.constant 0 : i32
    %c0_i32_0 = arith.constant 0 : i32
    %c0_i32_1 = arith.constant 0 : i32
    return %c0_i32, %c0_i32_0 : i32, i32
  }
  func.func @transform_9(%arg0: i32, %arg1: i32) -> (i32, i32, i32) {
    %c0_i32 = arith.constant 0 : i32
    %c0_i32_0 = arith.constant 0 : i32
    return %arg0, %arg1, %c0_i32 : i32, i32, i32
  }
  func.func @transform_10(%arg0: i32, %arg1: i32) -> (i32, i32, i32) {
    %c0_i32 = arith.constant 0 : i32
    %c0_i32_0 = arith.constant 0 : i32
    return %arg0, %arg1, %c0_i32 : i32, i32, i32
  }
  func.func @transform_11(%arg0: i32, %arg1: i32) -> (i32, i32, i32) {
    %c0_i32 = arith.constant 0 : i32
    %c0_i32_0 = arith.constant 0 : i32
    return %arg0, %arg1, %c0_i32 : i32, i32, i32
  }
}

module attributes {stable_mosaic.version = 14 : i64} {
  func.func @_k4_body(%arg0: i32, %arg1: i32, %arg2: memref<1x2048x128xf32, #tpu.memory_space<vmem>>, %arg3: memref<1x128x32xf32, #tpu.memory_space<vmem>>, %arg4: memref<1x128x64xf32, #tpu.memory_space<vmem>>, %arg5: memref<1x128x3xf32, #tpu.memory_space<vmem>>, %arg6: memref<3x64xf32, #tpu.memory_space<vmem>>, %arg7: memref<3x64xf32, #tpu.memory_space<vmem>>, %arg8: memref<3x3xf32, #tpu.memory_space<vmem>>, %arg9: memref<32x4xf32, #tpu.memory_space<vmem>>, %arg10: memref<4x8xf32, #tpu.memory_space<vmem>>, %arg11: memref<64x64xf32, #tpu.memory_space<vmem>>, %arg12: memref<64x64xf32, #tpu.memory_space<vmem>>, %arg13: memref<8x64xf32, #tpu.memory_space<vmem>>, %arg14: memref<15x64xf32, #tpu.memory_space<vmem>>, %arg15: memref<1x64x128xf32, #tpu.memory_space<vmem>>) attributes {dimension_semantics = [#tpu.dimension_semantics<arbitrary>, #tpu.dimension_semantics<arbitrary>], iteration_bounds = array<i64: 2, 32>, scalar_prefetch = 0 : i64, scratch_operands = 0 : i64, tpu.core_type = #tpu.core_type<tc>, window_params = [{transform_indices = @transform_0, window_bounds = array<i64: 1, 2048, 128>}, {transform_indices = @transform_1, window_bounds = array<i64: 1, 128, 32>}, {transform_indices = @transform_2, window_bounds = array<i64: 1, 128, 64>}, {transform_indices = @transform_3, window_bounds = array<i64: 1, 128, 3>}, {pipeline_mode = #tpu.pipeline_mode<synchronous>, transform_indices = @transform_4, window_bounds = array<i64: 3, 64>}, {pipeline_mode = #tpu.pipeline_mode<synchronous>, transform_indices = @transform_5, window_bounds = array<i64: 3, 64>}, {pipeline_mode = #tpu.pipeline_mode<synchronous>, transform_indices = @transform_6, window_bounds = array<i64: 3, 3>}, {pipeline_mode = #tpu.pipeline_mode<synchronous>, transform_indices = @transform_7, window_bounds = array<i64: 32, 4>}, {pipeline_mode = #tpu.pipeline_mode<synchronous>, transform_indices = @transform_8, window_bounds = array<i64: 4, 8>}, {pipeline_mode = #tpu.pipeline_mode<synchronous>, transform_indices = @transform_9, window_bounds = array<i64: 64, 64>}, {pipeline_mode = #tpu.pipeline_mode<synchronous>, transform_indices = @transform_10, window_bounds = array<i64: 64, 64>}, {pipeline_mode = #tpu.pipeline_mode<synchronous>, transform_indices = @transform_11, window_bounds = array<i64: 8, 64>}, {pipeline_mode = #tpu.pipeline_mode<synchronous>, transform_indices = @transform_12, window_bounds = array<i64: 15, 64>}, {transform_indices = @transform_13, window_bounds = array<i64: 1, 64, 128>}]} {
    %get3A = arith.constant 0 : index
    %get3A_0 = arith.constant 0 : index
    %get3A_1 = vector.load %arg14[%get3A, %get3A_0] : memref<15x64xf32, #tpu.memory_space<vmem>>, vector<15x64xf32>
    %get3A_2 = arith.constant 0 : index
    %get3A_3 = arith.constant 0 : index
    %get3A_4 = arith.constant 0 : index
    %get3A_5 = vector.load %arg2[%get3A_2, %get3A_3, %get3A_4] : memref<1x2048x128xf32, #tpu.memory_space<vmem>>, vector<1x2048x128xf32>
    %get3A_6 = vector.shape_cast %get3A_5 : vector<1x2048x128xf32> to vector<2048x128xf32>
    %slice3A = vector.extract_strided_slice %get3A_6 {offsets = [0, 0], sizes = [2048, 32], strides = [1, 1]} : vector<2048x128xf32> to vector<2048x32xf32>
    %slice3A_7 = vector.extract_strided_slice %get3A_6 {offsets = [0, 32], sizes = [2048, 64], strides = [1, 1]} : vector<2048x128xf32> to vector<2048x64xf32>
    %slice3A_8 = vector.extract_strided_slice %get3A_6 {offsets = [0, 96], sizes = [2048, 3], strides = [1, 1]} : vector<2048x128xf32> to vector<2048x3xf32>
    %get3A_9 = arith.constant 0 : index
    %get3A_10 = arith.constant 0 : index
    %get3A_11 = arith.constant 0 : index
    %get3A_12 = vector.load %arg5[%get3A_9, %get3A_10, %get3A_11] : memref<1x128x3xf32, #tpu.memory_space<vmem>>, vector<1x128x3xf32>
    %get3A_13 = vector.shape_cast %get3A_12 : vector<1x128x3xf32> to vector<128x3xf32>
    %get3A_14 = arith.constant 0 : index
    %get3A_15 = arith.constant 0 : index
    %get3A_16 = vector.load %arg8[%get3A_14, %get3A_15] : memref<3x3xf32, #tpu.memory_space<vmem>>, vector<3x3xf32>
    %dot_general3A = arith.constant dense<0.000000e+00> : vector<128x3xf32>
    %dot_general3A_17 = tpu.matmul %get3A_13, %get3A_16, %dot_general3A {dimension_numbers = #tpu.dot_dimension_numbers<[1], [0], [0], [1], [0, 0, 1, 1], [], []>, transpose_lhs_hint = false} : vector<128x3xf32>, vector<3x3xf32>, vector<128x3xf32> -> vector<128x3xf32>
    %slice3A_18 = vector.extract_strided_slice %get3A_1 {offsets = [8, 0], sizes = [1, 3], strides = [1, 1]} : vector<15x64xf32> to vector<1x3xf32>
    %squeeze3A = vector.shape_cast %slice3A_18 : vector<1x3xf32> to vector<3xf32>
    %broadcast_in_dim3A = vector.shape_cast %squeeze3A : vector<3xf32> to vector<1x3xf32>
    %sub3A = vector.broadcast %broadcast_in_dim3A : vector<1x3xf32> to vector<128x3xf32>
    %sub3A_19 = arith.subf %dot_general3A_17, %sub3A : vector<128x3xf32>
    %get3A_20 = arith.constant 0 : index
    %get3A_21 = arith.constant 0 : index
    %get3A_22 = arith.constant 0 : index
    %get3A_23 = vector.load %arg4[%get3A_20, %get3A_21, %get3A_22] : memref<1x128x64xf32, #tpu.memory_space<vmem>>, vector<1x128x64xf32>
    %get3A_24 = vector.shape_cast %get3A_23 : vector<1x128x64xf32> to vector<128x64xf32>
    %slice3A_25 = vector.extract_strided_slice %get3A_1 {offsets = [1, 0], sizes = [1, 64], strides = [1, 1]} : vector<15x64xf32> to vector<1x64xf32>
    %squeeze3A_26 = vector.shape_cast %slice3A_25 : vector<1x64xf32> to vector<64xf32>
    %broadcast_in_dim3A_27 = vector.shape_cast %squeeze3A_26 : vector<64xf32> to vector<1x64xf32>
    %add3A = vector.broadcast %broadcast_in_dim3A_27 : vector<1x64xf32> to vector<128x64xf32>
    %add3A_28 = arith.addf %get3A_24, %add3A : vector<128x64xf32>
    %get3A_29 = arith.constant 0 : index
    %get3A_30 = arith.constant 0 : index
    %get3A_31 = vector.load %arg7[%get3A_29, %get3A_30] : memref<3x64xf32, #tpu.memory_space<vmem>>, vector<3x64xf32>
    %dot_general3A_32 = arith.constant dense<0.000000e+00> : vector<128x64xf32>
    %dot_general3A_33 = tpu.matmul %get3A_13, %get3A_31, %dot_general3A_32 {dimension_numbers = #tpu.dot_dimension_numbers<[1], [0], [0], [1], [0, 0, 1, 1], [], []>, transpose_lhs_hint = false} : vector<128x3xf32>, vector<3x64xf32>, vector<128x64xf32> -> vector<128x64xf32>
    %sub3A_34 = arith.subf %add3A_28, %dot_general3A_33 : vector<128x64xf32>
    %get3A_35 = arith.constant 0 : index
    %get3A_36 = arith.constant 0 : index
    %get3A_37 = arith.constant 0 : index
    %get3A_38 = vector.load %arg3[%get3A_35, %get3A_36, %get3A_37] : memref<1x128x32xf32, #tpu.memory_space<vmem>>, vector<1x128x32xf32>
    %get3A_39 = vector.shape_cast %get3A_38 : vector<1x128x32xf32> to vector<128x32xf32>
    %concatenate3A = tpu.concatenate %get3A_39, %sub3A_34, %sub3A_19 in 1 : vector<128x32xf32>, vector<128x64xf32>, vector<128x3xf32> -> vector<128x99xf32>
    %broadcast_in_dim3A_40 = vector.shape_cast %concatenate3A : vector<128x99xf32> to vector<128x1x99xf32>
    %broadcast_in_dim3A_41 = vector.shape_cast %broadcast_in_dim3A_40 : vector<128x1x99xf32> to vector<128x1x99xf32>
    %broadcast_in_dim3A_42 = vector.broadcast %broadcast_in_dim3A_41 : vector<128x1x99xf32> to vector<128x16x99xf32>
    %reshape3A = vector.shape_cast %broadcast_in_dim3A_42 : vector<128x16x99xf32> to vector<2048x99xf32>
    %get3A_43 = arith.constant 0 : index
    %get3A_44 = arith.constant 0 : index
    %get3A_45 = vector.load %arg8[%get3A_43, %get3A_44] : memref<3x3xf32, #tpu.memory_space<vmem>>, vector<3x3xf32>
    %dot_general3A_46 = arith.constant dense<0.000000e+00> : vector<2048x3xf32>
    %dot_general3A_47 = tpu.matmul %slice3A_8, %get3A_45, %dot_general3A_46 {dimension_numbers = #tpu.dot_dimension_numbers<[1], [0], [0], [1], [0, 0, 1, 1], [], []>, transpose_lhs_hint = false} : vector<2048x3xf32>, vector<3x3xf32>, vector<2048x3xf32> -> vector<2048x3xf32>
    %slice3A_48 = vector.extract_strided_slice %reshape3A {offsets = [0, 96], sizes = [2048, 3], strides = [1, 1]} : vector<2048x99xf32> to vector<2048x3xf32>
    %sub3A_49 = arith.subf %dot_general3A_47, %slice3A_48 : vector<2048x3xf32>
    %max3A = arith.constant 0.000000e+00 : f32
    %max3A_50 = vector.broadcast %max3A : f32 to vector<2048x3xf32>
    %max3A_51 = arith.maximumf %sub3A_49, %max3A_50 : vector<2048x3xf32>
    %get3A_52 = arith.constant 0 : index
    %get3A_53 = arith.constant 0 : index
    %get3A_54 = vector.load %arg6[%get3A_52, %get3A_53] : memref<3x64xf32, #tpu.memory_space<vmem>>, vector<3x64xf32>
    %dot_general3A_55 = arith.constant dense<0.000000e+00> : vector<2048x64xf32>
    %dot_general3A_56 = tpu.matmul %max3A_51, %get3A_54, %dot_general3A_55 {dimension_numbers = #tpu.dot_dimension_numbers<[1], [0], [0], [1], [0, 0, 1, 1], [], []>, transpose_lhs_hint = false} : vector<2048x3xf32>, vector<3x64xf32>, vector<2048x64xf32> -> vector<2048x64xf32>
    %slice3A_57 = vector.extract_strided_slice %get3A_1 {offsets = [0, 0], sizes = [1, 64], strides = [1, 1]} : vector<15x64xf32> to vector<1x64xf32>
    %squeeze3A_58 = vector.shape_cast %slice3A_57 : vector<1x64xf32> to vector<64xf32>
    %broadcast_in_dim3A_59 = vector.shape_cast %squeeze3A_58 : vector<64xf32> to vector<1x64xf32>
    %add3A_60 = vector.broadcast %broadcast_in_dim3A_59 : vector<1x64xf32> to vector<2048x64xf32>
    %add3A_61 = arith.addf %dot_general3A_56, %add3A_60 : vector<2048x64xf32>
    %slice3A_62 = vector.extract_strided_slice %reshape3A {offsets = [0, 0], sizes = [2048, 32], strides = [1, 1]} : vector<2048x99xf32> to vector<2048x32xf32>
    %sub3A_63 = arith.subf %slice3A, %slice3A_62 : vector<2048x32xf32>
    %slice3A_64 = vector.extract_strided_slice %add3A_61 {offsets = [0, 0], sizes = [2048, 32], strides = [1, 1]} : vector<2048x64xf32> to vector<2048x32xf32>
    %add3A_65 = arith.addf %sub3A_63, %slice3A_64 : vector<2048x32xf32>
    %slice3A_66 = vector.extract_strided_slice %add3A_61 {offsets = [0, 32], sizes = [2048, 32], strides = [1, 1]} : vector<2048x64xf32> to vector<2048x32xf32>
    %add3A_67 = arith.addf %add3A_65, %slice3A_66 : vector<2048x32xf32>
    %slice3A_68 = vector.extract_strided_slice %get3A_1 {offsets = [6, 0], sizes = [1, 32], strides = [1, 1]} : vector<15x64xf32> to vector<1x32xf32>
    %squeeze3A_69 = vector.shape_cast %slice3A_68 : vector<1x32xf32> to vector<32xf32>
    %broadcast_in_dim3A_70 = vector.shape_cast %squeeze3A_69 : vector<32xf32> to vector<1x32xf32>
    %mul3A = vector.broadcast %broadcast_in_dim3A_70 : vector<1x32xf32> to vector<2048x32xf32>
    %mul3A_71 = arith.mulf %add3A_67, %mul3A : vector<2048x32xf32>
    %slice3A_72 = vector.extract_strided_slice %get3A_1 {offsets = [7, 0], sizes = [1, 32], strides = [1, 1]} : vector<15x64xf32> to vector<1x32xf32>
    %squeeze3A_73 = vector.shape_cast %slice3A_72 : vector<1x32xf32> to vector<32xf32>
    %broadcast_in_dim3A_74 = vector.shape_cast %squeeze3A_73 : vector<32xf32> to vector<1x32xf32>
    %add3A_75 = vector.broadcast %broadcast_in_dim3A_74 : vector<1x32xf32> to vector<2048x32xf32>
    %add3A_76 = arith.addf %mul3A_71, %add3A_75 : vector<2048x32xf32>
    %max3A_77 = arith.constant 0.000000e+00 : f32
    %max3A_78 = vector.broadcast %max3A_77 : f32 to vector<2048x32xf32>
    %max3A_79 = arith.maximumf %add3A_76, %max3A_78 : vector<2048x32xf32>
    %get3A_80 = arith.constant 0 : index
    %get3A_81 = arith.constant 0 : index
    %get3A_82 = vector.load %arg9[%get3A_80, %get3A_81] : memref<32x4xf32, #tpu.memory_space<vmem>>, vector<32x4xf32>
    %dot_general3A_83 = arith.constant dense<0.000000e+00> : vector<2048x4xf32>
    %dot_general3A_84 = tpu.matmul %max3A_79, %get3A_82, %dot_general3A_83 {dimension_numbers = #tpu.dot_dimension_numbers<[1], [0], [0], [1], [0, 0, 1, 1], [], []>, transpose_lhs_hint = false} : vector<2048x32xf32>, vector<32x4xf32>, vector<2048x4xf32> -> vector<2048x4xf32>
    %slice3A_85 = vector.extract_strided_slice %get3A_1 {offsets = [11, 0], sizes = [1, 4], strides = [1, 1]} : vector<15x64xf32> to vector<1x4xf32>
    %squeeze3A_86 = vector.shape_cast %slice3A_85 : vector<1x4xf32> to vector<4xf32>
    %broadcast_in_dim3A_87 = vector.shape_cast %squeeze3A_86 : vector<4xf32> to vector<1x4xf32>
    %add3A_88 = vector.broadcast %broadcast_in_dim3A_87 : vector<1x4xf32> to vector<2048x4xf32>
    %add3A_89 = arith.addf %dot_general3A_84, %add3A_88 : vector<2048x4xf32>
    %slice3A_90 = vector.extract_strided_slice %get3A_1 {offsets = [12, 0], sizes = [1, 4], strides = [1, 1]} : vector<15x64xf32> to vector<1x4xf32>
    %squeeze3A_91 = vector.shape_cast %slice3A_90 : vector<1x4xf32> to vector<4xf32>
    %broadcast_in_dim3A_92 = vector.shape_cast %squeeze3A_91 : vector<4xf32> to vector<1x4xf32>
    %mul3A_93 = vector.broadcast %broadcast_in_dim3A_92 : vector<1x4xf32> to vector<2048x4xf32>
    %mul3A_94 = arith.mulf %add3A_89, %mul3A_93 : vector<2048x4xf32>
    %slice3A_95 = vector.extract_strided_slice %get3A_1 {offsets = [13, 0], sizes = [1, 4], strides = [1, 1]} : vector<15x64xf32> to vector<1x4xf32>
    %squeeze3A_96 = vector.shape_cast %slice3A_95 : vector<1x4xf32> to vector<4xf32>
    %broadcast_in_dim3A_97 = vector.shape_cast %squeeze3A_96 : vector<4xf32> to vector<1x4xf32>
    %add3A_98 = vector.broadcast %broadcast_in_dim3A_97 : vector<1x4xf32> to vector<2048x4xf32>
    %add3A_99 = arith.addf %mul3A_94, %add3A_98 : vector<2048x4xf32>
    %max3A_100 = arith.constant 0.000000e+00 : f32
    %max3A_101 = vector.broadcast %max3A_100 : f32 to vector<2048x4xf32>
    %max3A_102 = arith.maximumf %add3A_99, %max3A_101 : vector<2048x4xf32>
    %get3A_103 = arith.constant 0 : index
    %get3A_104 = arith.constant 0 : index
    %get3A_105 = vector.load %arg10[%get3A_103, %get3A_104] : memref<4x8xf32, #tpu.memory_space<vmem>>, vector<4x8xf32>
    %dot_general3A_106 = arith.constant dense<0.000000e+00> : vector<2048x8xf32>
    %dot_general3A_107 = tpu.matmul %max3A_102, %get3A_105, %dot_general3A_106 {dimension_numbers = #tpu.dot_dimension_numbers<[1], [0], [0], [1], [0, 0, 1, 1], [], []>, transpose_lhs_hint = false} : vector<2048x4xf32>, vector<4x8xf32>, vector<2048x8xf32> -> vector<2048x8xf32>
    %slice3A_108 = vector.extract_strided_slice %get3A_1 {offsets = [14, 0], sizes = [1, 8], strides = [1, 1]} : vector<15x64xf32> to vector<1x8xf32>
    %squeeze3A_109 = vector.shape_cast %slice3A_108 : vector<1x8xf32> to vector<8xf32>
    %broadcast_in_dim3A_110 = vector.shape_cast %squeeze3A_109 : vector<8xf32> to vector<1x8xf32>
    %add3A_111 = vector.broadcast %broadcast_in_dim3A_110 : vector<1x8xf32> to vector<2048x8xf32>
    %add3A_112 = arith.addf %dot_general3A_107, %add3A_111 : vector<2048x8xf32>
    %reshape3A_113 = vector.shape_cast %add3A_112 : vector<2048x8xf32> to vector<128x16x8xf32>
    %reduce_max3A = arith.constant dense<0xFF800000> : vector<128x8xf32>
    %reduce_max3A_114 = vector.multi_reduction <maximumf>, %reshape3A_113, %reduce_max3A [1] : vector<128x16x8xf32> to vector<128x8xf32>
    %broadcast_in_dim3A_115 = vector.shape_cast %reduce_max3A_114 : vector<128x8xf32> to vector<128x1x8xf32>
    %sub3A_116 = vector.broadcast %broadcast_in_dim3A_115 : vector<128x1x8xf32> to vector<128x16x8xf32>
    %sub3A_117 = arith.subf %reshape3A_113, %sub3A_116 : vector<128x16x8xf32>
    %exp3A = math.exp %sub3A_117 : vector<128x16x8xf32>
    %reduce_sum3A = arith.constant dense<0.000000e+00> : vector<128x8xf32>
    %reduce_sum3A_118 = vector.multi_reduction <add>, %exp3A, %reduce_sum3A [1] : vector<128x16x8xf32> to vector<128x8xf32>
    %broadcast_in_dim3A_119 = vector.shape_cast %reduce_sum3A_118 : vector<128x8xf32> to vector<128x1x8xf32>
    %div3A = vector.broadcast %broadcast_in_dim3A_119 : vector<128x1x8xf32> to vector<128x16x8xf32>
    %div3A_120 = arith.divf %exp3A, %div3A : vector<128x16x8xf32>
    %reshape3A_121 = vector.shape_cast %div3A_120 : vector<128x16x8xf32> to vector<2048x8xf32>
    %get3A_122 = arith.constant 0 : index
    %get3A_123 = arith.constant 0 : index
    %get3A_124 = vector.load %arg13[%get3A_122, %get3A_123] : memref<8x64xf32, #tpu.memory_space<vmem>>, vector<8x64xf32>
    %dot_general3A_125 = arith.constant dense<0.000000e+00> : vector<2048x64xf32>
    %dot_general3A_126 = tpu.matmul %reshape3A_121, %get3A_124, %dot_general3A_125 {dimension_numbers = #tpu.dot_dimension_numbers<[1], [0], [0], [1], [0, 0, 1, 1], [], []>, transpose_lhs_hint = false} : vector<2048x8xf32>, vector<8x64xf32>, vector<2048x64xf32> -> vector<2048x64xf32>
    %add3A_127 = arith.addf %slice3A_7, %add3A_61 : vector<2048x64xf32>
    %mul3A_128 = arith.mulf %add3A_127, %dot_general3A_126 : vector<2048x64xf32>
    %slice3A_129 = vector.extract_strided_slice %get3A_1 {offsets = [4, 0], sizes = [1, 64], strides = [1, 1]} : vector<15x64xf32> to vector<1x64xf32>
    %squeeze3A_130 = vector.shape_cast %slice3A_129 : vector<1x64xf32> to vector<64xf32>
    %broadcast_in_dim3A_131 = vector.shape_cast %squeeze3A_130 : vector<64xf32> to vector<1x64xf32>
    %mul3A_132 = vector.broadcast %broadcast_in_dim3A_131 : vector<1x64xf32> to vector<2048x64xf32>
    %mul3A_133 = arith.mulf %mul3A_128, %mul3A_132 : vector<2048x64xf32>
    %slice3A_134 = vector.extract_strided_slice %get3A_1 {offsets = [5, 0], sizes = [1, 64], strides = [1, 1]} : vector<15x64xf32> to vector<1x64xf32>
    %squeeze3A_135 = vector.shape_cast %slice3A_134 : vector<1x64xf32> to vector<64xf32>
    %broadcast_in_dim3A_136 = vector.shape_cast %squeeze3A_135 : vector<64xf32> to vector<1x64xf32>
    %add3A_137 = vector.broadcast %broadcast_in_dim3A_136 : vector<1x64xf32> to vector<2048x64xf32>
    %add3A_138 = arith.addf %mul3A_133, %add3A_137 : vector<2048x64xf32>
    %max3A_139 = arith.constant 0.000000e+00 : f32
    %max3A_140 = vector.broadcast %max3A_139 : f32 to vector<2048x64xf32>
    %max3A_141 = arith.maximumf %add3A_138, %max3A_140 : vector<2048x64xf32>
    %slice3A_142 = vector.extract_strided_slice %reshape3A {offsets = [0, 32], sizes = [2048, 64], strides = [1, 1]} : vector<2048x99xf32> to vector<2048x64xf32>
    %add3A_143 = arith.addf %slice3A_142, %max3A_141 : vector<2048x64xf32>
    %get3A_144 = arith.constant 0 : index
    %get3A_145 = arith.constant 0 : index
    %get3A_146 = vector.load %arg7[%get3A_144, %get3A_145] : memref<3x64xf32, #tpu.memory_space<vmem>>, vector<3x64xf32>
    %dot_general3A_147 = arith.constant dense<0.000000e+00> : vector<2048x64xf32>
    %dot_general3A_148 = tpu.matmul %slice3A_8, %get3A_146, %dot_general3A_147 {dimension_numbers = #tpu.dot_dimension_numbers<[1], [0], [0], [1], [0, 0, 1, 1], [], []>, transpose_lhs_hint = false} : vector<2048x3xf32>, vector<3x64xf32>, vector<2048x64xf32> -> vector<2048x64xf32>
    %add3A_149 = arith.addf %add3A_143, %dot_general3A_148 : vector<2048x64xf32>
    %max3A_150 = arith.constant 0.000000e+00 : f32
    %max3A_151 = vector.broadcast %max3A_150 : f32 to vector<2048x64xf32>
    %max3A_152 = arith.maximumf %add3A_149, %max3A_151 : vector<2048x64xf32>
    %convert_element_type3A = arith.truncf %max3A_152 : vector<2048x64xf32> to vector<2048x64xbf16>
    %get3A_153 = arith.constant 0 : index
    %get3A_154 = arith.constant 0 : index
    %get3A_155 = vector.load %arg11[%get3A_153, %get3A_154] : memref<64x64xf32, #tpu.memory_space<vmem>>, vector<64x64xf32>
    %convert_element_type3A_156 = arith.truncf %get3A_155 : vector<64x64xf32> to vector<64x64xbf16>
    %dot_general3A_157 = arith.constant dense<0.000000e+00> : vector<2048x64xf32>
    %dot_general3A_158 = tpu.matmul %convert_element_type3A, %convert_element_type3A_156, %dot_general3A_157 {dimension_numbers = #tpu.dot_dimension_numbers<[1], [0], [0], [1], [0, 0, 1, 1], [], []>, transpose_lhs_hint = false} : vector<2048x64xbf16>, vector<64x64xbf16>, vector<2048x64xf32> -> vector<2048x64xf32>
    %slice3A_159 = vector.extract_strided_slice %get3A_1 {offsets = [2, 0], sizes = [1, 64], strides = [1, 1]} : vector<15x64xf32> to vector<1x64xf32>
    %squeeze3A_160 = vector.shape_cast %slice3A_159 : vector<1x64xf32> to vector<64xf32>
    %broadcast_in_dim3A_161 = vector.shape_cast %squeeze3A_160 : vector<64xf32> to vector<1x64xf32>
    %add3A_162 = vector.broadcast %broadcast_in_dim3A_161 : vector<1x64xf32> to vector<2048x64xf32>
    %add3A_163 = arith.addf %dot_general3A_158, %add3A_162 : vector<2048x64xf32>
    %gt3A = arith.constant 0.000000e+00 : f32
    %gt3A_164 = vector.broadcast %gt3A : f32 to vector<2048x64xf32>
    %gt3A_165 = arith.cmpf ogt, %add3A_163, %gt3A_164 : vector<2048x64xf32>
    %mul3A_166 = arith.constant 1.000000e-01 : f32
    %mul3A_167 = vector.broadcast %mul3A_166 : f32 to vector<2048x64xf32>
    %mul3A_168 = arith.mulf %mul3A_167, %add3A_163 : vector<2048x64xf32>
    %select_n3A = arith.select %gt3A_165, %add3A_163, %mul3A_168 : vector<2048x64xi1>, vector<2048x64xf32>
    %convert_element_type3A_169 = arith.truncf %select_n3A : vector<2048x64xf32> to vector<2048x64xbf16>
    %get3A_170 = arith.constant 0 : index
    %get3A_171 = arith.constant 0 : index
    %get3A_172 = vector.load %arg12[%get3A_170, %get3A_171] : memref<64x64xf32, #tpu.memory_space<vmem>>, vector<64x64xf32>
    %convert_element_type3A_173 = arith.truncf %get3A_172 : vector<64x64xf32> to vector<64x64xbf16>
    %dot_general3A_174 = arith.constant dense<0.000000e+00> : vector<2048x64xf32>
    %dot_general3A_175 = tpu.matmul %convert_element_type3A_169, %convert_element_type3A_173, %dot_general3A_174 {dimension_numbers = #tpu.dot_dimension_numbers<[1], [0], [0], [1], [0, 0, 1, 1], [], []>, transpose_lhs_hint = false} : vector<2048x64xbf16>, vector<64x64xbf16>, vector<2048x64xf32> -> vector<2048x64xf32>
    %slice3A_176 = vector.extract_strided_slice %get3A_1 {offsets = [3, 0], sizes = [1, 64], strides = [1, 1]} : vector<15x64xf32> to vector<1x64xf32>
    %squeeze3A_177 = vector.shape_cast %slice3A_176 : vector<1x64xf32> to vector<64xf32>
    %broadcast_in_dim3A_178 = vector.shape_cast %squeeze3A_177 : vector<64xf32> to vector<1x64xf32>
    %add3A_179 = vector.broadcast %broadcast_in_dim3A_178 : vector<1x64xf32> to vector<2048x64xf32>
    %add3A_180 = arith.addf %dot_general3A_175, %add3A_179 : vector<2048x64xf32>
    %gt3A_181 = arith.constant 0.000000e+00 : f32
    %gt3A_182 = vector.broadcast %gt3A_181 : f32 to vector<2048x64xf32>
    %gt3A_183 = arith.cmpf ogt, %add3A_180, %gt3A_182 : vector<2048x64xf32>
    %mul3A_184 = arith.constant 1.000000e-01 : f32
    %mul3A_185 = vector.broadcast %mul3A_184 : f32 to vector<2048x64xf32>
    %mul3A_186 = arith.mulf %mul3A_185, %add3A_180 : vector<2048x64xf32>
    %select_n3A_187 = arith.select %gt3A_183, %add3A_180, %mul3A_186 : vector<2048x64xi1>, vector<2048x64xf32>
    %reshape3A_188 = vector.shape_cast %select_n3A_187 : vector<2048x64xf32> to vector<128x16x64xf32>
    %reduce_max3A_189 = arith.constant dense<0xFF800000> : vector<128x64xf32>
    %reduce_max3A_190 = vector.multi_reduction <maximumf>, %reshape3A_188, %reduce_max3A_189 [1] : vector<128x16x64xf32> to vector<128x64xf32>
    %transpose3A = tpu.transpose %reduce_max3A_190, [1, 0] : vector<128x64xf32> -> vector<64x128xf32>
    %swap3A = arith.constant 0 : index
    %swap3A_191 = arith.constant 0 : index
    %swap3A_192 = arith.constant 0 : index
    %swap3A_193 = vector.load %arg15[%swap3A, %swap3A_191, %swap3A_192] : memref<1x64x128xf32, #tpu.memory_space<vmem>>, vector<1x64x128xf32>
    %swap3A_194 = vector.shape_cast %swap3A_193 : vector<1x64x128xf32> to vector<64x128xf32>
    %swap3A_195 = vector.shape_cast %transpose3A : vector<64x128xf32> to vector<1x64x128xf32>
    tpu.vector_store %arg15[%swap3A, %swap3A_191, %swap3A_192], %swap3A_195 {strides = array<i32>} : memref<1x64x128xf32, #tpu.memory_space<vmem>>, vector<1x64x128xf32>,
    return
  }
  func.func @transform_0(%arg0: i32, %arg1: i32) -> (i32, i32, i32) {
    %c0_i32 = arith.constant 0 : i32
    %c0_i32_0 = arith.constant 0 : i32
    return %arg0, %arg1, %c0_i32 : i32, i32, i32
  }
  func.func @transform_1(%arg0: i32, %arg1: i32) -> (i32, i32, i32) {
    %c0_i32 = arith.constant 0 : i32
    %c0_i32_0 = arith.constant 0 : i32
    return %arg0, %arg1, %c0_i32 : i32, i32, i32
  }
  func.func @transform_2(%arg0: i32, %arg1: i32) -> (i32, i32, i32) {
    %c0_i32 = arith.constant 0 : i32
    %c0_i32_0 = arith.constant 0 : i32
    return %arg0, %arg1, %c0_i32 : i32, i32, i32
  }
  func.func @transform_3(%arg0: i32, %arg1: i32) -> (i32, i32, i32) {
    %c0_i32 = arith.constant 0 : i32
    %c0_i32_0 = arith.constant 0 : i32
    return %arg0, %arg1, %c0_i32 : i32, i32, i32
  }
  func.func @transform_4(%arg0: i32, %arg1: i32) -> (i32, i32) {
    %c0_i32 = arith.constant 0 : i32
    %c0_i32_0 = arith.constant 0 : i32
    %c0_i32_1 = arith.constant 0 : i32
    return %c0_i32, %c0_i32_0 : i32, i32
  }
  func.func @transform_5(%arg0: i32, %arg1: i32) -> (i32, i32) {
    %c0_i32 = arith.constant 0 : i32
    %c0_i32_0 = arith.constant 0 : i32
    %c0_i32_1 = arith.constant 0 : i32
    return %c0_i32, %c0_i32_0 : i32, i32
  }
  func.func @transform_6(%arg0: i32, %arg1: i32) -> (i32, i32) {
    %c0_i32 = arith.constant 0 : i32
    %c0_i32_0 = arith.constant 0 : i32
    %c0_i32_1 = arith.constant 0 : i32
    return %c0_i32, %c0_i32_0 : i32, i32
  }
  func.func @transform_7(%arg0: i32, %arg1: i32) -> (i32, i32) {
    %c0_i32 = arith.constant 0 : i32
    %c0_i32_0 = arith.constant 0 : i32
    %c0_i32_1 = arith.constant 0 : i32
    return %c0_i32, %c0_i32_0 : i32, i32
  }
  func.func @transform_8(%arg0: i32, %arg1: i32) -> (i32, i32) {
    %c0_i32 = arith.constant 0 : i32
    %c0_i32_0 = arith.constant 0 : i32
    %c0_i32_1 = arith.constant 0 : i32
    return %c0_i32, %c0_i32_0 : i32, i32
  }
  func.func @transform_9(%arg0: i32, %arg1: i32) -> (i32, i32) {
    %c0_i32 = arith.constant 0 : i32
    %c0_i32_0 = arith.constant 0 : i32
    %c0_i32_1 = arith.constant 0 : i32
    return %c0_i32, %c0_i32_0 : i32, i32
  }
  func.func @transform_10(%arg0: i32, %arg1: i32) -> (i32, i32) {
    %c0_i32 = arith.constant 0 : i32
    %c0_i32_0 = arith.constant 0 : i32
    %c0_i32_1 = arith.constant 0 : i32
    return %c0_i32, %c0_i32_0 : i32, i32
  }
  func.func @transform_11(%arg0: i32, %arg1: i32) -> (i32, i32) {
    %c0_i32 = arith.constant 0 : i32
    %c0_i32_0 = arith.constant 0 : i32
    %c0_i32_1 = arith.constant 0 : i32
    return %c0_i32, %c0_i32_0 : i32, i32
  }
  func.func @transform_12(%arg0: i32, %arg1: i32) -> (i32, i32) {
    %c0_i32 = arith.constant 0 : i32
    %c0_i32_0 = arith.constant 0 : i32
    %c0_i32_1 = arith.constant 0 : i32
    return %c0_i32, %c0_i32_0 : i32, i32
  }
  func.func @transform_13(%arg0: i32, %arg1: i32) -> (i32, i32, i32) {
    %c0_i32 = arith.constant 0 : i32
    %c0_i32_0 = arith.constant 0 : i32
    return %arg0, %c0_i32, %arg1 : i32, i32, i32
  }
}

</mosaic_0001>

<sc_bundles>
// kernel: kernel.6.cloned.1.call-start
scs
__scs_entry_jumppad:
0x0: {  	(pc) =	sbr.rel $0x88, $3  }
0x1: {  	(tag) =	ssettag $0x0;
	lr =	simm.s32 $0x1  }
0x2: {  	[smem:$0x3F6D] =	sst lr;
	_ =	strace $0xD0000000  }
0x3: {  	_ = 	snop  }
0x4: {  	_ = 	snop  }
0x5: {  	_ = 	snop  }
0x6: {  	_ = 	snop  }
0x7: {  	_ = 	snop  }
__scs_overlays_trampoline_lowered:
0x8: {  	[smem:$0x3F7C] =	sst s0  }
0x9: {  	[smem:$0x3F7D] =	sst s1  }
0xa: {  	[smem:$0x3F7E] =	sst s2  }
0xb: {  	[smem:$0x3F7F] =	sst s3  }
0xc: {  	[smem:$0x3F80] =	sst s4  }
0xd: {  	[smem:$0x3F81] =	sst s5  }
0xe: {  	[smem:$0x3F82] =	sst s6  }
0xf: {  	[smem:$0x3F83] =	sst s7  }
0x10: {  	[smem:$0x3F84] =	sst s8  }
0x11: {  	[smem:$0x3F85] =	sst s9;
	s0 =	simm.s32 @!p0 $0x0  }
0x12: {  	s1 =	sld [smem:$0x3F6B];
	s0 =	simm.s32 @p0 $0x1  }
0x13: {  	[smem:$0x3F86] =	sst s0;
	s0 =	simm.s32 @!p1 $0x0  }
0x14: {  	s2 =	sld [smem:$0x3F6A];
	s0 =	simm.s32 @p1 $0x1  }
0x15: {  	[smem:$0x3F87] =	sst s0;
	s0 =	simm.s32 @!p2 $0x0  }
0x16: {  	s3 =	sld [smem:$0x3FDB];
	s0 =	simm.s32 @p2 $0x1  }
0x17: {  	s4 =	simm.s32 $0x1BF5;
	[smem:$0x3F89] =	sst s0  }
0x18: {  	s0 =	sld [smem:$0x3F6C];
	_ =	swait.ge [sflag:s4], $0x0  }
0x19: {  	s7 =	sld [smem:$0x3F6D]  }
0x1a: {  	s8 =	sadd.s32 $0xFFFFE003, lr  }
0x1b: {  	s9 =	sadd.s32 $0xFFFFFEF7, lr;
	s5 =	simm.s32 $0xFFFFFFFF;
	p2 =	slt.u32 s8, $0xFFFFF086  }
0x1c: {  	p1 =	slt.u32 s9, $0xF7A;
	s5 =	simm.s32 @!p2 $0x0  }
0x1d: {  	s5 =	simm.s32 @p1 $0x1;
	p0 =	seq.s32 s7, s2  }
0x1e: {  	s7 =	smul.u32 @!p0 $0xF7A, s2;
	p2 =	seq.s32 @!p0 s5, $0x0  }
0x1f: {  	s9 =	smul.u32 $0xF7A, s1;
	s8 =	simm.s32 @!p0 $0x1BF5;
	p2 =	por !p2, p0  }
0x20: {  	[sflag:s8] =	ssyncset.s32 @!p0 $0xFFFFF086;
	s6 =	sadd.s32 @!p0 s3, s7;
	s7 =	simm.s32 @!p0 $0x108  }
0x21: {  	s3 =	sadd.s32 s3, s9;
	s6 =	sadd.s32 @!p0 $0x88, s6;
	s7 =	simm.s32 @p2 $0x1082  }
0x22: {  	[simem:s7], [sflag:s8] =	dma.local @!p0 [hbm:s6], $0xF7A  }
0x23: {  	s9 =	sor.u32 $0xD0000000, s2;
	s6 =	simm.s32 $0x108;
	_ =	swait.ge @!p0 [sflag:s8], $0x0  }
0x24: {  	s3 =	sadd.s32 $0x88, s3;
	s6 =	simm.s32 @!p1 $0x1082;
	[sflag:s4] =	ssyncset.s32 $0xFFFFF086  }
0x25: {  	[simem:s6], [sflag:s4] =	dma.local [hbm:s3], $0xF7A  }
0x26: {  	[smem:$0x3F6D] =	sst s1;
	(tag) =	ssettag s2;
	_ =	strace s9  }
0x27: {  	s1 =	sld [smem:$0x3F7D]  }
0x28: {  	s2 =	sld [smem:$0x3F7E]  }
0x29: {  	s4 =	sld [smem:$0x3F80]  }
0x2a: {  	p0 =	seq.s32 s5, $0x0;
	s5 =	sld [smem:$0x3F81]  }
0x2b: {  	s6 =	sld [smem:$0x3F82]  }
0x2c: {  	s7 =	sld [smem:$0x3F83]  }
0x2d: {  	s3 =	simm.s32 $0x108;
	s8 =	sld [smem:$0x3F84]  }
0x2e: {  	s3 =	simm.s32 @!p0 $0x1082;
	s9 =	sld [smem:$0x3F85]  }
0x2f: {  	lr =	sadd.s32 s0, s3;
	s0 =	sld [smem:$0x3F7C]  }
0x30: {  	s3 =	sld [smem:$0x3F7F]  }
0x31: {  	[smem:$0x3F88] =	sst s10  }
0x32: {  	s10 =	sld [smem:$0x3F86];
	_ =	sdelay $0x3  }
0x33: {  	p0 =	seq.s32 s10, $0x1;
	s10 =	sld [smem:$0x3F88];
	_ =	sdelay $0x3  }
0x34: {  	[smem:$0x3F88] =	sst s10  }
0x35: {  	s10 =	sld [smem:$0x3F87];
	_ =	sdelay $0x3  }
0x36: {  	p1 =	seq.s32 s10, $0x1;
	s10 =	sld [smem:$0x3F88];
	_ =	sdelay $0x3  }
0x37: {  	[smem:$0x3F88] =	sst s10  }
0x38: {  	s10 =	sld [smem:$0x3F89]  }
0x39: {  	_ = 	snop;
	(pc) =	sbr.ind lr, $3  }
0x3a: {  	_ = 	snop  }
0x3b: {  	_ = 	snop  }
0x3c: {  	p2 =	seq.s32 s10, $0x1;
	s10 =	sld [smem:$0x3F88]  }
0x3d: {  	_ =	shalt  }
0x3e: {  	_ =	shalt  }
0x3f: {  	_ =	shalt  }
0x40: {  	_ =	shalt  }
0x41: {  	_ =	shalt  }
0x42: {  	_ =	shalt  }
0x43: {  	_ =	shalt  }
0x44: {  	_ =	shalt  }
0x45: {  	_ =	shalt  }
0x46: {  	_ =	shalt  }
0x47: {  	_ =	shalt  }
0x48: {  	_ =	shalt  }
0x49: {  	_ =	shalt  }
0x4a: {  	_ =	shalt  }
0x4b: {  	_ =	shalt  }
0x4c: {  	_ =	shalt  }
0x4d: {  	_ =	shalt  }
0x4e: {  	_ =	shalt  }
0x4f: {  	_ =	shalt  }
0x50: {  	_ =	shalt  }
0x51: {  	_ =	shalt  }
0x52: {  	_ =	shalt  }
0x53: {  	_ =	shalt  }
0x54: {  	_ =	shalt  }
0x55: {  	_ =	shalt  }
0x56: {  	_ =	shalt  }
0x57: {  	_ =	shalt  }
0x58: {  	_ =	shalt  }
0x59: {  	_ =	shalt  }
0x5a: {  	_ =	shalt  }
0x5b: {  	_ =	shalt  }
0x5c: {  	_ =	shalt  }
0x5d: {  	_ =	shalt  }
0x5e: {  	_ =	shalt  }
0x5f: {  	_ =	shalt  }
0x60: {  	_ =	shalt  }
0x61: {  	_ =	shalt  }
0x62: {  	_ =	shalt  }
0x63: {  	_ =	shalt  }
0x64: {  	_ =	shalt  }
0x65: {  	_ =	shalt  }
0x66: {  	_ =	shalt  }
0x67: {  	_ =	shalt  }
0x68: {  	_ =	shalt  }
0x69: {  	_ =	shalt  }
0x6a: {  	_ =	shalt  }
0x6b: {  	_ =	shalt  }
0x6c: {  	_ =	shalt  }
0x6d: {  	_ =	shalt  }
0x6e: {  	_ =	shalt  }
0x6f: {  	_ =	shalt  }
0x70: {  	_ =	shalt  }
0x71: {  	_ =	shalt  }
0x72: {  	_ =	shalt  }
0x73: {  	_ =	shalt  }
0x74: {  	_ =	shalt  }
0x75: {  	_ =	shalt  }
0x76: {  	_ =	shalt  }
0x77: {  	_ =	shalt  }
0x78: {  	_ =	shalt  }
0x79: {  	_ =	shalt  }
0x7a: {  	_ =	shalt  }
0x7b: {  	_ =	shalt  }
0x7c: {  	_ =	shalt  }
0x7d: {  	_ =	shalt  }
0x7e: {  	_ =	shalt  }
0x7f: {  	_ =	shalt  }
0x80: {  	_ =	shalt  }
0x81: {  	_ =	shalt  }
0x82: {  	_ =	shalt  }
0x83: {  	_ =	shalt  }
0x84: {  	_ =	shalt  }
0x85: {  	_ =	shalt  }
0x86: {  	_ =	shalt  }
0x87: {  	_ =	shalt  }
.Lfunc_end0:
.L_simem_size_0:
called_computation_lowered:
.L_overlay_start_0:
0x88: {  	s2 =	sld [smem:$0x3FD9]  }
0x89: {  	s3 =	sld [smem:$0x3FFE];
	_ =	sdelay $0x1  }
0x8a: {  	s1 =	srdreg.scid  }
0x8b: {  	s0 =	sand.u32 $0x1, s1  }
0x8c: {  	s17 =	sshll.u32 s0, $0xA;
	s2 =	sadd.s32 s3, s2  }
0x8d: {  	s2 =	sadd.s32 s2, s17  }
0x8e: {  	[smem:$0x3F94] =	sst s2  }
0x8f: {  	_ = 	snop  }
0x90: {  	s2 =	sld [smem:$0x3FD0];
	(tm) =	ssettm $0x1  }
0x91: {  	s18 =	sld [smem:$0x3FFB];
	_ =	sdelay $0x3  }
0x92: {  	_ =	strace s18  }
0x93: {  	s3 =	sld [smem:$0x3FFC];
	_ =	sdelay $0x3  }
0x94: {  	_ =	strace s3  }
0x95: {  	s3 =	sld [smem:$0x3FFD];
	_ =	sdelay $0x3  }
0x96: {  	_ =	strace s3  }
0x97: {  	_ =	strace $0x8FFFFFFF  }
0x98: {  	s19 =	sld [smem:$0x3FDB];
	_ =	sdelay $0x1  }
0x99: {  	s4 =	simm.s32 $_scs_section_size  }
0x9a: {  	s5 =	simm.s32 $_size__tile_overlayer_lowered;
	s6 =	simm.s32 $_tile_overlayer_lowered  }
0x9b: {  	s22 =	simm.s32 $0x1BFF;
	s21 =	sshll.u32 s6, $0x1;
	s3 =	sadd.s32 s4, s19  }
0x9c: {  	s7 =	simm.s32 $0x0;
	s20 =	sshll.u32 s5, $0x1;
	s5 =	sadd.s32 s21, s3  }
0x9d: {  	[timem:s7], [sflag:s22] =	dma.local [hbm:s5], s20  }
0x9e: {  	_ =	swait.ge [sflag:s22], s20  }
0x9f: {  	s4 =	ssub.s32 $0x0, s20;
	[sflag:s22] =	ssyncset.done $0x0  }
0xa0: {  	[sflag:s22] =	ssyncadd.s32 s4;
	_ =	sdelay $0x1  }
0xa1: {  	s23 =	simm.s32 $0x1B8B  }
0xa2: {  	_ =	swait.ge [sflag:s23], $0x1  }
0xa3: {  	[sflag:s23] =	ssyncset.done $0x0  }
0xa4: {  	s25 =	simm.s32 $0x1B8E;
	s24 =	sld [smem:$0x3FFE];
	[sflag:s23] =	ssyncadd.s32 $0xFFFFFFFF  }
0xa5: {  	s26 =	simm.s32 $execute0_lowered;
	[smem:$0x3FD2] =	sst s25  }
0xa6: {  	s5 =	sshll.u32 s26, $0x1;
	_ =	strace $0x80000046;
	[dreg:$0x1] =	wrdreg $0xFFFFFFFF  }
0xa7: {  	s28 =	simm.s32 $_size_execute0_lowered;
	s3 =	sadd.s32 s3, s5;
	[dreg:$0x0] =	wrdreg $0x0  }
0xa8: {  	s5 =	sshll.u32 s28, $0x1;
	[dreg:$0x2] =	wrdreg s3  }
0xa9: {  	[dreg:$0x3] =	wrdreg s5  }
0xaa: {  	[dreg:$0x4] =	wrdreg $0xC0  }
0xab: {  	_ =	task [dreg:s7], $0x5FFFF  }
0xac: {  	[dreg:$0x1] =	wrdreg $0xFFFFFFFF  }
0xad: {  	[dreg:$0x0] =	wrdreg $0x60  }
0xae: {  	[dreg:$0x2] =	wrdreg s24  }
0xaf: {  	[dreg:$0x3] =	wrdreg s2  }
0xb0: {  	[dreg:$0x4] =	wrdreg $0x9  }
0xb1: {  	_ =	task.clear_ibuf [dreg:s7], $0x5FFFF;
	_ =	strace $0x90000046  }
0xb2: {  	s29 =	simm.s32 $0x9;
	_ =	strace $0x80000048  }
0xb3: {  	_ =	swait.ge [sflag:s29], $0x1  }
0xb4: {  	[sflag:s29] =	ssyncadd.s32 $0xFFFFFFFF  }
0xb5: {  	_ =	strace $0x90000048  }
0xb6: {  	_ =	sfence  }
0xb7: {  	s30 =	sld [smem:$0x0];
	_ =	sdelay $0x2  }
0xb8: {  	s31 =	sshll.u32 s1, $0xD;
	s1 =	sshrl.u32 s1, $0x2  }
0xb9: {  	s3 =	sand.u32 $0x4000, s31;
	s1 =	sadd.s32 s1, s30  }
0xba: {  	s0 =	sor.u32 s3, s0;
	s1 =	sshll.u32 s1, $0x11  }
0xbb: {  	s0 =	sor.u32 s1, s0  }
0xbc: {  	s0 =	sadd.s32 $0x8F2B, s0  }
0xbd: {  	[sflag:s0] =	ssyncadd.remote.s32 $0x1  }
0xbe: {  	_ =	sfence.sel $0xFFFF  }
0xbf: {  	[dreg:$0x0] =	wrdreg $0xFFFFFFFF;
	(pc) =	sbr.abs _section_cstart, $3  }
0xc0: {  	[dreg:$0x1] =	wrdreg $0xFFFFFFFF  }
0xc1: {  	_ =	task.clear_ibuf [dreg:s7], $0x2FFFF;
	_ =	strace $0x9FFFFFFF  }
0xc2: {  	(tm) =	ssettm $0x7FFFFFFF  }
0xc3: {  	_ =	shalt  }
tec
execute0_lowered:
.L_overlay_start_1:
0x0: {  	(tag) =	ssettag $0x1  }
0x1: {  	s1 =	srdreg.scid  }
0x2: {  	s0 =	stileid.u32;
	s1 =	sand.u32 $0x1, s1  }
0x3: {  	s4 =	rddreg [dreg:$0x0];
	s5 =	sshll.u32 s0, $0xD;
	s6 =	sshll.u32 s1, $0xC  }
0x4: {  	s3 =	rddreg [dreg:$0x1];
	s5 =	sor.u32 s6, s5  }
0x5: {  	s2 =	simm.s32 $0x0;
	s6 =	sshll.u32 s5, $0x4;
	s5 =	sshrl.u32 s5, $0x3  }
0x6: {  	[smem:$0x7FF] =	sst s2;
	s31 =	sadd.s32 s6, s4;
	s3 =	sadd.s32 s3, s5  }
0x7: {  	_ =	strace $0x80000047;
	[dreg:$0x3] =	wrdreg s3;
	s15 =	sadd.s32 $0x27A00, s31  }
0x8: {  	s16 =	sadd.s32 $0x28A00, s31;
	[dreg:$0x4] =	wrdreg s15  }
0x9: {  	s17 =	sadd.s32 $0x29A00, s31;
	[dreg:$0x5] =	wrdreg s16  }
0xa: {  	s18 =	sadd.s32 $0x2AA00, s31;
	[dreg:$0x6] =	wrdreg s17  }
0xb: {  	s19 =	sadd.s32 $0x2BA00, s31;
	[dreg:$0x7] =	wrdreg s18  }
0xc: {  	s20 =	sadd.s32 $0x2CA00, s31;
	[dreg:$0x8] =	wrdreg s19  }
0xd: {  	s21 =	sadd.s32 $0x2DA00, s31;
	[dreg:$0x9] =	wrdreg s20  }
0xe: {  	s22 =	sadd.s32 $0x2EA00, s31;
	[dreg:$0xa] =	wrdreg s21  }
0xf: {  	s23 =	sadd.s32 $0x2FA00, s31;
	[dreg:$0xb] =	wrdreg s22  }
0x10: {  	[dreg:$0xc] =	wrdreg s23  }
0x11: {  	s24 =	sadd.s32 $0x30A00, s31;
	s25 =	rddreg [dreg:$0x3]  }
0x12: {  	s26 =	sadd.s32 $0x31A00, s31;
	[dreg:$0xd] =	wrdreg s24  }
0x13: {  	s3 =	simm.s32 $0x5;
	[dreg:$0xe] =	wrdreg s26  }
0x14: {  	[tilespmem:s2], [sflag:$0x5] =	stream.linear.gather [hbm4b:s25+s2], $0x1000, $0x38;
	[tilespmem:$0x11000] =	vst v63  }
0x15: {  	_ =	swait.ge [sflag:s3], $0x1000  }
0x16: {  	s4 =	sadd.s32 $0x7A00, s4;
	[sflag:s3] =	ssyncset.done $0x0  }
0x17: {  	s5 =	simm.s32 $0x100;
	s6 =	simm.s32 $0x1000;
	[sflag:s3] =	ssyncadd.s32 $0xFFFFF000  }
0x18: {  	[tilespmem:s6], [sflag:$0x1] =	stream.indirect.gather [hbm4b:s4+s5], $0x80, s2, s5, $0xb8;
	[tilespmem:$0x11000] =	vst v63  }
0x19: {  	s7 =	simm.s32 $0x9000;
	s8 =	simm.s32 $0x1  }
0x1a: {  	[tilespmem:s7], [sflag:$0x2] =	stream.indirect.gather [hbm4b:s4+s5], $0x80, s5, s5, $0xb8;
	[tilespmem:$0x11000] =	vst v63  }
0x1b: {  	_ =	swait.ge [sflag:s8], $0x8000  }
0x1c: {  	[sflag:s8] =	ssyncset.done $0x0  }
0x1d: {  	s9 =	simm.s32 $0x3;
	s10 =	rddreg [dreg:$0x4];
	[sflag:s8] =	ssyncadd.s32 $0xFFFF8000  }
0x1e: {  	[hbm4b:s10+s2] =	stream.linear.scatter [tilespmem:s6], [sflag:$0x3], $0x8000, $0x38;
	[tilespmem:$0x11000] =	vst v63  }
0x1f: {  	_ =	swait.ge [sflag:s9], $0x8000  }
0x20: {  	[sflag:s9] =	ssyncset.done $0x0  }
0x21: {  	s11 =	simm.s32 $0x2;
	s10 =	simm.s32 $0x200;
	[sflag:s9] =	ssyncadd.s32 $0xFFFF8000  }
0x22: {  	[tilespmem:s6], [sflag:$0x1] =	stream.indirect.gather [hbm4b:s4+s5], $0x80, s10, s5, $0xb8;
	[tilespmem:$0x11000] =	vst v63  }
0x23: {  	_ =	swait.ge [sflag:s11], $0x8000  }
0x24: {  	[sflag:s11] =	ssyncset.done $0x0  }
0x25: {  	s12 =	simm.s32 $0x4;
	s13 =	rddreg [dreg:$0x5];
	[sflag:s11] =	ssyncadd.s32 $0xFFFF8000  }
0x26: {  	[hbm4b:s13+s2] =	stream.linear.scatter [tilespmem:s7], [sflag:$0x4], $0x8000, $0x38;
	[tilespmem:$0x11000] =	vst v63  }
0x27: {  	_ =	swait.ge [sflag:s12], $0x8000  }
0x28: {  	[sflag:s12] =	ssyncset.done $0x0  }
0x29: {  	s13 =	simm.s32 $0x300;
	[sflag:s12] =	ssyncadd.s32 $0xFFFF8000  }
0x2a: {  	[tilespmem:s7], [sflag:$0x2] =	stream.indirect.gather [hbm4b:s4+s5], $0x80, s13, s5, $0xb8;
	[tilespmem:$0x11000] =	vst v63  }
0x2b: {  	_ =	swait.ge [sflag:s8], $0x8000  }
0x2c: {  	[sflag:s8] =	ssyncset.done $0x0  }
0x2d: {  	s14 =	rddreg [dreg:$0x6];
	[sflag:s8] =	ssyncadd.s32 $0xFFFF8000  }
0x2e: {  	[hbm4b:s14+s2] =	stream.linear.scatter [tilespmem:s6], [sflag:$0x3], $0x8000, $0x38;
	[tilespmem:$0x11000] =	vst v63  }
0x2f: {  	_ =	swait.ge [sflag:s9], $0x8000  }
0x30: {  	[sflag:s9] =	ssyncset.done $0x0  }
0x31: {  	s14 =	simm.s32 $0x400;
	[sflag:s9] =	ssyncadd.s32 $0xFFFF8000  }
0x32: {  	[tilespmem:s6], [sflag:$0x1] =	stream.indirect.gather [hbm4b:s4+s5], $0x80, s14, s5, $0xb8;
	[tilespmem:$0x11000] =	vst v63  }
0x33: {  	_ =	swait.ge [sflag:s11], $0x8000  }
0x34: {  	[sflag:s11] =	ssyncset.done $0x0  }
0x35: {  	s15 =	rddreg [dreg:$0x7];
	[sflag:s11] =	ssyncadd.s32 $0xFFFF8000  }
0x36: {  	[hbm4b:s15+s2] =	stream.linear.scatter [tilespmem:s7], [sflag:$0x4], $0x8000, $0x38;
	[tilespmem:$0x11000] =	vst v63  }
0x37: {  	_ =	swait.ge [sflag:s12], $0x8000  }
0x38: {  	[sflag:s12] =	ssyncset.done $0x0  }
0x39: {  	s15 =	simm.s32 $0x500;
	[sflag:s12] =	ssyncadd.s32 $0xFFFF8000  }
0x3a: {  	[tilespmem:s7], [sflag:$0x2] =	stream.indirect.gather [hbm4b:s4+s5], $0x80, s15, s5, $0xb8;
	[tilespmem:$0x11000] =	vst v63  }
0x3b: {  	_ =	swait.ge [sflag:s8], $0x8000  }
0x3c: {  	[sflag:s8] =	ssyncset.done $0x0  }
0x3d: {  	s16 =	rddreg [dreg:$0x8];
	[sflag:s8] =	ssyncadd.s32 $0xFFFF8000  }
0x3e: {  	[hbm4b:s16+s2] =	stream.linear.scatter [tilespmem:s6], [sflag:$0x3], $0x8000, $0x38;
	[tilespmem:$0x11000] =	vst v63  }
0x3f: {  	_ =	swait.ge [sflag:s9], $0x8000  }
0x40: {  	[sflag:s9] =	ssyncset.done $0x0  }
0x41: {  	s16 =	simm.s32 $0x600;
	[sflag:s9] =	ssyncadd.s32 $0xFFFF8000  }
0x42: {  	[tilespmem:s6], [sflag:$0x1] =	stream.indirect.gather [hbm4b:s4+s5], $0x80, s16, s5, $0xb8;
	[tilespmem:$0x11000] =	vst v63  }
0x43: {  	_ =	swait.ge [sflag:s11], $0x8000  }
0x44: {  	[sflag:s11] =	ssyncset.done $0x0  }
0x45: {  	s17 =	rddreg [dreg:$0x9];
	[sflag:s11] =	ssyncadd.s32 $0xFFFF8000  }
0x46: {  	[hbm4b:s17+s2] =	stream.linear.scatter [tilespmem:s7], [sflag:$0x4], $0x8000, $0x38;
	[tilespmem:$0x11000] =	vst v63  }
0x47: {  	_ =	swait.ge [sflag:s12], $0x8000  }
0x48: {  	[sflag:s12] =	ssyncset.done $0x0  }
0x49: {  	s17 =	simm.s32 $0x700;
	[sflag:s12] =	ssyncadd.s32 $0xFFFF8000  }
0x4a: {  	[tilespmem:s7], [sflag:$0x2] =	stream.indirect.gather [hbm4b:s4+s5], $0x80, s17, s5, $0xb8;
	[tilespmem:$0x11000] =	vst v63  }
0x4b: {  	_ =	swait.ge [sflag:s8], $0x8000  }
0x4c: {  	[sflag:s8] =	ssyncset.done $0x0  }
0x4d: {  	s18 =	rddreg [dreg:$0xa];
	[sflag:s8] =	ssyncadd.s32 $0xFFFF8000  }
0x4e: {  	[hbm4b:s18+s2] =	stream.linear.scatter [tilespmem:s6], [sflag:$0x3], $0x8000, $0x38;
	[tilespmem:$0x11000] =	vst v63  }
0x4f: {  	_ =	swait.ge [sflag:s9], $0x8000  }
0x50: {  	[sflag:s9] =	ssyncset.done $0x0  }
0x51: {  	s18 =	simm.s32 $0x800;
	[sflag:s9] =	ssyncadd.s32 $0xFFFF8000  }
0x52: {  	[tilespmem:s6], [sflag:$0x1] =	stream.indirect.gather [hbm4b:s4+s5], $0x80, s18, s5, $0xb8;
	[tilespmem:$0x11000] =	vst v63  }
0x53: {  	_ =	swait.ge [sflag:s11], $0x8000  }
0x54: {  	[sflag:s11] =	ssyncset.done $0x0  }
0x55: {  	s19 =	rddreg [dreg:$0xb];
	[sflag:s11] =	ssyncadd.s32 $0xFFFF8000  }
0x56: {  	[hbm4b:s19+s2] =	stream.linear.scatter [tilespmem:s7], [sflag:$0x4], $0x8000, $0x38;
	[tilespmem:$0x11000] =	vst v63  }
0x57: {  	_ =	swait.ge [sflag:s12], $0x8000  }
0x58: {  	[sflag:s12] =	ssyncset.done $0x0  }
0x59: {  	s19 =	simm.s32 $0x900;
	[sflag:s12] =	ssyncadd.s32 $0xFFFF8000  }
0x5a: {  	[tilespmem:s7], [sflag:$0x2] =	stream.indirect.gather [hbm4b:s4+s5], $0x80, s19, s5, $0xb8;
	[tilespmem:$0x11000] =	vst v63  }
0x5b: {  	_ =	swait.ge [sflag:s8], $0x8000  }
0x5c: {  	[sflag:s8] =	ssyncset.done $0x0  }
0x5d: {  	s20 =	rddreg [dreg:$0xc];
	[sflag:s8] =	ssyncadd.s32 $0xFFFF8000  }
0x5e: {  	[hbm4b:s20+s2] =	stream.linear.scatter [tilespmem:s6], [sflag:$0x3], $0x8000, $0x38;
	[tilespmem:$0x11000] =	vst v63  }
0x5f: {  	_ =	swait.ge [sflag:s9], $0x8000  }
0x60: {  	[sflag:s9] =	ssyncset.done $0x0  }
0x61: {  	s20 =	simm.s32 $0xA00;
	[sflag:s9] =	ssyncadd.s32 $0xFFFF8000  }
0x62: {  	[tilespmem:s6], [sflag:$0x1] =	stream.indirect.gather [hbm4b:s4+s5], $0x80, s20, s5, $0xb8;
	[tilespmem:$0x11000] =	vst v63  }
0x63: {  	_ =	swait.ge [sflag:s11], $0x8000  }
0x64: {  	[sflag:s11] =	ssyncset.done $0x0  }
0x65: {  	s21 =	rddreg [dreg:$0xd];
	[sflag:s11] =	ssyncadd.s32 $0xFFFF8000  }
0x66: {  	[hbm4b:s21+s2] =	stream.linear.scatter [tilespmem:s7], [sflag:$0x4], $0x8000, $0x38;
	[tilespmem:$0x11000] =	vst v63  }
0x67: {  	_ =	swait.ge [sflag:s12], $0x8000  }
0x68: {  	[sflag:s12] =	ssyncset.done $0x0  }
0x69: {  	s21 =	simm.s32 $0xB00;
	[sflag:s12] =	ssyncadd.s32 $0xFFFF8000  }
0x6a: {  	[tilespmem:s7], [sflag:$0x2] =	stream.indirect.gather [hbm4b:s4+s5], $0x80, s21, s5, $0xb8;
	[tilespmem:$0x11000] =	vst v63  }
0x6b: {  	_ =	swait.ge [sflag:s8], $0x8000  }
0x6c: {  	[sflag:s8] =	ssyncset.done $0x0  }
0x6d: {  	s22 =	rddreg [dreg:$0xe];
	[sflag:s8] =	ssyncadd.s32 $0xFFFF8000  }
0x6e: {  	[hbm4b:s22+s2] =	stream.linear.scatter [tilespmem:s6], [sflag:$0x3], $0x8000, $0x38;
	[tilespmem:$0x11000] =	vst v63  }
0x6f: {  	_ =	swait.ge [sflag:s9], $0x8000  }
0x70: {  	[sflag:s9] =	ssyncset.done $0x0  }
0x71: {  	s22 =	simm.s32 $0xC00;
	[sflag:s9] =	ssyncadd.s32 $0xFFFF8000  }
0x72: {  	[tilespmem:s6], [sflag:$0x1] =	stream.indirect.gather [hbm4b:s4+s5], $0x80, s22, s5, $0xb8;
	[tilespmem:$0x11000] =	vst v63  }
0x73: {  	_ =	swait.ge [sflag:s11], $0x8000  }
0x74: {  	[sflag:s11] =	ssyncset.done $0x0  }
0x75: {  	s23 =	sadd.s32 $0x32A00, s31;
	[sflag:s11] =	ssyncadd.s32 $0xFFFF8000  }
0x76: {  	[hbm4b:s23+s2] =	stream.linear.scatter [tilespmem:s7], [sflag:$0x4], $0x8000, $0x38;
	[tilespmem:$0x11000] =	vst v63  }
0x77: {  	_ =	swait.ge [sflag:s12], $0x8000  }
0x78: {  	[sflag:s12] =	ssyncset.done $0x0  }
0x79: {  	s24 =	simm.s32 $0xD00;
	[sflag:s12] =	ssyncadd.s32 $0xFFFF8000  }
0x7a: {  	[tilespmem:s7], [sflag:$0x2] =	stream.indirect.gather [hbm4b:s4+s5], $0x80, s24, s5, $0xb8;
	[tilespmem:$0x11000] =	vst v63  }
0x7b: {  	_ =	swait.ge [sflag:s8], $0x8000  }
0x7c: {  	[sflag:s8] =	ssyncset.done $0x0  }
0x7d: {  	s25 =	sadd.s32 $0x33A00, s31;
	[sflag:s8] =	ssyncadd.s32 $0xFFFF8000  }
0x7e: {  	[hbm4b:s25+s2] =	stream.linear.scatter [tilespmem:s6], [sflag:$0x3], $0x8000, $0x38;
	[tilespmem:$0x11000] =	vst v63  }
0x7f: {  	_ =	swait.ge [sflag:s9], $0x8000  }
0x80: {  	[sflag:s9] =	ssyncset.done $0x0  }
0x81: {  	s26 =	simm.s32 $0xE00;
	[sflag:s9] =	ssyncadd.s32 $0xFFFF8000  }
0x82: {  	[tilespmem:s6], [sflag:$0x1] =	stream.indirect.gather [hbm4b:s4+s5], $0x80, s26, s5, $0xb8;
	[tilespmem:$0x11000] =	vst v63  }
0x83: {  	_ =	swait.ge [sflag:s11], $0x8000  }
0x84: {  	[sflag:s11] =	ssyncset.done $0x0  }
0x85: {  	s28 =	sadd.s32 $0x34A00, s31;
	[sflag:s11] =	ssyncadd.s32 $0xFFFF8000  }
0x86: {  	[hbm4b:s28+s2] =	stream.linear.scatter [tilespmem:s7], [sflag:$0x4], $0x8000, $0x38;
	[tilespmem:$0x11000] =	vst v63  }
0x87: {  	_ =	swait.ge [sflag:s12], $0x8000  }
0x88: {  	[sflag:s12] =	ssyncset.done $0x0  }
0x89: {  	s29 =	simm.s32 $0xF00;
	[sflag:s12] =	ssyncadd.s32 $0xFFFF8000  }
0x8a: {  	[tilespmem:s7], [sflag:$0x2] =	stream.indirect.gather [hbm4b:s4+s5], $0x80, s29, s5, $0xb8;
	[tilespmem:$0x11000] =	vst v63  }
0x8b: {  	_ =	swait.ge [sflag:s8], $0x8000  }
0x8c: {  	s1 =	ssub.s32 $0x2, s1;
	[sflag:s8] =	ssyncset.done $0x0  }
0x8d: {  	s0 =	sshrl.u32 s1, $0x1;
	s30 =	sadd.s32 $0x35A00, s31;
	[sflag:s8] =	ssyncadd.s32 $0xFFFF8000  }
0x8e: {  	[hbm4b:s30+s2] =	stream.linear.scatter [tilespmem:s6], [sflag:$0x3], $0x8000, $0x38;
	[tilespmem:$0x11000] =	vst v63  }
0x8f: {  	s0 =	ssub.s32 s1, s0;
	_ =	swait.ge [sflag:s11], $0x8000  }
0x90: {  	s0 =	smax.u32 s0, $0x1;
	[sflag:s11] =	ssyncset.done $0x0  }
0x91: {  	p0 =	sne.s32 s0, $0x1;
	s31 =	sadd.s32 $0x36A00, s31;
	[sflag:s11] =	ssyncadd.s32 $0xFFFF8000  }
0x92: {  	[hbm4b:s31+s2] =	stream.linear.scatter [tilespmem:s7], [sflag:$0x4], $0x8000, $0x38;
	[tilespmem:$0x11000] =	vst v63  }
.Ltmp0:
0x93: {  	_ =	swait.ge [sflag:s9], $0x8000;
	(pc) =	sbr.rel @!p0 .LBB2_2-.Ltmp0, $4  }
0x94: {  	[sflag:s9] =	ssyncset.done $0x0  }
0x95: {  	[sflag:s9] =	ssyncadd.s32 $0xFFFF8000  }
0x96: {  	_ =	swait.ge [sflag:s12], $0x8000  }
0x97: {  	s1 =	sadd.s32 $0xFFFFFFFF, s0;
	[sflag:s12] =	ssyncset.done $0x0  }
.LBB2_1:
0x98: {  	s0 =	rddreg [dreg:$0x3];
	[sflag:s12] =	ssyncadd.s32 $0xFFFF8000  }
0x99: {  	[tilespmem:s2], [sflag:$0x5] =	stream.linear.gather [hbm4b:s0+s2], $0x1000, $0x38;
	[tilespmem:$0x11000] =	vst v63  }
0x9a: {  	_ =	swait.ge [sflag:s3], $0x1000  }
0x9b: {  	[sflag:s3] =	ssyncset.done $0x0  }
0x9c: {  	[sflag:s3] =	ssyncadd.s32 $0xFFFFF000  }
0x9d: {  	[tilespmem:s6], [sflag:$0x1] =	stream.indirect.gather [hbm4b:s4+s5], $0x80, s2, s5, $0xb8;
	[tilespmem:$0x11000] =	vst v63  }
0x9e: {  	_ = 	snop  }
0x9f: {  	[tilespmem:s7], [sflag:$0x2] =	stream.indirect.gather [hbm4b:s4+s5], $0x80, s5, s5, $0xb8;
	[tilespmem:$0x11000] =	vst v63  }
0xa0: {  	_ =	swait.ge [sflag:s8], $0x8000  }
0xa1: {  	[sflag:s8] =	ssyncset.done $0x0  }
0xa2: {  	s0 =	rddreg [dreg:$0x4];
	[sflag:s8] =	ssyncadd.s32 $0xFFFF8000  }
0xa3: {  	[hbm4b:s0+s2] =	stream.linear.scatter [tilespmem:s6], [sflag:$0x3], $0x8000, $0x38;
	[tilespmem:$0x11000] =	vst v63  }
0xa4: {  	_ =	swait.ge [sflag:s9], $0x8000  }
0xa5: {  	[sflag:s9] =	ssyncset.done $0x0  }
0xa6: {  	[sflag:s9] =	ssyncadd.s32 $0xFFFF8000  }
0xa7: {  	[tilespmem:s6], [sflag:$0x1] =	stream.indirect.gather [hbm4b:s4+s5], $0x80, s10, s5, $0xb8;
	[tilespmem:$0x11000] =	vst v63  }
0xa8: {  	_ =	swait.ge [sflag:s11], $0x8000  }
0xa9: {  	[sflag:s11] =	ssyncset.done $0x0  }
0xaa: {  	s0 =	rddreg [dreg:$0x5];
	[sflag:s11] =	ssyncadd.s32 $0xFFFF8000  }
0xab: {  	[hbm4b:s0+s2] =	stream.linear.scatter [tilespmem:s7], [sflag:$0x4], $0x8000, $0x38;
	[tilespmem:$0x11000] =	vst v63  }
0xac: {  	_ =	swait.ge [sflag:s12], $0x8000  }
0xad: {  	[sflag:s12] =	ssyncset.done $0x0  }
0xae: {  	[sflag:s12] =	ssyncadd.s32 $0xFFFF8000  }
0xaf: {  	[tilespmem:s7], [sflag:$0x2] =	stream.indirect.gather [hbm4b:s4+s5], $0x80, s13, s5, $0xb8;
	[tilespmem:$0x11000] =	vst v63  }
0xb0: {  	_ =	swait.ge [sflag:s8], $0x8000  }
0xb1: {  	[sflag:s8] =	ssyncset.done $0x0  }
0xb2: {  	s0 =	rddreg [dreg:$0x6];
	[sflag:s8] =	ssyncadd.s32 $0xFFFF8000  }
0xb3: {  	[hbm4b:s0+s2] =	stream.linear.scatter [tilespmem:s6], [sflag:$0x3], $0x8000, $0x38;
	[tilespmem:$0x11000] =	vst v63  }
0xb4: {  	_ =	swait.ge [sflag:s9], $0x8000  }
0xb5: {  	[sflag:s9] =	ssyncset.done $0x0  }
0xb6: {  	[sflag:s9] =	ssyncadd.s32 $0xFFFF8000  }
0xb7: {  	[tilespmem:s6], [sflag:$0x1] =	stream.indirect.gather [hbm4b:s4+s5], $0x80, s14, s5, $0xb8;
	[tilespmem:$0x11000] =	vst v63  }
0xb8: {  	_ =	swait.ge [sflag:s11], $0x8000  }
0xb9: {  	[sflag:s11] =	ssyncset.done $0x0  }
0xba: {  	s0 =	rddreg [dreg:$0x7];
	[sflag:s11] =	ssyncadd.s32 $0xFFFF8000  }
0xbb: {  	[hbm4b:s0+s2] =	stream.linear.scatter [tilespmem:s7], [sflag:$0x4], $0x8000, $0x38;
	[tilespmem:$0x11000] =	vst v63  }
0xbc: {  	_ =	swait.ge [sflag:s12], $0x8000  }
0xbd: {  	[sflag:s12] =	ssyncset.done $0x0  }
0xbe: {  	[sflag:s12] =	ssyncadd.s32 $0xFFFF8000  }
0xbf: {  	[tilespmem:s7], [sflag:$0x2] =	stream.indirect.gather [hbm4b:s4+s5], $0x80, s15, s5, $0xb8;
	[tilespmem:$0x11000] =	vst v63  }
0xc0: {  	_ =	swait.ge [sflag:s8], $0x8000  }
0xc1: {  	[sflag:s8] =	ssyncset.done $0x0  }
0xc2: {  	s0 =	rddreg [dreg:$0x8];
	[sflag:s8] =	ssyncadd.s32 $0xFFFF8000  }
0xc3: {  	[hbm4b:s0+s2] =	stream.linear.scatter [tilespmem:s6], [sflag:$0x3], $0x8000, $0x38;
	[tilespmem:$0x11000] =	vst v63  }
0xc4: {  	_ =	swait.ge [sflag:s9], $0x8000  }
0xc5: {  	[sflag:s9] =	ssyncset.done $0x0  }
0xc6: {  	[sflag:s9] =	ssyncadd.s32 $0xFFFF8000  }
0xc7: {  	[tilespmem:s6], [sflag:$0x1] =	stream.indirect.gather [hbm4b:s4+s5], $0x80, s16, s5, $0xb8;
	[tilespmem:$0x11000] =	vst v63  }
0xc8: {  	_ =	swait.ge [sflag:s11], $0x8000  }
0xc9: {  	[sflag:s11] =	ssyncset.done $0x0  }
0xca: {  	s0 =	rddreg [dreg:$0x9];
	[sflag:s11] =	ssyncadd.s32 $0xFFFF8000  }
0xcb: {  	[hbm4b:s0+s2] =	stream.linear.scatter [tilespmem:s7], [sflag:$0x4], $0x8000, $0x38;
	[tilespmem:$0x11000] =	vst v63  }
0xcc: {  	_ =	swait.ge [sflag:s12], $0x8000  }
0xcd: {  	[sflag:s12] =	ssyncset.done $0x0  }
0xce: {  	[sflag:s12] =	ssyncadd.s32 $0xFFFF8000  }
0xcf: {  	[tilespmem:s7], [sflag:$0x2] =	stream.indirect.gather [hbm4b:s4+s5], $0x80, s17, s5, $0xb8;
	[tilespmem:$0x11000] =	vst v63  }
0xd0: {  	_ =	swait.ge [sflag:s8], $0x8000  }
0xd1: {  	[sflag:s8] =	ssyncset.done $0x0  }
0xd2: {  	s0 =	rddreg [dreg:$0xa];
	[sflag:s8] =	ssyncadd.s32 $0xFFFF8000  }
0xd3: {  	[hbm4b:s0+s2] =	stream.linear.scatter [tilespmem:s6], [sflag:$0x3], $0x8000, $0x38;
	[tilespmem:$0x11000] =	vst v63  }
0xd4: {  	_ =	swait.ge [sflag:s9], $0x8000  }
0xd5: {  	[sflag:s9] =	ssyncset.done $0x0  }
0xd6: {  	[sflag:s9] =	ssyncadd.s32 $0xFFFF8000  }
0xd7: {  	[tilespmem:s6], [sflag:$0x1] =	stream.indirect.gather [hbm4b:s4+s5], $0x80, s18, s5, $0xb8;
	[tilespmem:$0x11000] =	vst v63  }
0xd8: {  	_ =	swait.ge [sflag:s11], $0x8000  }
0xd9: {  	[sflag:s11] =	ssyncset.done $0x0  }
0xda: {  	s0 =	rddreg [dreg:$0xb];
	[sflag:s11] =	ssyncadd.s32 $0xFFFF8000  }
0xdb: {  	[hbm4b:s0+s2] =	stream.linear.scatter [tilespmem:s7], [sflag:$0x4], $0x8000, $0x38;
	[tilespmem:$0x11000] =	vst v63  }
0xdc: {  	_ =	swait.ge [sflag:s12], $0x8000  }
0xdd: {  	[sflag:s12] =	ssyncset.done $0x0  }
0xde: {  	[sflag:s12] =	ssyncadd.s32 $0xFFFF8000  }
0xdf: {  	[tilespmem:s7], [sflag:$0x2] =	stream.indirect.gather [hbm4b:s4+s5], $0x80, s19, s5, $0xb8;
	[tilespmem:$0x11000] =	vst v63  }
0xe0: {  	_ =	swait.ge [sflag:s8], $0x8000  }
0xe1: {  	[sflag:s8] =	ssyncset.done $0x0  }
0xe2: {  	s0 =	rddreg [dreg:$0xc];
	[sflag:s8] =	ssyncadd.s32 $0xFFFF8000  }
0xe3: {  	[hbm4b:s0+s2] =	stream.linear.scatter [tilespmem:s6], [sflag:$0x3], $0x8000, $0x38;
	[tilespmem:$0x11000] =	vst v63  }
0xe4: {  	_ =	swait.ge [sflag:s9], $0x8000  }
0xe5: {  	[sflag:s9] =	ssyncset.done $0x0  }
0xe6: {  	[sflag:s9] =	ssyncadd.s32 $0xFFFF8000  }
0xe7: {  	[tilespmem:s6], [sflag:$0x1] =	stream.indirect.gather [hbm4b:s4+s5], $0x80, s20, s5, $0xb8;
	[tilespmem:$0x11000] =	vst v63  }
0xe8: {  	_ =	swait.ge [sflag:s11], $0x8000  }
0xe9: {  	[sflag:s11] =	ssyncset.done $0x0  }
0xea: {  	s0 =	rddreg [dreg:$0xd];
	[sflag:s11] =	ssyncadd.s32 $0xFFFF8000  }
0xeb: {  	[hbm4b:s0+s2] =	stream.linear.scatter [tilespmem:s7], [sflag:$0x4], $0x8000, $0x38;
	[tilespmem:$0x11000] =	vst v63  }
0xec: {  	_ =	swait.ge [sflag:s12], $0x8000  }
0xed: {  	[sflag:s12] =	ssyncset.done $0x0  }
0xee: {  	[sflag:s12] =	ssyncadd.s32 $0xFFFF8000  }
0xef: {  	[tilespmem:s7], [sflag:$0x2] =	stream.indirect.gather [hbm4b:s4+s5], $0x80, s21, s5, $0xb8;
	[tilespmem:$0x11000] =	vst v63  }
0xf0: {  	_ =	swait.ge [sflag:s8], $0x8000  }
0xf1: {  	[sflag:s8] =	ssyncset.done $0x0  }
0xf2: {  	s0 =	rddreg [dreg:$0xe];
	[sflag:s8] =	ssyncadd.s32 $0xFFFF8000  }
0xf3: {  	[hbm4b:s0+s2] =	stream.linear.scatter [tilespmem:s6], [sflag:$0x3], $0x8000, $0x38;
	[tilespmem:$0x11000] =	vst v63  }
0xf4: {  	_ =	swait.ge [sflag:s9], $0x8000  }
0xf5: {  	[sflag:s9] =	ssyncset.done $0x0  }
0xf6: {  	[sflag:s9] =	ssyncadd.s32 $0xFFFF8000  }
0xf7: {  	[tilespmem:s6], [sflag:$0x1] =	stream.indirect.gather [hbm4b:s4+s5], $0x80, s22, s5, $0xb8;
	[tilespmem:$0x11000] =	vst v63  }
0xf8: {  	_ =	swait.ge [sflag:s11], $0x8000  }
0xf9: {  	[sflag:s11] =	ssyncset.done $0x0  }
0xfa: {  	[sflag:s11] =	ssyncadd.s32 $0xFFFF8000  }
0xfb: {  	[hbm4b:s23+s2] =	stream.linear.scatter [tilespmem:s7], [sflag:$0x4], $0x8000, $0x38;
	[tilespmem:$0x11000] =	vst v63  }
0xfc: {  	_ =	swait.ge [sflag:s12], $0x8000  }
0xfd: {  	[sflag:s12] =	ssyncset.done $0x0  }
0xfe: {  	[sflag:s12] =	ssyncadd.s32 $0xFFFF8000  }
0xff: {  	[tilespmem:s7], [sflag:$0x2] =	stream.indirect.gather [hbm4b:s4+s5], $0x80, s24, s5, $0xb8;
	[tilespmem:$0x11000] =	vst v63  }
0x100: {  	_ =	swait.ge [sflag:s8], $0x8000  }
0x101: {  	[sflag:s8] =	ssyncset.done $0x0  }
0x102: {  	[sflag:s8] =	ssyncadd.s32 $0xFFFF8000  }
0x103: {  	[hbm4b:s25+s2] =	stream.linear.scatter [tilespmem:s6], [sflag:$0x3], $0x8000, $0x38;
	[tilespmem:$0x11000] =	vst v63  }
0x104: {  	_ =	swait.ge [sflag:s9], $0x8000  }
0x105: {  	[sflag:s9] =	ssyncset.done $0x0  }
0x106: {  	[sflag:s9] =	ssyncadd.s32 $0xFFFF8000  }
0x107: {  	[tilespmem:s6], [sflag:$0x1] =	stream.indirect.gather [hbm4b:s4+s5], $0x80, s26, s5, $0xb8;
	[tilespmem:$0x11000] =	vst v63  }
0x108: {  	_ =	swait.ge [sflag:s11], $0x8000  }
0x109: {  	[sflag:s11] =	ssyncset.done $0x0  }
0x10a: {  	[sflag:s11] =	ssyncadd.s32 $0xFFFF8000  }
0x10b: {  	[hbm4b:s28+s2] =	stream.linear.scatter [tilespmem:s7], [sflag:$0x4], $0x8000, $0x38;
	[tilespmem:$0x11000] =	vst v63  }
0x10c: {  	_ =	swait.ge [sflag:s12], $0x8000  }
0x10d: {  	[sflag:s12] =	ssyncset.done $0x0  }
0x10e: {  	[sflag:s12] =	ssyncadd.s32 $0xFFFF8000  }
0x10f: {  	[tilespmem:s7], [sflag:$0x2] =	stream.indirect.gather [hbm4b:s4+s5], $0x80, s29, s5, $0xb8;
	[tilespmem:$0x11000] =	vst v63  }
0x110: {  	_ =	swait.ge [sflag:s8], $0x8000  }
0x111: {  	[sflag:s8] =	ssyncset.done $0x0  }
0x112: {  	[sflag:s8] =	ssyncadd.s32 $0xFFFF8000  }
0x113: {  	[hbm4b:s30+s2] =	stream.linear.scatter [tilespmem:s6], [sflag:$0x3], $0x8000, $0x38;
	[tilespmem:$0x11000] =	vst v63  }
0x114: {  	_ =	swait.ge [sflag:s11], $0x8000  }
0x115: {  	[sflag:s11] =	ssyncset.done $0x0  }
0x116: {  	p0 =	sne.s32 s1, $0x1;
	[sflag:s11] =	ssyncadd.s32 $0xFFFF8000  }
0x117: {  	[hbm4b:s31+s2] =	stream.linear.scatter [tilespmem:s7], [sflag:$0x4], $0x8000, $0x38;
	[tilespmem:$0x11000] =	vst v63  }
.Ltmp1:
0x118: {  	_ =	swait.ge [sflag:s9], $0x8000;
	(pc) =	sbr.rel @p0 .LBB2_1-.Ltmp1, $4  }
0x119: {  	[sflag:s9] =	ssyncset.done $0x0  }
0x11a: {  	[sflag:s9] =	ssyncadd.s32 $0xFFFF8000  }
0x11b: {  	_ =	swait.ge [sflag:s12], $0x8000  }
0x11c: {  	s1 =	sadd.s32 $0xFFFFFFFF, s1;
	[sflag:s12] =	ssyncset.done $0x0  }
.LBB2_2:
0x11d: {  	[sflag:s12] =	ssyncadd.s32 $0xFFFF8000  }
0x11e: {  	_ =	sfence.sel $0x180000  }
0x11f: {  	[bflag:$0x0] =	sbarrier.arrive $0xFFFF  }
0x120: {  	_ =	strace $0x90000047  }
0x121: {  	s0 =	stileid.u32;
	[bflag:$0x2] =	sbarrier.arrive $0xFFFF  }
0x122: {  	p0 =	sne.s32 s0, $0x0;
	s0 =	rddreg [dreg:$0x2]  }
0x123: {  	s0 =	sadd.s32 @!p0 $0x100000, s0  }
0x124: {  	[sflag:s0] =	ssyncadd.tile.s32 @!p0 $0x1;
	_ =	shalt  }
.Lfunc_end2:
_tile_overlayer_lowered:
.L_overlay_start_2:
0x125: {  	(tag) =	ssettag $0x2  }
0x126: {  	s0 =	rddreg [dreg:$0x0];
	s2 =	stileid.u32  }
0x127: {  	s1 =	rddreg [dreg:$0x1];
	p0 =	sne.s32 s2, $0x0  }
0x128: {  	s3 =	rddreg [dreg:$0x2];
	[bflag:$0x3] =	sbarrier.arrive $0xFFFF;
	s2 =	simm.s32 @!p0 $0x1C05  }
0x129: {  	[timem:s3], [sflag:s2] =	dma.local @!p0 [hbm:s0], s1  }
0x12a: {  	s0 =	simm.s32 @!p0 $0x5  }
0x12b: {  	_ =	swait.ge @!p0 [sflag:s0], s1  }
0x12c: {  	s1 =	ssub.s32 @!p0 $0x0, s1;
	[sflag:s0] =	ssyncset.done @!p0 $0x0  }
0x12d: {  	[sflag:s0] =	ssyncadd.s32 @!p0 s1  }
0x12e: {  	[bflag:$0x3] =	sbarrier.arrive $0xFFFF  }
0x12f: {  	_ =	shalt  }

</sc_bundles>
